<compile_context>
chip_gen: v7x
topology: tpu7x:2x2x1
jax: 0.10.2.dev20260603
libtpu: 0.0.44.dev20260713+nightly
codegen_flags: <defaults>
</compile_context>

<pallas_src>
import functools

import jax
import jax.numpy as jnp
from jax import lax
from jax.experimental import pallas as pl
from jax.experimental.pallas import tpu as pltpu
from jax.experimental.pallas import tpu_sc as plsc

NC, NS = 2, 16
NW = NC * NS
BATCH = 4096
SEQ = 200
D = 32
VOCAB = 1000000
VT = VOCAB // 128
BT = 4
NBATCH = VT // BT
BATCH_IT = NBATCH // NW + 1
GB = 512
NG = BATCH * SEQ // GB
NG_W = NG // NW
BQ = BATCH // GB


def _repack_body(wt_hbm, tail_hbm, tbl_hbm, blk_v, row_v, tail_v, sems):
    wid = lax.axis_index("s") * NC + lax.axis_index("c")
    i16 = lax.iota(jnp.int32, 16)
    es_vec = jnp.bitwise_and(i16, 7)
    e_lo = jnp.right_shift(i16, 3)

    def load_batch(bt, p):
        for E in range(4):
            pltpu.async_copy(
                wt_hbm.at[pl.ds(8 * E, 8), pl.ds(bt * 128 * BT, 128 * BT)],
                blk_v.at[p, E], sems.at[p])

    def wait_batch(p):
        for E in range(4):
            pltpu.make_async_copy(
                wt_hbm.at[pl.ds(0, 8), pl.ds(0, 128 * BT)],
                blk_v.at[p, 0], sems.at[p]).wait()

    def transform(p, nrows):
        def _t(r, carry):
            base = (r >> 5) * 128 + 4 * (r & 31)
            for k in range(8):
                ev = e_lo + 2 * (k & 1)
                vs = jnp.full((16,), 0, jnp.int32) + (base + (k >> 1))
                x = plsc.load_gather(blk_v.at[p], [ev, es_vec, vs])
                row_v[p, r, pl.ds(16 * k, 16)] = x
            return carry
        lax.fori_loop(0, nrows, _t, 0)

    def store_batch(bt, p, nrows):
        pltpu.async_copy(row_v.at[p, pl.ds(0, nrows)],
                         tbl_hbm.at[pl.ds(bt * 32 * BT, nrows)],
                         sems.at[2 + p])

    def wait_store(p):
        pltpu.make_async_copy(row_v.at[p], tbl_hbm.at[pl.ds(0, 32 * BT)],
                              sems.at[2 + p]).wait()

    for p in range(2):
        bt0 = p * NW + wid

        @pl.when(bt0 < NBATCH)
        def _(bt0=bt0, p=p):
            load_batch(bt0, p)

    def it_body(j, carry):
        for p in range(2):
            bt = (2 * j + p) * NW + wid
            nxt = bt + 2 * NW

            @pl.when(bt < NBATCH)
            def _(bt=bt, p=p, nxt=nxt):
                wait_batch(p)

                @pl.when(jnp.int32(2 * j + p) >= 2)
                def _():
                    wait_store(p)

                transform(p, 32 * BT)
                store_batch(bt, p, 32 * BT)

                @pl.when(nxt < NBATCH)
                def _():
                    load_batch(nxt, p)

        return carry

    lax.fori_loop(0, BATCH_IT // 2 + 1, it_body, 0)

    for p in range(2):
        wait_store(p)

    @pl.when(wid == 0)
    def _tail():
        pltpu.sync_copy(tail_hbm, tail_v)
        pltpu.sync_copy(tail_v, tbl_hbm.at[pl.ds(VT * 32, 16)])


def _lookup_body(idx_hbm, tbl_hbm, pos_hbm, out_hbm,
                 idx_v, rows_v, t_v, pos_v, gsem, wsem):
    wid = lax.axis_index("s") * NC + lax.axis_index("c")
    pltpu.sync_copy(pos_hbm, pos_v)
    i16 = lax.iota(jnp.int32, 16)
    es_vec = jnp.bitwise_and(i16, 7)
    e_hi = jnp.right_shift(i16, 3)

    def issue(gid, p):
        s = gid // BQ
        q = gid % BQ
        pltpu.sync_copy(idx_hbm.at[s, pl.ds(q * GB, GB)], idx_v.at[p])
        pltpu.async_copy(tbl_hbm.at[idx_v.at[p]], rows_v.at[p], gsem.at[p])

    def wait_gather(p):
        pltpu.make_async_copy(tbl_hbm.at[idx_v.at[p]], rows_v.at[p],
                              gsem.at[p]).wait()

    for p in range(2):
        issue(wid * NG_W + p, p)

    def g_body(g, carry):
        for p in range(2):
            j = 2 * g + p
            gid = wid * NG_W + j
            s = gid // BQ
            q = gid % BQ
            wait_gather(p)

            @pl.when(jnp.int32(j) >= 2)
            def _():
                pltpu.make_async_copy(
                    t_v.at[p], out_hbm.at[0, :, pl.ds(0, 4)],
                    wsem.at[p]).wait()

            p0 = pos_v[s, 0:16]
            p1 = pos_v[s, 16:32]

            def _t(t, carry):
                x0 = rows_v[p, t, 0:16] + p0
                x1 = rows_v[p, t, 16:32] + p1
                bq_i = jnp.full((16,), 0, jnp.int32) + (t >> 7)
                bs_i = jnp.full((16,), 0, jnp.int32) + (t & 127)
                plsc.store_scatter(t_v.at[p], [e_hi, bq_i, es_vec, bs_i], x0)
                plsc.store_scatter(t_v.at[p], [2 + e_hi, bq_i, es_vec, bs_i],
                                   x1)
                return carry
            lax.fori_loop(0, GB, _t, 0)

            pltpu.async_copy(t_v.at[p], out_hbm.at[s, :, pl.ds(q * 4, 4)],
                             wsem.at[p])

            @pl.when(jnp.int32(j) + 2 < NG_W)
            def _():
                issue(gid + 2, p)

        return carry

    lax.fori_loop(0, NG_W // 2, g_body, 0)
    for p in range(2):
        pltpu.make_async_copy(t_v.at[p], out_hbm.at[0, :, pl.ds(0, 4)],
                              wsem.at[p]).wait()


def kernel(inputs, word_table, pos_table):
    mesh = plsc.VectorSubcoreMesh(core_axis_name="c", subcore_axis_name="s")
    k1 = pl.kernel(
        _repack_body,
        out_type=jax.ShapeDtypeStruct((VOCAB // 4, 128), jnp.float32),
        mesh=mesh,
        scratch_types=[
            pltpu.VMEM((2, 4, 8, 128 * BT), jnp.float32),
            pltpu.VMEM((2, 32 * BT, 128), jnp.float32),
            pltpu.VMEM((16, 128), jnp.float32),
            pltpu.SemaphoreType.DMA((4,)),
        ],
        compiler_params=pltpu.CompilerParams(
            use_tc_tiling_on_sc=True, needs_layout_passes=False),
    )
    tail = lax.slice(word_table, (VT * 128, 0), (VOCAB, D)).reshape(16, 128)
    tbl = k1(word_table.T, tail).reshape(VOCAB, D)

    k2 = pl.kernel(
        _lookup_body,
        out_type=jax.ShapeDtypeStruct((SEQ, 4, BATCH // 128, 8, 128),
                                      jnp.float32),
        mesh=mesh,
        scratch_types=[
            pltpu.VMEM((2, GB), jnp.int32),
            pltpu.VMEM((2, GB, D), jnp.float32),
            pltpu.VMEM((2, 4, 4, 8, 128), jnp.float32),
            pltpu.VMEM((SEQ, D), jnp.float32),
            pltpu.SemaphoreType.DMA((2,)),
            pltpu.SemaphoreType.DMA((2,)),
        ],
        compiler_params=pltpu.CompilerParams(
            use_tc_tiling_on_sc=False, needs_layout_passes=False),
    )
    out5 = k2(inputs.T.astype(jnp.int32), tbl, pos_table)
    return out5.transpose(2, 4, 0, 1, 3).reshape(BATCH, SEQ, D)

# --- scband reference (transcript-rebuilt; emitter-appended) ---
"""Pipeline reference for scband-position-embedding-layer-30262339567948 (READ-ONLY COPY).

The authoritative reference and input builder live on the scoring server;
editing this copy changes nothing except your own understanding.
"""

import jax, jax.numpy as jnp
import numpy as np

VOCAB_SIZE = 1000000
SEQ_LEN = 200
EMBED_DIM = 32
BATCH = 4096

def setup_inputs(seed: int = 0) -> dict:
    key = jax.random.key(seed)
    k1, k2, k3 = jax.random.split(key, 3)
    inputs = jax.random.randint(k1, (BATCH, SEQ_LEN), 0, VOCAB_SIZE, dtype=jnp.int64 if jax.config.jax_enable_x64 else jnp.int32)
    word_table = jax.random.uniform(k2, (VOCAB_SIZE, EMBED_DIM), dtype=jnp.float32, minval=-0.05, maxval=0.05)
    pos_table = jax.random.uniform(k3, (SEQ_LEN, EMBED_DIM), dtype=jnp.float32, minval=-0.05, maxval=0.05)
    return {"inputs": inputs, "word_table": word_table, "pos_table": pos_table}

def reference(inputs, word_table, pos_table):
    # PositionEmbeddingLayer.call:
    # position_indices = range(inputs.shape[-1])
    # embedded_words = word_embedding(inputs)
    # embedded_indices = position_embedding(position_indices)
    # return embedded_words + embedded_indices
    seq_len = inputs.shape[-1]
    position_indices = jnp.arange(seq_len)
    embedded_words = jnp.take(word_table, inputs, axis=0)
    embedded_indices = jnp.take(pos_table, position_indices, axis=0)
    return embedded_words + embedded_indices

if __name__ == "__main__":
    import jax
    _d = setup_inputs()
    print(jax.jit(kernel)(*tuple(_d.values())))

</pallas_src>

<mosaic_0001>
#map = affine_map<(d0, d1) -> (0, 0)>
module attributes {stable_mosaic.version = 14 : i64} {
  func.func @_repack_body(%arg0: i32, %arg1: i32, %arg2: memref<32x1000000xf32, #tpu.memory_space<hbm>>, %arg3: memref<16x128xf32, #tpu.memory_space<hbm>>, %arg4: memref<250000x128xf32, #tpu.memory_space<hbm>>, %arg5: memref<2x4x8x512xf32, #tpu.memory_space<vmem>>, %arg6: memref<2x128x128xf32, #tpu.memory_space<vmem>>, %arg7: memref<16x128xf32, #tpu.memory_space<vmem>>, %arg8: memref<4x!tpu.dma_semaphore, #tpu.memory_space<semaphore_mem>>) attributes {dimension_semantics = [#tpu.dimension_semantics<core_parallel>, #tpu.dimension_semantics<subcore_parallel>], iteration_bounds = array<i64: 2, 16>, scalar_prefetch = 0 : i64, scratch_operands = 4 : i64, tpu.core_type = #tpu.core_type<sc_vector_subcore>, window_params = [{transform_indices = #map}, {transform_indices = #map}, {transform_indices = #map}]} {
    %mul3A = arith.constant 2 : i32
    %mul3A_0 = arith.muli %arg1, %mul3A : i32
    %add3A = arith.addi %mul3A_0, %arg0 : i32
    %iota3A = tpu.iota {dimensions = array<i32: 0>} : vector<16xi32>
    %and3A = arith.constant 7 : i32
    %and3A_1 = vector.broadcast %and3A : i32 to vector<16xi32>
    %and3A_2 = arith.andi %iota3A, %and3A_1 : vector<16xi32>
    %shift_right_arithmetic3A = arith.constant 3 : i32
    %shift_right_arithmetic3A_3 = vector.broadcast %shift_right_arithmetic3A : i32 to vector<16xi32>
    %shift_right_arithmetic3A_4 = arith.shrsi %iota3A, %shift_right_arithmetic3A_3 : vector<16xi32>
    %add3A_5 = arith.constant 0 : i32
    %add3A_6 = arith.addi %add3A_5, %add3A : i32
    %lt3A = arith.constant 1953 : i32
    %lt3A_7 = arith.cmpi slt, %add3A_6, %lt3A : i32
    %convert_element_type3A = arith.extui %lt3A_7 : i1 to i32
    %cond3A = arith.constant 0 : i32
    %cond3A_8 = arith.cmpi ne, %convert_element_type3A, %cond3A : i32
    scf.if %cond3A_8 {
      %mul3A_60 = arith.constant 128 : i32
      %mul3A_61 = arith.muli %add3A_6, %mul3A_60 : i32
      %mul3A_62 = arith.constant 4 : i32
      %mul3A_63 = arith.muli %mul3A_61, %mul3A_62 : i32
      %dma_start3A = arith.constant 0 : i32
      %dma_start3A_64 = arith.constant 0 : i32
      %dma_start3A_65 = arith.constant 0 : i32
      %dma_start3A_66 = arith.constant 0 : i32
      %dma_start3A_67 = arith.constant 0 : i32
      %dma_start3A_68 = tpu.memref_slice %arg5[%dma_start3A, %dma_start3A_64, %dma_start3A_66, %dma_start3A_67] : memref<2x4x8x512xf32, #tpu.memory_space<vmem>> -> memref<1x1x8x512xf32, #tpu.memory_space<vmem>>
      %dma_start3A_69 = tpu.memref_squeeze %dma_start3A_68 : memref<1x1x8x512xf32, #tpu.memory_space<vmem>> -> memref<8x512xf32, #tpu.memory_space<vmem>>
      %dma_start3A_70 = arith.constant 0 : i32
      %dma_start3A_71 = tpu.memref_slice %arg2[%dma_start3A_70, %mul3A_63] : memref<32x1000000xf32, #tpu.memory_space<hbm>> -> memref<8x512xf32, #tpu.memory_space<hbm>>
      %dma_start3A_72 = tpu.memref_slice %arg8[%dma_start3A_65] : memref<4x!tpu.dma_semaphore, #tpu.memory_space<semaphore_mem>> -> memref<1x!tpu.dma_semaphore, #tpu.memory_space<semaphore_mem>>
      %dma_start3A_73 = tpu.memref_squeeze %dma_start3A_72 : memref<1x!tpu.dma_semaphore, #tpu.memory_space<semaphore_mem>> -> memref<!tpu.dma_semaphore, #tpu.memory_space<semaphore_mem>>
      %dma_start3A_74 = arith.constant 0 : i32
      %dma_start3A_75 = arith.constant 0 : i32
      %dma_start3A_76 = tpu.memref_slice %arg5[%dma_start3A, %dma_start3A_64, %dma_start3A_74, %dma_start3A_75] : memref<2x4x8x512xf32, #tpu.memory_space<vmem>> -> memref<1x1x8x512xf32, #tpu.memory_space<vmem>>
      %dma_start3A_77 = tpu.memref_squeeze %dma_start3A_76 : memref<1x1x8x512xf32, #tpu.memory_space<vmem>> -> memref<8x512xf32, #tpu.memory_space<vmem>>
      %dma_start3A_78 = arith.constant 0 : i32
      %dma_start3A_79 = tpu.memref_slice %arg2[%dma_start3A_78, %mul3A_63] : memref<32x1000000xf32, #tpu.memory_space<hbm>> -> memref<8x512xf32, #tpu.memory_space<hbm>>
      tpu.enqueue_dma source(%dma_start3A_79 : memref<8x512xf32, #tpu.memory_space<hbm>>) target(%dma_start3A_77 : memref<8x512xf32, #tpu.memory_space<vmem>>) target_semaphore(%dma_start3A_73 : memref<!tpu.dma_semaphore, #tpu.memory_space<semaphore_mem>>)
      %mul3A_80 = arith.constant 128 : i32
      %mul3A_81 = arith.muli %add3A_6, %mul3A_80 : i32
      %mul3A_82 = arith.constant 4 : i32
      %mul3A_83 = arith.muli %mul3A_81, %mul3A_82 : i32
      %dma_start3A_84 = arith.constant 0 : i32
      %dma_start3A_85 = arith.constant 1 : i32
      %dma_start3A_86 = arith.constant 0 : i32
      %dma_start3A_87 = arith.constant 0 : i32
      %dma_start3A_88 = arith.constant 0 : i32
      %dma_start3A_89 = tpu.memref_slice %arg5[%dma_start3A_84, %dma_start3A_85, %dma_start3A_87, %dma_start3A_88] : memref<2x4x8x512xf32, #tpu.memory_space<vmem>> -> memref<1x1x8x512xf32, #tpu.memory_space<vmem>>
      %dma_start3A_90 = tpu.memref_squeeze %dma_start3A_89 : memref<1x1x8x512xf32, #tpu.memory_space<vmem>> -> memref<8x512xf32, #tpu.memory_space<vmem>>
      %dma_start3A_91 = arith.constant 8 : i32
      %dma_start3A_92 = tpu.memref_slice %arg2[%dma_start3A_91, %mul3A_83] : memref<32x1000000xf32, #tpu.memory_space<hbm>> -> memref<8x512xf32, #tpu.memory_space<hbm>>
      %dma_start3A_93 = tpu.memref_slice %arg8[%dma_start3A_86] : memref<4x!tpu.dma_semaphore, #tpu.memory_space<semaphore_mem>> -> memref<1x!tpu.dma_semaphore, #tpu.memory_space<semaphore_mem>>
      %dma_start3A_94 = tpu.memref_squeeze %dma_start3A_93 : memref<1x!tpu.dma_semaphore, #tpu.memory_space<semaphore_mem>> -> memref<!tpu.dma_semaphore, #tpu.memory_space<semaphore_mem>>
      %dma_start3A_95 = arith.constant 0 : i32
      %dma_start3A_96 = arith.constant 0 : i32
      %dma_start3A_97 = tpu.memref_slice %arg5[%dma_start3A_84, %dma_start3A_85, %dma_start3A_95, %dma_start3A_96] : memref<2x4x8x512xf32, #tpu.memory_space<vmem>> -> memref<1x1x8x512xf32, #tpu.memory_space<vmem>>
      %dma_start3A_98 = tpu.memref_squeeze %dma_start3A_97 : memref<1x1x8x512xf32, #tpu.memory_space<vmem>> -> memref<8x512xf32, #tpu.memory_space<vmem>>
      %dma_start3A_99 = arith.constant 8 : i32
      %dma_start3A_100 = tpu.memref_slice %arg2[%dma_start3A_99, %mul3A_83] : memref<32x1000000xf32, #tpu.memory_space<hbm>> -> memref<8x512xf32, #tpu.memory_space<hbm>>
      tpu.enqueue_dma source(%dma_start3A_100 : memref<8x512xf32, #tpu.memory_space<hbm>>) target(%dma_start3A_98 : memref<8x512xf32, #tpu.memory_space<vmem>>) target_semaphore(%dma_start3A_94 : memref<!tpu.dma_semaphore, #tpu.memory_space<semaphore_mem>>)
      %mul3A_101 = arith.constant 128 : i32
      %mul3A_102 = arith.muli %add3A_6, %mul3A_101 : i32
      %mul3A_103 = arith.constant 4 : i32
      %mul3A_104 = arith.muli %mul3A_102, %mul3A_103 : i32
      %dma_start3A_105 = arith.constant 0 : i32
      %dma_start3A_106 = arith.constant 2 : i32
      %dma_start3A_107 = arith.constant 0 : i32
      %dma_start3A_108 = arith.constant 0 : i32
      %dma_start3A_109 = arith.constant 0 : i32
      %dma_start3A_110 = tpu.memref_slice %arg5[%dma_start3A_105, %dma_start3A_106, %dma_start3A_108, %dma_start3A_109] : memref<2x4x8x512xf32, #tpu.memory_space<vmem>> -> memref<1x1x8x512xf32, #tpu.memory_space<vmem>>
      %dma_start3A_111 = tpu.memref_squeeze %dma_start3A_110 : memref<1x1x8x512xf32, #tpu.memory_space<vmem>> -> memref<8x512xf32, #tpu.memory_space<vmem>>
      %dma_start3A_112 = arith.constant 16 : i32
      %dma_start3A_113 = tpu.memref_slice %arg2[%dma_start3A_112, %mul3A_104] : memref<32x1000000xf32, #tpu.memory_space<hbm>> -> memref<8x512xf32, #tpu.memory_space<hbm>>
      %dma_start3A_114 = tpu.memref_slice %arg8[%dma_start3A_107] : memref<4x!tpu.dma_semaphore, #tpu.memory_space<semaphore_mem>> -> memref<1x!tpu.dma_semaphore, #tpu.memory_space<semaphore_mem>>
      %dma_start3A_115 = tpu.memref_squeeze %dma_start3A_114 : memref<1x!tpu.dma_semaphore, #tpu.memory_space<semaphore_mem>> -> memref<!tpu.dma_semaphore, #tpu.memory_space<semaphore_mem>>
      %dma_start3A_116 = arith.constant 0 : i32
      %dma_start3A_117 = arith.constant 0 : i32
      %dma_start3A_118 = tpu.memref_slice %arg5[%dma_start3A_105, %dma_start3A_106, %dma_start3A_116, %dma_start3A_117] : memref<2x4x8x512xf32, #tpu.memory_space<vmem>> -> memref<1x1x8x512xf32, #tpu.memory_space<vmem>>
      %dma_start3A_119 = tpu.memref_squeeze %dma_start3A_118 : memref<1x1x8x512xf32, #tpu.memory_space<vmem>> -> memref<8x512xf32, #tpu.memory_space<vmem>>
      %dma_start3A_120 = arith.constant 16 : i32
      %dma_start3A_121 = tpu.memref_slice %arg2[%dma_start3A_120, %mul3A_104] : memref<32x1000000xf32, #tpu.memory_space<hbm>> -> memref<8x512xf32, #tpu.memory_space<hbm>>
      tpu.enqueue_dma source(%dma_start3A_121 : memref<8x512xf32, #tpu.memory_space<hbm>>) target(%dma_start3A_119 : memref<8x512xf32, #tpu.memory_space<vmem>>) target_semaphore(%dma_start3A_115 : memref<!tpu.dma_semaphore, #tpu.memory_space<semaphore_mem>>)
      %mul3A_122 = arith.constant 128 : i32
      %mul3A_123 = arith.muli %add3A_6, %mul3A_122 : i32
      %mul3A_124 = arith.constant 4 : i32
      %mul3A_125 = arith.muli %mul3A_123, %mul3A_124 : i32
      %dma_start3A_126 = arith.constant 0 : i32
      %dma_start3A_127 = arith.constant 3 : i32
      %dma_start3A_128 = arith.constant 0 : i32
      %dma_start3A_129 = arith.constant 0 : i32
      %dma_start3A_130 = arith.constant 0 : i32
      %dma_start3A_131 = tpu.memref_slice %arg5[%dma_start3A_126, %dma_start3A_127, %dma_start3A_129, %dma_start3A_130] : memref<2x4x8x512xf32, #tpu.memory_space<vmem>> -> memref<1x1x8x512xf32, #tpu.memory_space<vmem>>
      %dma_start3A_132 = tpu.memref_squeeze %dma_start3A_131 : memref<1x1x8x512xf32, #tpu.memory_space<vmem>> -> memref<8x512xf32, #tpu.memory_space<vmem>>
      %dma_start3A_133 = arith.constant 24 : i32
      %dma_start3A_134 = tpu.memref_slice %arg2[%dma_start3A_133, %mul3A_125] : memref<32x1000000xf32, #tpu.memory_space<hbm>> -> memref<8x512xf32, #tpu.memory_space<hbm>>
      %dma_start3A_135 = tpu.memref_slice %arg8[%dma_start3A_128] : memref<4x!tpu.dma_semaphore, #tpu.memory_space<semaphore_mem>> -> memref<1x!tpu.dma_semaphore, #tpu.memory_space<semaphore_mem>>
      %dma_start3A_136 = tpu.memref_squeeze %dma_start3A_135 : memref<1x!tpu.dma_semaphore, #tpu.memory_space<semaphore_mem>> -> memref<!tpu.dma_semaphore, #tpu.memory_space<semaphore_mem>>
      %dma_start3A_137 = arith.constant 0 : i32
      %dma_start3A_138 = arith.constant 0 : i32
      %dma_start3A_139 = tpu.memref_slice %arg5[%dma_start3A_126, %dma_start3A_127, %dma_start3A_137, %dma_start3A_138] : memref<2x4x8x512xf32, #tpu.memory_space<vmem>> -> memref<1x1x8x512xf32, #tpu.memory_space<vmem>>
      %dma_start3A_140 = tpu.memref_squeeze %dma_start3A_139 : memref<1x1x8x512xf32, #tpu.memory_space<vmem>> -> memref<8x512xf32, #tpu.memory_space<vmem>>
      %dma_start3A_141 = arith.constant 24 : i32
      %dma_start3A_142 = tpu.memref_slice %arg2[%dma_start3A_141, %mul3A_125] : memref<32x1000000xf32, #tpu.memory_space<hbm>> -> memref<8x512xf32, #tpu.memory_space<hbm>>
      tpu.enqueue_dma source(%dma_start3A_142 : memref<8x512xf32, #tpu.memory_space<hbm>>) target(%dma_start3A_140 : memref<8x512xf32, #tpu.memory_space<vmem>>) target_semaphore(%dma_start3A_136 : memref<!tpu.dma_semaphore, #tpu.memory_space<semaphore_mem>>)
    } else {
    }
    %add3A_9 = arith.constant 32 : i32
    %add3A_10 = arith.addi %add3A_9, %add3A : i32
    %lt3A_11 = arith.constant 1953 : i32
    %lt3A_12 = arith.cmpi slt, %add3A_10, %lt3A_11 : i32
    %convert_element_type3A_13 = arith.extui %lt3A_12 : i1 to i32
    %cond3A_14 = arith.constant 0 : i32
    %cond3A_15 = arith.cmpi ne, %convert_element_type3A_13, %cond3A_14 : i32
    scf.if %cond3A_15 {
      %mul3A_60 = arith.constant 128 : i32
      %mul3A_61 = arith.muli %add3A_10, %mul3A_60 : i32
      %mul3A_62 = arith.constant 4 : i32
      %mul3A_63 = arith.muli %mul3A_61, %mul3A_62 : i32
      %dma_start3A = arith.constant 1 : i32
      %dma_start3A_64 = arith.constant 0 : i32
      %dma_start3A_65 = arith.constant 1 : i32
      %dma_start3A_66 = arith.constant 0 : i32
      %dma_start3A_67 = arith.constant 0 : i32
      %dma_start3A_68 = tpu.memref_slice %arg5[%dma_start3A, %dma_start3A_64, %dma_start3A_66, %dma_start3A_67] : memref<2x4x8x512xf32, #tpu.memory_space<vmem>> -> memref<1x1x8x512xf32, #tpu.memory_space<vmem>>
      %dma_start3A_69 = tpu.memref_squeeze %dma_start3A_68 : memref<1x1x8x512xf32, #tpu.memory_space<vmem>> -> memref<8x512xf32, #tpu.memory_space<vmem>>
      %dma_start3A_70 = arith.constant 0 : i32
      %dma_start3A_71 = tpu.memref_slice %arg2[%dma_start3A_70, %mul3A_63] : memref<32x1000000xf32, #tpu.memory_space<hbm>> -> memref<8x512xf32, #tpu.memory_space<hbm>>
      %dma_start3A_72 = tpu.memref_slice %arg8[%dma_start3A_65] : memref<4x!tpu.dma_semaphore, #tpu.memory_space<semaphore_mem>> -> memref<1x!tpu.dma_semaphore, #tpu.memory_space<semaphore_mem>>
      %dma_start3A_73 = tpu.memref_squeeze %dma_start3A_72 : memref<1x!tpu.dma_semaphore, #tpu.memory_space<semaphore_mem>> -> memref<!tpu.dma_semaphore, #tpu.memory_space<semaphore_mem>>
      %dma_start3A_74 = arith.constant 0 : i32
      %dma_start3A_75 = arith.constant 0 : i32
      %dma_start3A_76 = tpu.memref_slice %arg5[%dma_start3A, %dma_start3A_64, %dma_start3A_74, %dma_start3A_75] : memref<2x4x8x512xf32, #tpu.memory_space<vmem>> -> memref<1x1x8x512xf32, #tpu.memory_space<vmem>>
      %dma_start3A_77 = tpu.memref_squeeze %dma_start3A_76 : memref<1x1x8x512xf32, #tpu.memory_space<vmem>> -> memref<8x512xf32, #tpu.memory_space<vmem>>
      %dma_start3A_78 = arith.constant 0 : i32
      %dma_start3A_79 = tpu.memref_slice %arg2[%dma_start3A_78, %mul3A_63] : memref<32x1000000xf32, #tpu.memory_space<hbm>> -> memref<8x512xf32, #tpu.memory_space<hbm>>
      tpu.enqueue_dma source(%dma_start3A_79 : memref<8x512xf32, #tpu.memory_space<hbm>>) target(%dma_start3A_77 : memref<8x512xf32, #tpu.memory_space<vmem>>) target_semaphore(%dma_start3A_73 : memref<!tpu.dma_semaphore, #tpu.memory_space<semaphore_mem>>)
      %mul3A_80 = arith.constant 128 : i32
      %mul3A_81 = arith.muli %add3A_10, %mul3A_80 : i32
      %mul3A_82 = arith.constant 4 : i32
      %mul3A_83 = arith.muli %mul3A_81, %mul3A_82 : i32
      %dma_start3A_84 = arith.constant 1 : i32
      %dma_start3A_85 = arith.constant 1 : i32
      %dma_start3A_86 = arith.constant 1 : i32
      %dma_start3A_87 = arith.constant 0 : i32
      %dma_start3A_88 = arith.constant 0 : i32
      %dma_start3A_89 = tpu.memref_slice %arg5[%dma_start3A_84, %dma_start3A_85, %dma_start3A_87, %dma_start3A_88] : memref<2x4x8x512xf32, #tpu.memory_space<vmem>> -> memref<1x1x8x512xf32, #tpu.memory_space<vmem>>
      %dma_start3A_90 = tpu.memref_squeeze %dma_start3A_89 : memref<1x1x8x512xf32, #tpu.memory_space<vmem>> -> memref<8x512xf32, #tpu.memory_space<vmem>>
      %dma_start3A_91 = arith.constant 8 : i32
      %dma_start3A_92 = tpu.memref_slice %arg2[%dma_start3A_91, %mul3A_83] : memref<32x1000000xf32, #tpu.memory_space<hbm>> -> memref<8x512xf32, #tpu.memory_space<hbm>>
      %dma_start3A_93 = tpu.memref_slice %arg8[%dma_start3A_86] : memref<4x!tpu.dma_semaphore, #tpu.memory_space<semaphore_mem>> -> memref<1x!tpu.dma_semaphore, #tpu.memory_space<semaphore_mem>>
      %dma_start3A_94 = tpu.memref_squeeze %dma_start3A_93 : memref<1x!tpu.dma_semaphore, #tpu.memory_space<semaphore_mem>> -> memref<!tpu.dma_semaphore, #tpu.memory_space<semaphore_mem>>
      %dma_start3A_95 = arith.constant 0 : i32
      %dma_start3A_96 = arith.constant 0 : i32
      %dma_start3A_97 = tpu.memref_slice %arg5[%dma_start3A_84, %dma_start3A_85, %dma_start3A_95, %dma_start3A_96] : memref<2x4x8x512xf32, #tpu.memory_space<vmem>> -> memref<1x1x8x512xf32, #tpu.memory_space<vmem>>
      %dma_start3A_98 = tpu.memref_squeeze %dma_start3A_97 : memref<1x1x8x512xf32, #tpu.memory_space<vmem>> -> memref<8x512xf32, #tpu.memory_space<vmem>>
      %dma_start3A_99 = arith.constant 8 : i32
      %dma_start3A_100 = tpu.memref_slice %arg2[%dma_start3A_99, %mul3A_83] : memref<32x1000000xf32, #tpu.memory_space<hbm>> -> memref<8x512xf32, #tpu.memory_space<hbm>>
      tpu.enqueue_dma source(%dma_start3A_100 : memref<8x512xf32, #tpu.memory_space<hbm>>) target(%dma_start3A_98 : memref<8x512xf32, #tpu.memory_space<vmem>>) target_semaphore(%dma_start3A_94 : memref<!tpu.dma_semaphore, #tpu.memory_space<semaphore_mem>>)
      %mul3A_101 = arith.constant 128 : i32
      %mul3A_102 = arith.muli %add3A_10, %mul3A_101 : i32
      %mul3A_103 = arith.constant 4 : i32
      %mul3A_104 = arith.muli %mul3A_102, %mul3A_103 : i32
      %dma_start3A_105 = arith.constant 1 : i32
      %dma_start3A_106 = arith.constant 2 : i32
      %dma_start3A_107 = arith.constant 1 : i32
      %dma_start3A_108 = arith.constant 0 : i32
      %dma_start3A_109 = arith.constant 0 : i32
      %dma_start3A_110 = tpu.memref_slice %arg5[%dma_start3A_105, %dma_start3A_106, %dma_start3A_108, %dma_start3A_109] : memref<2x4x8x512xf32, #tpu.memory_space<vmem>> -> memref<1x1x8x512xf32, #tpu.memory_space<vmem>>
      %dma_start3A_111 = tpu.memref_squeeze %dma_start3A_110 : memref<1x1x8x512xf32, #tpu.memory_space<vmem>> -> memref<8x512xf32, #tpu.memory_space<vmem>>
      %dma_start3A_112 = arith.constant 16 : i32
      %dma_start3A_113 = tpu.memref_slice %arg2[%dma_start3A_112, %mul3A_104] : memref<32x1000000xf32, #tpu.memory_space<hbm>> -> memref<8x512xf32, #tpu.memory_space<hbm>>
      %dma_start3A_114 = tpu.memref_slice %arg8[%dma_start3A_107] : memref<4x!tpu.dma_semaphore, #tpu.memory_space<semaphore_mem>> -> memref<1x!tpu.dma_semaphore, #tpu.memory_space<semaphore_mem>>
      %dma_start3A_115 = tpu.memref_squeeze %dma_start3A_114 : memref<1x!tpu.dma_semaphore, #tpu.memory_space<semaphore_mem>> -> memref<!tpu.dma_semaphore, #tpu.memory_space<semaphore_mem>>
      %dma_start3A_116 = arith.constant 0 : i32
      %dma_start3A_117 = arith.constant 0 : i32
      %dma_start3A_118 = tpu.memref_slice %arg5[%dma_start3A_105, %dma_start3A_106, %dma_start3A_116, %dma_start3A_117] : memref<2x4x8x512xf32, #tpu.memory_space<vmem>> -> memref<1x1x8x512xf32, #tpu.memory_space<vmem>>
      %dma_start3A_119 = tpu.memref_squeeze %dma_start3A_118 : memref<1x1x8x512xf32, #tpu.memory_space<vmem>> -> memref<8x512xf32, #tpu.memory_space<vmem>>
      %dma_start3A_120 = arith.constant 16 : i32
      %dma_start3A_121 = tpu.memref_slice %arg2[%dma_start3A_120, %mul3A_104] : memref<32x1000000xf32, #tpu.memory_space<hbm>> -> memref<8x512xf32, #tpu.memory_space<hbm>>
      tpu.enqueue_dma source(%dma_start3A_121 : memref<8x512xf32, #tpu.memory_space<hbm>>) target(%dma_start3A_119 : memref<8x512xf32, #tpu.memory_space<vmem>>) target_semaphore(%dma_start3A_115 : memref<!tpu.dma_semaphore, #tpu.memory_space<semaphore_mem>>)
      %mul3A_122 = arith.constant 128 : i32
      %mul3A_123 = arith.muli %add3A_10, %mul3A_122 : i32
      %mul3A_124 = arith.constant 4 : i32
      %mul3A_125 = arith.muli %mul3A_123, %mul3A_124 : i32
      %dma_start3A_126 = arith.constant 1 : i32
      %dma_start3A_127 = arith.constant 3 : i32
      %dma_start3A_128 = arith.constant 1 : i32
      %dma_start3A_129 = arith.constant 0 : i32
      %dma_start3A_130 = arith.constant 0 : i32
      %dma_start3A_131 = tpu.memref_slice %arg5[%dma_start3A_126, %dma_start3A_127, %dma_start3A_129, %dma_start3A_130] : memref<2x4x8x512xf32, #tpu.memory_space<vmem>> -> memref<1x1x8x512xf32, #tpu.memory_space<vmem>>
      %dma_start3A_132 = tpu.memref_squeeze %dma_start3A_131 : memref<1x1x8x512xf32, #tpu.memory_space<vmem>> -> memref<8x512xf32, #tpu.memory_space<vmem>>
      %dma_start3A_133 = arith.constant 24 : i32
      %dma_start3A_134 = tpu.memref_slice %arg2[%dma_start3A_133, %mul3A_125] : memref<32x1000000xf32, #tpu.memory_space<hbm>> -> memref<8x512xf32, #tpu.memory_space<hbm>>
      %dma_start3A_135 = tpu.memref_slice %arg8[%dma_start3A_128] : memref<4x!tpu.dma_semaphore, #tpu.memory_space<semaphore_mem>> -> memref<1x!tpu.dma_semaphore, #tpu.memory_space<semaphore_mem>>
      %dma_start3A_136 = tpu.memref_squeeze %dma_start3A_135 : memref<1x!tpu.dma_semaphore, #tpu.memory_space<semaphore_mem>> -> memref<!tpu.dma_semaphore, #tpu.memory_space<semaphore_mem>>
      %dma_start3A_137 = arith.constant 0 : i32
      %dma_start3A_138 = arith.constant 0 : i32
      %dma_start3A_139 = tpu.memref_slice %arg5[%dma_start3A_126, %dma_start3A_127, %dma_start3A_137, %dma_start3A_138] : memref<2x4x8x512xf32, #tpu.memory_space<vmem>> -> memref<1x1x8x512xf32, #tpu.memory_space<vmem>>
      %dma_start3A_140 = tpu.memref_squeeze %dma_start3A_139 : memref<1x1x8x512xf32, #tpu.memory_space<vmem>> -> memref<8x512xf32, #tpu.memory_space<vmem>>
      %dma_start3A_141 = arith.constant 24 : i32
      %dma_start3A_142 = tpu.memref_slice %arg2[%dma_start3A_141, %mul3A_125] : memref<32x1000000xf32, #tpu.memory_space<hbm>> -> memref<8x512xf32, #tpu.memory_space<hbm>>
      tpu.enqueue_dma source(%dma_start3A_142 : memref<8x512xf32, #tpu.memory_space<hbm>>) target(%dma_start3A_140 : memref<8x512xf32, #tpu.memory_space<vmem>>) target_semaphore(%dma_start3A_136 : memref<!tpu.dma_semaphore, #tpu.memory_space<semaphore_mem>>)
    } else {
    }
    %scan3A = arith.constant 0 : i32
    %scan3A_16 = arith.constant 0 : i32
    %scan3A_17 = arith.constant 32 : i32
    %scan3A_18 = arith.addi %scan3A_16, %scan3A_17 : i32
    %scan3A_19 = arith.constant 1 : i32
    scf.for %scan3A_60 = %scan3A_16 to %scan3A_18 step %scan3A_19  : i32 {
      %mul3A_61 = arith.constant 2 : i32
      %mul3A_62 = arith.muli %mul3A_61, %scan3A_60 : i32
      %add3A_63 = arith.constant 0 : i32
      %add3A_64 = arith.addi %mul3A_62, %add3A_63 : i32
      %mul3A_65 = arith.constant 32 : i32
      %mul3A_66 = arith.muli %add3A_64, %mul3A_65 : i32
      %add3A_67 = arith.addi %mul3A_66, %add3A : i32
      %add3A_68 = arith.constant 64 : i32
      %add3A_69 = arith.addi %add3A_67, %add3A_68 : i32
      %lt3A_70 = arith.constant 1953 : i32
      %lt3A_71 = arith.cmpi slt, %add3A_67, %lt3A_70 : i32
      %convert_element_type3A_72 = arith.extui %lt3A_71 : i1 to i32
      %cond3A_73 = arith.constant 0 : i32
      %cond3A_74 = arith.cmpi ne, %convert_element_type3A_72, %cond3A_73 : i32
      scf.if %cond3A_74 {
        %dma_wait3A_89 = arith.constant 0 : i32
        %dma_wait3A_90 = arith.constant 0 : i32
        %dma_wait3A_91 = arith.constant 0 : i32
        %dma_wait3A_92 = arith.constant 0 : i32
        %dma_wait3A_93 = arith.constant 0 : i32
        %dma_wait3A_94 = tpu.memref_slice %arg5[%dma_wait3A_89, %dma_wait3A_90, %dma_wait3A_92, %dma_wait3A_93] : memref<2x4x8x512xf32, #tpu.memory_space<vmem>> -> memref<1x1x8x512xf32, #tpu.memory_space<vmem>>
        %dma_wait3A_95 = tpu.memref_squeeze %dma_wait3A_94 : memref<1x1x8x512xf32, #tpu.memory_space<vmem>> -> memref<8x512xf32, #tpu.memory_space<vmem>>
        %dma_wait3A_96 = arith.constant 0 : i32
        %dma_wait3A_97 = arith.constant 0 : i32
        %dma_wait3A_98 = tpu.memref_slice %arg2[%dma_wait3A_96, %dma_wait3A_97] : memref<32x1000000xf32, #tpu.memory_space<hbm>> -> memref<8x512xf32, #tpu.memory_space<hbm>>
        %dma_wait3A_99 = tpu.memref_slice %arg8[%dma_wait3A_91] : memref<4x!tpu.dma_semaphore, #tpu.memory_space<semaphore_mem>> -> memref<1x!tpu.dma_semaphore, #tpu.memory_space<semaphore_mem>>
        %dma_wait3A_100 = tpu.memref_squeeze %dma_wait3A_99 : memref<1x!tpu.dma_semaphore, #tpu.memory_space<semaphore_mem>> -> memref<!tpu.dma_semaphore, #tpu.memory_space<semaphore_mem>>
        %dma_wait3A_101 = arith.constant 0 : i32
        %dma_wait3A_102 = arith.constant 0 : i32
        %dma_wait3A_103 = tpu.memref_slice %arg5[%dma_wait3A_89, %dma_wait3A_90, %dma_wait3A_101, %dma_wait3A_102] : memref<2x4x8x512xf32, #tpu.memory_space<vmem>> -> memref<1x1x8x512xf32, #tpu.memory_space<vmem>>
        %dma_wait3A_104 = tpu.memref_squeeze %dma_wait3A_103 : memref<1x1x8x512xf32, #tpu.memory_space<vmem>> -> memref<8x512xf32, #tpu.memory_space<vmem>>
        %dma_wait3A_105 = arith.constant 0 : i32
        %dma_wait3A_106 = arith.constant 0 : i32
        %dma_wait3A_107 = tpu.memref_slice %arg2[%dma_wait3A_105, %dma_wait3A_106] : memref<32x1000000xf32, #tpu.memory_space<hbm>> -> memref<8x512xf32, #tpu.memory_space<hbm>>
        tpu.wait_dma2 semaphore(%dma_wait3A_100 : memref<!tpu.dma_semaphore, #tpu.memory_space<semaphore_mem>>) src(%dma_wait3A_107 : memref<8x512xf32, #tpu.memory_space<hbm>>) dst(%dma_wait3A_104 : memref<8x512xf32, #tpu.memory_space<vmem>>)
        %dma_wait3A_108 = arith.constant 0 : i32
        %dma_wait3A_109 = arith.constant 0 : i32
        %dma_wait3A_110 = arith.constant 0 : i32
        %dma_wait3A_111 = arith.constant 0 : i32
        %dma_wait3A_112 = arith.constant 0 : i32
        %dma_wait3A_113 = tpu.memref_slice %arg5[%dma_wait3A_108, %dma_wait3A_109, %dma_wait3A_111, %dma_wait3A_112] : memref<2x4x8x512xf32, #tpu.memory_space<vmem>> -> memref<1x1x8x512xf32, #tpu.memory_space<vmem>>
        %dma_wait3A_114 = tpu.memref_squeeze %dma_wait3A_113 : memref<1x1x8x512xf32, #tpu.memory_space<vmem>> -> memref<8x512xf32, #tpu.memory_space<vmem>>
        %dma_wait3A_115 = arith.constant 0 : i32
        %dma_wait3A_116 = arith.constant 0 : i32
        %dma_wait3A_117 = tpu.memref_slice %arg2[%dma_wait3A_115, %dma_wait3A_116] : memref<32x1000000xf32, #tpu.memory_space<hbm>> -> memref<8x512xf32, #tpu.memory_space<hbm>>
        %dma_wait3A_118 = tpu.memref_slice %arg8[%dma_wait3A_110] : memref<4x!tpu.dma_semaphore, #tpu.memory_space<semaphore_mem>> -> memref<1x!tpu.dma_semaphore, #tpu.memory_space<semaphore_mem>>
        %dma_wait3A_119 = tpu.memref_squeeze %dma_wait3A_118 : memref<1x!tpu.dma_semaphore, #tpu.memory_space<semaphore_mem>> -> memref<!tpu.dma_semaphore, #tpu.memory_space<semaphore_mem>>
        %dma_wait3A_120 = arith.constant 0 : i32
        %dma_wait3A_121 = arith.constant 0 : i32
        %dma_wait3A_122 = tpu.memref_slice %arg5[%dma_wait3A_108, %dma_wait3A_109, %dma_wait3A_120, %dma_wait3A_121] : memref<2x4x8x512xf32, #tpu.memory_space<vmem>> -> memref<1x1x8x512xf32, #tpu.memory_space<vmem>>
        %dma_wait3A_123 = tpu.memref_squeeze %dma_wait3A_122 : memref<1x1x8x512xf32, #tpu.memory_space<vmem>> -> memref<8x512xf32, #tpu.memory_space<vmem>>
        %dma_wait3A_124 = arith.constant 0 : i32
        %dma_wait3A_125 = arith.constant 0 : i32
        %dma_wait3A_126 = tpu.memref_slice %arg2[%dma_wait3A_124, %dma_wait3A_125] : memref<32x1000000xf32, #tpu.memory_space<hbm>> -> memref<8x512xf32, #tpu.memory_space<hbm>>
        tpu.wait_dma2 semaphore(%dma_wait3A_119 : memref<!tpu.dma_semaphore, #tpu.memory_space<semaphore_mem>>) src(%dma_wait3A_126 : memref<8x512xf32, #tpu.memory_space<hbm>>) dst(%dma_wait3A_123 : memref<8x512xf32, #tpu.memory_space<vmem>>)
        %dma_wait3A_127 = arith.constant 0 : i32
        %dma_wait3A_128 = arith.constant 0 : i32
        %dma_wait3A_129 = arith.constant 0 : i32
        %dma_wait3A_130 = arith.constant 0 : i32
        %dma_wait3A_131 = arith.constant 0 : i32
        %dma_wait3A_132 = tpu.memref_slice %arg5[%dma_wait3A_127, %dma_wait3A_128, %dma_wait3A_130, %dma_wait3A_131] : memref<2x4x8x512xf32, #tpu.memory_space<vmem>> -> memref<1x1x8x512xf32, #tpu.memory_space<vmem>>
        %dma_wait3A_133 = tpu.memref_squeeze %dma_wait3A_132 : memref<1x1x8x512xf32, #tpu.memory_space<vmem>> -> memref<8x512xf32, #tpu.memory_space<vmem>>
        %dma_wait3A_134 = arith.constant 0 : i32
        %dma_wait3A_135 = arith.constant 0 : i32
        %dma_wait3A_136 = tpu.memref_slice %arg2[%dma_wait3A_134, %dma_wait3A_135] : memref<32x1000000xf32, #tpu.memory_space<hbm>> -> memref<8x512xf32, #tpu.memory_space<hbm>>
        %dma_wait3A_137 = tpu.memref_slice %arg8[%dma_wait3A_129] : memref<4x!tpu.dma_semaphore, #tpu.memory_space<semaphore_mem>> -> memref<1x!tpu.dma_semaphore, #tpu.memory_space<semaphore_mem>>
        %dma_wait3A_138 = tpu.memref_squeeze %dma_wait3A_137 : memref<1x!tpu.dma_semaphore, #tpu.memory_space<semaphore_mem>> -> memref<!tpu.dma_semaphore, #tpu.memory_space<semaphore_mem>>
        %dma_wait3A_139 = arith.constant 0 : i32
        %dma_wait3A_140 = arith.constant 0 : i32
        %dma_wait3A_141 = tpu.memref_slice %arg5[%dma_wait3A_127, %dma_wait3A_128, %dma_wait3A_139, %dma_wait3A_140] : memref<2x4x8x512xf32, #tpu.memory_space<vmem>> -> memref<1x1x8x512xf32, #tpu.memory_space<vmem>>
        %dma_wait3A_142 = tpu.memref_squeeze %dma_wait3A_141 : memref<1x1x8x512xf32, #tpu.memory_space<vmem>> -> memref<8x512xf32, #tpu.memory_space<vmem>>
        %dma_wait3A_143 = arith.constant 0 : i32
        %dma_wait3A_144 = arith.constant 0 : i32
        %dma_wait3A_145 = tpu.memref_slice %arg2[%dma_wait3A_143, %dma_wait3A_144] : memref<32x1000000xf32, #tpu.memory_space<hbm>> -> memref<8x512xf32, #tpu.memory_space<hbm>>
        tpu.wait_dma2 semaphore(%dma_wait3A_138 : memref<!tpu.dma_semaphore, #tpu.memory_space<semaphore_mem>>) src(%dma_wait3A_145 : memref<8x512xf32, #tpu.memory_space<hbm>>) dst(%dma_wait3A_142 : memref<8x512xf32, #tpu.memory_space<vmem>>)
        %dma_wait3A_146 = arith.constant 0 : i32
        %dma_wait3A_147 = arith.constant 0 : i32
        %dma_wait3A_148 = arith.constant 0 : i32
        %dma_wait3A_149 = arith.constant 0 : i32
        %dma_wait3A_150 = arith.constant 0 : i32
        %dma_wait3A_151 = tpu.memref_slice %arg5[%dma_wait3A_146, %dma_wait3A_147, %dma_wait3A_149, %dma_wait3A_150] : memref<2x4x8x512xf32, #tpu.memory_space<vmem>> -> memref<1x1x8x512xf32, #tpu.memory_space<vmem>>
        %dma_wait3A_152 = tpu.memref_squeeze %dma_wait3A_151 : memref<1x1x8x512xf32, #tpu.memory_space<vmem>> -> memref<8x512xf32, #tpu.memory_space<vmem>>
        %dma_wait3A_153 = arith.constant 0 : i32
        %dma_wait3A_154 = arith.constant 0 : i32
        %dma_wait3A_155 = tpu.memref_slice %arg2[%dma_wait3A_153, %dma_wait3A_154] : memref<32x1000000xf32, #tpu.memory_space<hbm>> -> memref<8x512xf32, #tpu.memory_space<hbm>>
        %dma_wait3A_156 = tpu.memref_slice %arg8[%dma_wait3A_148] : memref<4x!tpu.dma_semaphore, #tpu.memory_space<semaphore_mem>> -> memref<1x!tpu.dma_semaphore, #tpu.memory_space<semaphore_mem>>
        %dma_wait3A_157 = tpu.memref_squeeze %dma_wait3A_156 : memref<1x!tpu.dma_semaphore, #tpu.memory_space<semaphore_mem>> -> memref<!tpu.dma_semaphore, #tpu.memory_space<semaphore_mem>>
        %dma_wait3A_158 = arith.constant 0 : i32
        %dma_wait3A_159 = arith.constant 0 : i32
        %dma_wait3A_160 = tpu.memref_slice %arg5[%dma_wait3A_146, %dma_wait3A_147, %dma_wait3A_158, %dma_wait3A_159] : memref<2x4x8x512xf32, #tpu.memory_space<vmem>> -> memref<1x1x8x512xf32, #tpu.memory_space<vmem>>
        %dma_wait3A_161 = tpu.memref_squeeze %dma_wait3A_160 : memref<1x1x8x512xf32, #tpu.memory_space<vmem>> -> memref<8x512xf32, #tpu.memory_space<vmem>>
        %dma_wait3A_162 = arith.constant 0 : i32
        %dma_wait3A_163 = arith.constant 0 : i32
        %dma_wait3A_164 = tpu.memref_slice %arg2[%dma_wait3A_162, %dma_wait3A_163] : memref<32x1000000xf32, #tpu.memory_space<hbm>> -> memref<8x512xf32, #tpu.memory_space<hbm>>
        tpu.wait_dma2 semaphore(%dma_wait3A_157 : memref<!tpu.dma_semaphore, #tpu.memory_space<semaphore_mem>>) src(%dma_wait3A_164 : memref<8x512xf32, #tpu.memory_space<hbm>>) dst(%dma_wait3A_161 : memref<8x512xf32, #tpu.memory_space<vmem>>)
        %mul3A_165 = arith.constant 2 : i32
        %mul3A_166 = arith.muli %mul3A_165, %scan3A_60 : i32
        %add3A_167 = arith.constant 0 : i32
        %add3A_168 = arith.addi %mul3A_166, %add3A_167 : i32
        %ge3A = arith.constant 2 : i32
        %ge3A_169 = arith.cmpi sge, %add3A_168, %ge3A : i32
        %convert_element_type3A_170 = arith.extui %ge3A_169 : i1 to i32
        %cond3A_171 = arith.constant 0 : i32
        %cond3A_172 = arith.cmpi ne, %convert_element_type3A_170, %cond3A_171 : i32
        scf.if %cond3A_172 {
          %dma_wait3A_203 = arith.constant 0 : i32
          %dma_wait3A_204 = arith.constant 2 : i32
          %dma_wait3A_205 = arith.constant 0 : i32
          %dma_wait3A_206 = arith.constant 0 : i32
          %dma_wait3A_207 = tpu.memref_slice %arg6[%dma_wait3A_203, %dma_wait3A_205, %dma_wait3A_206] : memref<2x128x128xf32, #tpu.memory_space<vmem>> -> memref<1x128x128xf32, #tpu.memory_space<vmem>>
          %dma_wait3A_208 = tpu.memref_squeeze %dma_wait3A_207 : memref<1x128x128xf32, #tpu.memory_space<vmem>> -> memref<128x128xf32, #tpu.memory_space<vmem>>
          %dma_wait3A_209 = arith.constant 0 : i32
          %dma_wait3A_210 = arith.constant 0 : i32
          %dma_wait3A_211 = tpu.memref_slice %arg4[%dma_wait3A_209, %dma_wait3A_210] : memref<250000x128xf32, #tpu.memory_space<hbm>> -> memref<128x128xf32, #tpu.memory_space<hbm>>
          %dma_wait3A_212 = tpu.memref_slice %arg8[%dma_wait3A_204] : memref<4x!tpu.dma_semaphore, #tpu.memory_space<semaphore_mem>> -> memref<1x!tpu.dma_semaphore, #tpu.memory_space<semaphore_mem>>
          %dma_wait3A_213 = tpu.memref_squeeze %dma_wait3A_212 : memref<1x!tpu.dma_semaphore, #tpu.memory_space<semaphore_mem>> -> memref<!tpu.dma_semaphore, #tpu.memory_space<semaphore_mem>>
          %dma_wait3A_214 = arith.constant 0 : i32
          %dma_wait3A_215 = arith.constant 0 : i32
          %dma_wait3A_216 = tpu.memref_slice %arg4[%dma_wait3A_214, %dma_wait3A_215] : memref<250000x128xf32, #tpu.memory_space<hbm>> -> memref<128x128xf32, #tpu.memory_space<hbm>>
          %dma_wait3A_217 = arith.constant 0 : i32
          %dma_wait3A_218 = arith.constant 0 : i32
          %dma_wait3A_219 = tpu.memref_slice %arg6[%dma_wait3A_203, %dma_wait3A_217, %dma_wait3A_218] : memref<2x128x128xf32, #tpu.memory_space<vmem>> -> memref<1x128x128xf32, #tpu.memory_space<vmem>>
          %dma_wait3A_220 = tpu.memref_squeeze %dma_wait3A_219 : memref<1x128x128xf32, #tpu.memory_space<vmem>> -> memref<128x128xf32, #tpu.memory_space<vmem>>
          tpu.wait_dma2 semaphore(%dma_wait3A_213 : memref<!tpu.dma_semaphore, #tpu.memory_space<semaphore_mem>>) src(%dma_wait3A_220 : memref<128x128xf32, #tpu.memory_space<vmem>>) dst(%dma_wait3A_216 : memref<128x128xf32, #tpu.memory_space<hbm>>)
        } else {
        }
        %scan3A_173 = arith.constant 0 : i32
        %scan3A_174 = arith.constant 0 : i32
        %scan3A_175 = arith.constant 128 : i32
        %scan3A_176 = arith.addi %scan3A_174, %scan3A_175 : i32
        %scan3A_177 = arith.constant 1 : i32
        scf.for %scan3A_203 = %scan3A_174 to %scan3A_176 step %scan3A_177  : i32 {
          %shift_right_arithmetic3A_204 = arith.constant 5 : i32
          %shift_right_arithmetic3A_205 = arith.shrsi %scan3A_203, %shift_right_arithmetic3A_204 : i32
          %mul3A_206 = arith.constant 128 : i32
          %mul3A_207 = arith.muli %shift_right_arithmetic3A_205, %mul3A_206 : i32
          %and3A_208 = arith.constant 31 : i32
          %and3A_209 = arith.andi %scan3A_203, %and3A_208 : i32
          %mul3A_210 = arith.constant 4 : i32
          %mul3A_211 = arith.muli %mul3A_210, %and3A_209 : i32
          %add3A_212 = arith.addi %mul3A_207, %mul3A_211 : i32
          %add3A_213 = arith.constant 0 : i32
          %add3A_214 = vector.broadcast %add3A_213 : i32 to vector<16xi32>
          %add3A_215 = arith.addi %shift_right_arithmetic3A_4, %add3A_214 : vector<16xi32>
          %broadcast_in_dim3A = arith.constant 0 : i32
          %broadcast_in_dim3A_216 = vector.broadcast %broadcast_in_dim3A : i32 to vector<16xi32>
          %add3A_217 = arith.constant 0 : i32
          %add3A_218 = arith.addi %add3A_212, %add3A_217 : i32
          %add3A_219 = vector.broadcast %add3A_218 : i32 to vector<16xi32>
          %add3A_220 = arith.addi %broadcast_in_dim3A_216, %add3A_219 : vector<16xi32>
          %gather3A = arith.constant 0 : i32
          %gather3A_221 = arith.constant 0 : i32
          %gather3A_222 = arith.constant 0 : i32
          %gather3A_223 = arith.constant 0 : i32
          %gather3A_224 = tpu.memref_slice %arg5[%gather3A, %gather3A_221, %gather3A_222, %gather3A_223] : memref<2x4x8x512xf32, #tpu.memory_space<vmem>> -> memref<1x4x8x512xf32, #tpu.memory_space<vmem>>
          %gather3A_225 = tpu.memref_squeeze %gather3A_224 : memref<1x4x8x512xf32, #tpu.memory_space<vmem>> -> memref<4x8x512xf32, #tpu.memory_space<vmem>>
          %gather3A_226 = tpu.vector_load_idx %gather3A_225[%add3A_215, %and3A_2, %add3A_220] : memref<4x8x512xf32, #tpu.memory_space<vmem>>[vector<16xi32>, vector<16xi32>, vector<16xi32>], vector<16xf32>,
          %swap3A = arith.constant 0 : i32
          %swap3A_227 = arith.index_cast %swap3A : i32 to index
          %swap3A_228 = arith.index_cast %scan3A_203 : i32 to index
          %swap3A_229 = arith.constant 0 : index
          %swap3A_230 = tpu.vector_load %arg6[%swap3A_227, %swap3A_228, %swap3A_229] {strides = array<i32>} : memref<2x128x128xf32, #tpu.memory_space<vmem>>, vector<16xf32>,
          tpu.vector_store %arg6[%swap3A_227, %swap3A_228, %swap3A_229], %gather3A_226 {strides = array<i32>} : memref<2x128x128xf32, #tpu.memory_space<vmem>>, vector<16xf32>,
          %add3A_231 = arith.constant 2 : i32
          %add3A_232 = vector.broadcast %add3A_231 : i32 to vector<16xi32>
          %add3A_233 = arith.addi %shift_right_arithmetic3A_4, %add3A_232 : vector<16xi32>
          %broadcast_in_dim3A_234 = arith.constant 0 : i32
          %broadcast_in_dim3A_235 = vector.broadcast %broadcast_in_dim3A_234 : i32 to vector<16xi32>
          %add3A_236 = arith.constant 0 : i32
          %add3A_237 = arith.addi %add3A_212, %add3A_236 : i32
          %add3A_238 = vector.broadcast %add3A_237 : i32 to vector<16xi32>
          %add3A_239 = arith.addi %broadcast_in_dim3A_235, %add3A_238 : vector<16xi32>
          %gather3A_240 = arith.constant 0 : i32
          %gather3A_241 = arith.constant 0 : i32
          %gather3A_242 = arith.constant 0 : i32
          %gather3A_243 = arith.constant 0 : i32
          %gather3A_244 = tpu.memref_slice %arg5[%gather3A_240, %gather3A_241, %gather3A_242, %gather3A_243] : memref<2x4x8x512xf32, #tpu.memory_space<vmem>> -> memref<1x4x8x512xf32, #tpu.memory_space<vmem>>
          %gather3A_245 = tpu.memref_squeeze %gather3A_244 : memref<1x4x8x512xf32, #tpu.memory_space<vmem>> -> memref<4x8x512xf32, #tpu.memory_space<vmem>>
          %gather3A_246 = tpu.vector_load_idx %gather3A_245[%add3A_233, %and3A_2, %add3A_239] : memref<4x8x512xf32, #tpu.memory_space<vmem>>[vector<16xi32>, vector<16xi32>, vector<16xi32>], vector<16xf32>,
          %swap3A_247 = arith.constant 0 : i32
          %swap3A_248 = arith.index_cast %swap3A_247 : i32 to index
          %swap3A_249 = arith.index_cast %scan3A_203 : i32 to index
          %swap3A_250 = arith.constant 16 : index
          %swap3A_251 = tpu.vector_load %arg6[%swap3A_248, %swap3A_249, %swap3A_250] {strides = array<i32>} : memref<2x128x128xf32, #tpu.memory_space<vmem>>, vector<16xf32>,
          tpu.vector_store %arg6[%swap3A_248, %swap3A_249, %swap3A_250], %gather3A_246 {strides = array<i32>} : memref<2x128x128xf32, #tpu.memory_space<vmem>>, vector<16xf32>,
          %add3A_252 = arith.constant 0 : i32
          %add3A_253 = vector.broadcast %add3A_252 : i32 to vector<16xi32>
          %add3A_254 = arith.addi %shift_right_arithmetic3A_4, %add3A_253 : vector<16xi32>
          %broadcast_in_dim3A_255 = arith.constant 0 : i32
          %broadcast_in_dim3A_256 = vector.broadcast %broadcast_in_dim3A_255 : i32 to vector<16xi32>
          %add3A_257 = arith.constant 1 : i32
          %add3A_258 = arith.addi %add3A_212, %add3A_257 : i32
          %add3A_259 = vector.broadcast %add3A_258 : i32 to vector<16xi32>
          %add3A_260 = arith.addi %broadcast_in_dim3A_256, %add3A_259 : vector<16xi32>
          %gather3A_261 = arith.constant 0 : i32
          %gather3A_262 = arith.constant 0 : i32
          %gather3A_263 = arith.constant 0 : i32
          %gather3A_264 = arith.constant 0 : i32
          %gather3A_265 = tpu.memref_slice %arg5[%gather3A_261, %gather3A_262, %gather3A_263, %gather3A_264] : memref<2x4x8x512xf32, #tpu.memory_space<vmem>> -> memref<1x4x8x512xf32, #tpu.memory_space<vmem>>
          %gather3A_266 = tpu.memref_squeeze %gather3A_265 : memref<1x4x8x512xf32, #tpu.memory_space<vmem>> -> memref<4x8x512xf32, #tpu.memory_space<vmem>>
          %gather3A_267 = tpu.vector_load_idx %gather3A_266[%add3A_254, %and3A_2, %add3A_260] : memref<4x8x512xf32, #tpu.memory_space<vmem>>[vector<16xi32>, vector<16xi32>, vector<16xi32>], vector<16xf32>,
          %swap3A_268 = arith.constant 0 : i32
          %swap3A_269 = arith.index_cast %swap3A_268 : i32 to index
          %swap3A_270 = arith.index_cast %scan3A_203 : i32 to index
          %swap3A_271 = arith.constant 32 : index
          %swap3A_272 = tpu.vector_load %arg6[%swap3A_269, %swap3A_270, %swap3A_271] {strides = array<i32>} : memref<2x128x128xf32, #tpu.memory_space<vmem>>, vector<16xf32>,
          tpu.vector_store %arg6[%swap3A_269, %swap3A_270, %swap3A_271], %gather3A_267 {strides = array<i32>} : memref<2x128x128xf32, #tpu.memory_space<vmem>>, vector<16xf32>,
          %add3A_273 = arith.constant 2 : i32
          %add3A_274 = vector.broadcast %add3A_273 : i32 to vector<16xi32>
          %add3A_275 = arith.addi %shift_right_arithmetic3A_4, %add3A_274 : vector<16xi32>
          %broadcast_in_dim3A_276 = arith.constant 0 : i32
          %broadcast_in_dim3A_277 = vector.broadcast %broadcast_in_dim3A_276 : i32 to vector<16xi32>
          %add3A_278 = arith.constant 1 : i32
          %add3A_279 = arith.addi %add3A_212, %add3A_278 : i32
          %add3A_280 = vector.broadcast %add3A_279 : i32 to vector<16xi32>
          %add3A_281 = arith.addi %broadcast_in_dim3A_277, %add3A_280 : vector<16xi32>
          %gather3A_282 = arith.constant 0 : i32
          %gather3A_283 = arith.constant 0 : i32
          %gather3A_284 = arith.constant 0 : i32
          %gather3A_285 = arith.constant 0 : i32
          %gather3A_286 = tpu.memref_slice %arg5[%gather3A_282, %gather3A_283, %gather3A_284, %gather3A_285] : memref<2x4x8x512xf32, #tpu.memory_space<vmem>> -> memref<1x4x8x512xf32, #tpu.memory_space<vmem>>
          %gather3A_287 = tpu.memref_squeeze %gather3A_286 : memref<1x4x8x512xf32, #tpu.memory_space<vmem>> -> memref<4x8x512xf32, #tpu.memory_space<vmem>>
          %gather3A_288 = tpu.vector_load_idx %gather3A_287[%add3A_275, %and3A_2, %add3A_281] : memref<4x8x512xf32, #tpu.memory_space<vmem>>[vector<16xi32>, vector<16xi32>, vector<16xi32>], vector<16xf32>,
          %swap3A_289 = arith.constant 0 : i32
          %swap3A_290 = arith.index_cast %swap3A_289 : i32 to index
          %swap3A_291 = arith.index_cast %scan3A_203 : i32 to index
          %swap3A_292 = arith.constant 48 : index
          %swap3A_293 = tpu.vector_load %arg6[%swap3A_290, %swap3A_291, %swap3A_292] {strides = array<i32>} : memref<2x128x128xf32, #tpu.memory_space<vmem>>, vector<16xf32>,
          tpu.vector_store %arg6[%swap3A_290, %swap3A_291, %swap3A_292], %gather3A_288 {strides = array<i32>} : memref<2x128x128xf32, #tpu.memory_space<vmem>>, vector<16xf32>,
          %add3A_294 = arith.constant 0 : i32
          %add3A_295 = vector.broadcast %add3A_294 : i32 to vector<16xi32>
          %add3A_296 = arith.addi %shift_right_arithmetic3A_4, %add3A_295 : vector<16xi32>
          %broadcast_in_dim3A_297 = arith.constant 0 : i32
          %broadcast_in_dim3A_298 = vector.broadcast %broadcast_in_dim3A_297 : i32 to vector<16xi32>
          %add3A_299 = arith.constant 2 : i32
          %add3A_300 = arith.addi %add3A_212, %add3A_299 : i32
          %add3A_301 = vector.broadcast %add3A_300 : i32 to vector<16xi32>
          %add3A_302 = arith.addi %broadcast_in_dim3A_298, %add3A_301 : vector<16xi32>
          %gather3A_303 = arith.constant 0 : i32
          %gather3A_304 = arith.constant 0 : i32
          %gather3A_305 = arith.constant 0 : i32
          %gather3A_306 = arith.constant 0 : i32
          %gather3A_307 = tpu.memref_slice %arg5[%gather3A_303, %gather3A_304, %gather3A_305, %gather3A_306] : memref<2x4x8x512xf32, #tpu.memory_space<vmem>> -> memref<1x4x8x512xf32, #tpu.memory_space<vmem>>
          %gather3A_308 = tpu.memref_squeeze %gather3A_307 : memref<1x4x8x512xf32, #tpu.memory_space<vmem>> -> memref<4x8x512xf32, #tpu.memory_space<vmem>>
          %gather3A_309 = tpu.vector_load_idx %gather3A_308[%add3A_296, %and3A_2, %add3A_302] : memref<4x8x512xf32, #tpu.memory_space<vmem>>[vector<16xi32>, vector<16xi32>, vector<16xi32>], vector<16xf32>,
          %swap3A_310 = arith.constant 0 : i32
          %swap3A_311 = arith.index_cast %swap3A_310 : i32 to index
          %swap3A_312 = arith.index_cast %scan3A_203 : i32 to index
          %swap3A_313 = arith.constant 64 : index
          %swap3A_314 = tpu.vector_load %arg6[%swap3A_311, %swap3A_312, %swap3A_313] {strides = array<i32>} : memref<2x128x128xf32, #tpu.memory_space<vmem>>, vector<16xf32>,
          tpu.vector_store %arg6[%swap3A_311, %swap3A_312, %swap3A_313], %gather3A_309 {strides = array<i32>} : memref<2x128x128xf32, #tpu.memory_space<vmem>>, vector<16xf32>,
          %add3A_315 = arith.constant 2 : i32
          %add3A_316 = vector.broadcast %add3A_315 : i32 to vector<16xi32>
          %add3A_317 = arith.addi %shift_right_arithmetic3A_4, %add3A_316 : vector<16xi32>
          %broadcast_in_dim3A_318 = arith.constant 0 : i32
          %broadcast_in_dim3A_319 = vector.broadcast %broadcast_in_dim3A_318 : i32 to vector<16xi32>
          %add3A_320 = arith.constant 2 : i32
          %add3A_321 = arith.addi %add3A_212, %add3A_320 : i32
          %add3A_322 = vector.broadcast %add3A_321 : i32 to vector<16xi32>
          %add3A_323 = arith.addi %broadcast_in_dim3A_319, %add3A_322 : vector<16xi32>
          %gather3A_324 = arith.constant 0 : i32
          %gather3A_325 = arith.constant 0 : i32
          %gather3A_326 = arith.constant 0 : i32
          %gather3A_327 = arith.constant 0 : i32
          %gather3A_328 = tpu.memref_slice %arg5[%gather3A_324, %gather3A_325, %gather3A_326, %gather3A_327] : memref<2x4x8x512xf32, #tpu.memory_space<vmem>> -> memref<1x4x8x512xf32, #tpu.memory_space<vmem>>
          %gather3A_329 = tpu.memref_squeeze %gather3A_328 : memref<1x4x8x512xf32, #tpu.memory_space<vmem>> -> memref<4x8x512xf32, #tpu.memory_space<vmem>>
          %gather3A_330 = tpu.vector_load_idx %gather3A_329[%add3A_317, %and3A_2, %add3A_323] : memref<4x8x512xf32, #tpu.memory_space<vmem>>[vector<16xi32>, vector<16xi32>, vector<16xi32>], vector<16xf32>,
          %swap3A_331 = arith.constant 0 : i32
          %swap3A_332 = arith.index_cast %swap3A_331 : i32 to index
          %swap3A_333 = arith.index_cast %scan3A_203 : i32 to index
          %swap3A_334 = arith.constant 80 : index
          %swap3A_335 = tpu.vector_load %arg6[%swap3A_332, %swap3A_333, %swap3A_334] {strides = array<i32>} : memref<2x128x128xf32, #tpu.memory_space<vmem>>, vector<16xf32>,
          tpu.vector_store %arg6[%swap3A_332, %swap3A_333, %swap3A_334], %gather3A_330 {strides = array<i32>} : memref<2x128x128xf32, #tpu.memory_space<vmem>>, vector<16xf32>,
          %add3A_336 = arith.constant 0 : i32
          %add3A_337 = vector.broadcast %add3A_336 : i32 to vector<16xi32>
          %add3A_338 = arith.addi %shift_right_arithmetic3A_4, %add3A_337 : vector<16xi32>
          %broadcast_in_dim3A_339 = arith.constant 0 : i32
          %broadcast_in_dim3A_340 = vector.broadcast %broadcast_in_dim3A_339 : i32 to vector<16xi32>
          %add3A_341 = arith.constant 3 : i32
          %add3A_342 = arith.addi %add3A_212, %add3A_341 : i32
          %add3A_343 = vector.broadcast %add3A_342 : i32 to vector<16xi32>
          %add3A_344 = arith.addi %broadcast_in_dim3A_340, %add3A_343 : vector<16xi32>
          %gather3A_345 = arith.constant 0 : i32
          %gather3A_346 = arith.constant 0 : i32
          %gather3A_347 = arith.constant 0 : i32
          %gather3A_348 = arith.constant 0 : i32
          %gather3A_349 = tpu.memref_slice %arg5[%gather3A_345, %gather3A_346, %gather3A_347, %gather3A_348] : memref<2x4x8x512xf32, #tpu.memory_space<vmem>> -> memref<1x4x8x512xf32, #tpu.memory_space<vmem>>
          %gather3A_350 = tpu.memref_squeeze %gather3A_349 : memref<1x4x8x512xf32, #tpu.memory_space<vmem>> -> memref<4x8x512xf32, #tpu.memory_space<vmem>>
          %gather3A_351 = tpu.vector_load_idx %gather3A_350[%add3A_338, %and3A_2, %add3A_344] : memref<4x8x512xf32, #tpu.memory_space<vmem>>[vector<16xi32>, vector<16xi32>, vector<16xi32>], vector<16xf32>,
          %swap3A_352 = arith.constant 0 : i32
          %swap3A_353 = arith.index_cast %swap3A_352 : i32 to index
          %swap3A_354 = arith.index_cast %scan3A_203 : i32 to index
          %swap3A_355 = arith.constant 96 : index
          %swap3A_356 = tpu.vector_load %arg6[%swap3A_353, %swap3A_354, %swap3A_355] {strides = array<i32>} : memref<2x128x128xf32, #tpu.memory_space<vmem>>, vector<16xf32>,
          tpu.vector_store %arg6[%swap3A_353, %swap3A_354, %swap3A_355], %gather3A_351 {strides = array<i32>} : memref<2x128x128xf32, #tpu.memory_space<vmem>>, vector<16xf32>,
          %add3A_357 = arith.constant 2 : i32
          %add3A_358 = vector.broadcast %add3A_357 : i32 to vector<16xi32>
          %add3A_359 = arith.addi %shift_right_arithmetic3A_4, %add3A_358 : vector<16xi32>
          %broadcast_in_dim3A_360 = arith.constant 0 : i32
          %broadcast_in_dim3A_361 = vector.broadcast %broadcast_in_dim3A_360 : i32 to vector<16xi32>
          %add3A_362 = arith.constant 3 : i32
          %add3A_363 = arith.addi %add3A_212, %add3A_362 : i32
          %add3A_364 = vector.broadcast %add3A_363 : i32 to vector<16xi32>
          %add3A_365 = arith.addi %broadcast_in_dim3A_361, %add3A_364 : vector<16xi32>
          %gather3A_366 = arith.constant 0 : i32
          %gather3A_367 = arith.constant 0 : i32
          %gather3A_368 = arith.constant 0 : i32
          %gather3A_369 = arith.constant 0 : i32
          %gather3A_370 = tpu.memref_slice %arg5[%gather3A_366, %gather3A_367, %gather3A_368, %gather3A_369] : memref<2x4x8x512xf32, #tpu.memory_space<vmem>> -> memref<1x4x8x512xf32, #tpu.memory_space<vmem>>
          %gather3A_371 = tpu.memref_squeeze %gather3A_370 : memref<1x4x8x512xf32, #tpu.memory_space<vmem>> -> memref<4x8x512xf32, #tpu.memory_space<vmem>>
          %gather3A_372 = tpu.vector_load_idx %gather3A_371[%add3A_359, %and3A_2, %add3A_365] : memref<4x8x512xf32, #tpu.memory_space<vmem>>[vector<16xi32>, vector<16xi32>, vector<16xi32>], vector<16xf32>,
          %swap3A_373 = arith.constant 0 : i32
          %swap3A_374 = arith.index_cast %swap3A_373 : i32 to index
          %swap3A_375 = arith.index_cast %scan3A_203 : i32 to index
          %swap3A_376 = arith.constant 112 : index
          %swap3A_377 = tpu.vector_load %arg6[%swap3A_374, %swap3A_375, %swap3A_376] {strides = array<i32>} : memref<2x128x128xf32, #tpu.memory_space<vmem>>, vector<16xf32>,
          tpu.vector_store %arg6[%swap3A_374, %swap3A_375, %swap3A_376], %gather3A_372 {strides = array<i32>} : memref<2x128x128xf32, #tpu.memory_space<vmem>>, vector<16xf32>,
        }
        %scan3A_178 = arith.constant 128 : i32
        %mul3A_179 = arith.constant 32 : i32
        %mul3A_180 = arith.muli %add3A_67, %mul3A_179 : i32
        %mul3A_181 = arith.constant 4 : i32
        %mul3A_182 = arith.muli %mul3A_180, %mul3A_181 : i32
        %dma_start3A = arith.constant 0 : i32
        %dma_start3A_183 = arith.constant 2 : i32
        %dma_start3A_184 = arith.constant 0 : i32
        %dma_start3A_185 = arith.constant 0 : i32
        %dma_start3A_186 = tpu.memref_slice %arg6[%dma_start3A, %dma_start3A_184, %dma_start3A_185] : memref<2x128x128xf32, #tpu.memory_space<vmem>> -> memref<1x128x128xf32, #tpu.memory_space<vmem>>
        %dma_start3A_187 = tpu.memref_squeeze %dma_start3A_186 : memref<1x128x128xf32, #tpu.memory_space<vmem>> -> memref<128x128xf32, #tpu.memory_space<vmem>>
        %dma_start3A_188 = arith.constant 0 : i32
        %dma_start3A_189 = tpu.memref_slice %arg4[%mul3A_182, %dma_start3A_188] : memref<250000x128xf32, #tpu.memory_space<hbm>> -> memref<128x128xf32, #tpu.memory_space<hbm>>
        %dma_start3A_190 = tpu.memref_slice %arg8[%dma_start3A_183] : memref<4x!tpu.dma_semaphore, #tpu.memory_space<semaphore_mem>> -> memref<1x!tpu.dma_semaphore, #tpu.memory_space<semaphore_mem>>
        %dma_start3A_191 = tpu.memref_squeeze %dma_start3A_190 : memref<1x!tpu.dma_semaphore, #tpu.memory_space<semaphore_mem>> -> memref<!tpu.dma_semaphore, #tpu.memory_space<semaphore_mem>>
        %dma_start3A_192 = arith.constant 0 : i32
        %dma_start3A_193 = tpu.memref_slice %arg4[%mul3A_182, %dma_start3A_192] : memref<250000x128xf32, #tpu.memory_space<hbm>> -> memref<128x128xf32, #tpu.memory_space<hbm>>
        %dma_start3A_194 = arith.constant 0 : i32
        %dma_start3A_195 = arith.constant 0 : i32
        %dma_start3A_196 = tpu.memref_slice %arg6[%dma_start3A, %dma_start3A_194, %dma_start3A_195] : memref<2x128x128xf32, #tpu.memory_space<vmem>> -> memref<1x128x128xf32, #tpu.memory_space<vmem>>
        %dma_start3A_197 = tpu.memref_squeeze %dma_start3A_196 : memref<1x128x128xf32, #tpu.memory_space<vmem>> -> memref<128x128xf32, #tpu.memory_space<vmem>>
        tpu.enqueue_dma source(%dma_start3A_197 : memref<128x128xf32, #tpu.memory_space<vmem>>) target(%dma_start3A_193 : memref<128x128xf32, #tpu.memory_space<hbm>>) target_semaphore(%dma_start3A_191 : memref<!tpu.dma_semaphore, #tpu.memory_space<semaphore_mem>>)
        %lt3A_198 = arith.constant 1953 : i32
        %lt3A_199 = arith.cmpi slt, %add3A_69, %lt3A_198 : i32
        %convert_element_type3A_200 = arith.extui %lt3A_199 : i1 to i32
        %cond3A_201 = arith.constant 0 : i32
        %cond3A_202 = arith.cmpi ne, %convert_element_type3A_200, %cond3A_201 : i32
        scf.if %cond3A_202 {
          %mul3A_203 = arith.constant 128 : i32
          %mul3A_204 = arith.muli %add3A_69, %mul3A_203 : i32
          %mul3A_205 = arith.constant 4 : i32
          %mul3A_206 = arith.muli %mul3A_204, %mul3A_205 : i32
          %dma_start3A_207 = arith.constant 0 : i32
          %dma_start3A_208 = arith.constant 0 : i32
          %dma_start3A_209 = arith.constant 0 : i32
          %dma_start3A_210 = arith.constant 0 : i32
          %dma_start3A_211 = arith.constant 0 : i32
          %dma_start3A_212 = tpu.memref_slice %arg5[%dma_start3A_207, %dma_start3A_208, %dma_start3A_210, %dma_start3A_211] : memref<2x4x8x512xf32, #tpu.memory_space<vmem>> -> memref<1x1x8x512xf32, #tpu.memory_space<vmem>>
          %dma_start3A_213 = tpu.memref_squeeze %dma_start3A_212 : memref<1x1x8x512xf32, #tpu.memory_space<vmem>> -> memref<8x512xf32, #tpu.memory_space<vmem>>
          %dma_start3A_214 = arith.constant 0 : i32
          %dma_start3A_215 = tpu.memref_slice %arg2[%dma_start3A_214, %mul3A_206] : memref<32x1000000xf32, #tpu.memory_space<hbm>> -> memref<8x512xf32, #tpu.memory_space<hbm>>
          %dma_start3A_216 = tpu.memref_slice %arg8[%dma_start3A_209] : memref<4x!tpu.dma_semaphore, #tpu.memory_space<semaphore_mem>> -> memref<1x!tpu.dma_semaphore, #tpu.memory_space<semaphore_mem>>
          %dma_start3A_217 = tpu.memref_squeeze %dma_start3A_216 : memref<1x!tpu.dma_semaphore, #tpu.memory_space<semaphore_mem>> -> memref<!tpu.dma_semaphore, #tpu.memory_space<semaphore_mem>>
          %dma_start3A_218 = arith.constant 0 : i32
          %dma_start3A_219 = arith.constant 0 : i32
          %dma_start3A_220 = tpu.memref_slice %arg5[%dma_start3A_207, %dma_start3A_208, %dma_start3A_218, %dma_start3A_219] : memref<2x4x8x512xf32, #tpu.memory_space<vmem>> -> memref<1x1x8x512xf32, #tpu.memory_space<vmem>>
          %dma_start3A_221 = tpu.memref_squeeze %dma_start3A_220 : memref<1x1x8x512xf32, #tpu.memory_space<vmem>> -> memref<8x512xf32, #tpu.memory_space<vmem>>
          %dma_start3A_222 = arith.constant 0 : i32
          %dma_start3A_223 = tpu.memref_slice %arg2[%dma_start3A_222, %mul3A_206] : memref<32x1000000xf32, #tpu.memory_space<hbm>> -> memref<8x512xf32, #tpu.memory_space<hbm>>
          tpu.enqueue_dma source(%dma_start3A_223 : memref<8x512xf32, #tpu.memory_space<hbm>>) target(%dma_start3A_221 : memref<8x512xf32, #tpu.memory_space<vmem>>) target_semaphore(%dma_start3A_217 : memref<!tpu.dma_semaphore, #tpu.memory_space<semaphore_mem>>)
          %mul3A_224 = arith.constant 128 : i32
          %mul3A_225 = arith.muli %add3A_69, %mul3A_224 : i32
          %mul3A_226 = arith.constant 4 : i32
          %mul3A_227 = arith.muli %mul3A_225, %mul3A_226 : i32
          %dma_start3A_228 = arith.constant 0 : i32
          %dma_start3A_229 = arith.constant 1 : i32
          %dma_start3A_230 = arith.constant 0 : i32
          %dma_start3A_231 = arith.constant 0 : i32
          %dma_start3A_232 = arith.constant 0 : i32
          %dma_start3A_233 = tpu.memref_slice %arg5[%dma_start3A_228, %dma_start3A_229, %dma_start3A_231, %dma_start3A_232] : memref<2x4x8x512xf32, #tpu.memory_space<vmem>> -> memref<1x1x8x512xf32, #tpu.memory_space<vmem>>
          %dma_start3A_234 = tpu.memref_squeeze %dma_start3A_233 : memref<1x1x8x512xf32, #tpu.memory_space<vmem>> -> memref<8x512xf32, #tpu.memory_space<vmem>>
          %dma_start3A_235 = arith.constant 8 : i32
          %dma_start3A_236 = tpu.memref_slice %arg2[%dma_start3A_235, %mul3A_227] : memref<32x1000000xf32, #tpu.memory_space<hbm>> -> memref<8x512xf32, #tpu.memory_space<hbm>>
          %dma_start3A_237 = tpu.memref_slice %arg8[%dma_start3A_230] : memref<4x!tpu.dma_semaphore, #tpu.memory_space<semaphore_mem>> -> memref<1x!tpu.dma_semaphore, #tpu.memory_space<semaphore_mem>>
          %dma_start3A_238 = tpu.memref_squeeze %dma_start3A_237 : memref<1x!tpu.dma_semaphore, #tpu.memory_space<semaphore_mem>> -> memref<!tpu.dma_semaphore, #tpu.memory_space<semaphore_mem>>
          %dma_start3A_239 = arith.constant 0 : i32
          %dma_start3A_240 = arith.constant 0 : i32
          %dma_start3A_241 = tpu.memref_slice %arg5[%dma_start3A_228, %dma_start3A_229, %dma_start3A_239, %dma_start3A_240] : memref<2x4x8x512xf32, #tpu.memory_space<vmem>> -> memref<1x1x8x512xf32, #tpu.memory_space<vmem>>
          %dma_start3A_242 = tpu.memref_squeeze %dma_start3A_241 : memref<1x1x8x512xf32, #tpu.memory_space<vmem>> -> memref<8x512xf32, #tpu.memory_space<vmem>>
          %dma_start3A_243 = arith.constant 8 : i32
          %dma_start3A_244 = tpu.memref_slice %arg2[%dma_start3A_243, %mul3A_227] : memref<32x1000000xf32, #tpu.memory_space<hbm>> -> memref<8x512xf32, #tpu.memory_space<hbm>>
          tpu.enqueue_dma source(%dma_start3A_244 : memref<8x512xf32, #tpu.memory_space<hbm>>) target(%dma_start3A_242 : memref<8x512xf32, #tpu.memory_space<vmem>>) target_semaphore(%dma_start3A_238 : memref<!tpu.dma_semaphore, #tpu.memory_space<semaphore_mem>>)
          %mul3A_245 = arith.constant 128 : i32
          %mul3A_246 = arith.muli %add3A_69, %mul3A_245 : i32
          %mul3A_247 = arith.constant 4 : i32
          %mul3A_248 = arith.muli %mul3A_246, %mul3A_247 : i32
          %dma_start3A_249 = arith.constant 0 : i32
          %dma_start3A_250 = arith.constant 2 : i32
          %dma_start3A_251 = arith.constant 0 : i32
          %dma_start3A_252 = arith.constant 0 : i32
          %dma_start3A_253 = arith.constant 0 : i32
          %dma_start3A_254 = tpu.memref_slice %arg5[%dma_start3A_249, %dma_start3A_250, %dma_start3A_252, %dma_start3A_253] : memref<2x4x8x512xf32, #tpu.memory_space<vmem>> -> memref<1x1x8x512xf32, #tpu.memory_space<vmem>>
          %dma_start3A_255 = tpu.memref_squeeze %dma_start3A_254 : memref<1x1x8x512xf32, #tpu.memory_space<vmem>> -> memref<8x512xf32, #tpu.memory_space<vmem>>
          %dma_start3A_256 = arith.constant 16 : i32
          %dma_start3A_257 = tpu.memref_slice %arg2[%dma_start3A_256, %mul3A_248] : memref<32x1000000xf32, #tpu.memory_space<hbm>> -> memref<8x512xf32, #tpu.memory_space<hbm>>
          %dma_start3A_258 = tpu.memref_slice %arg8[%dma_start3A_251] : memref<4x!tpu.dma_semaphore, #tpu.memory_space<semaphore_mem>> -> memref<1x!tpu.dma_semaphore, #tpu.memory_space<semaphore_mem>>
          %dma_start3A_259 = tpu.memref_squeeze %dma_start3A_258 : memref<1x!tpu.dma_semaphore, #tpu.memory_space<semaphore_mem>> -> memref<!tpu.dma_semaphore, #tpu.memory_space<semaphore_mem>>
          %dma_start3A_260 = arith.constant 0 : i32
          %dma_start3A_261 = arith.constant 0 : i32
          %dma_start3A_262 = tpu.memref_slice %arg5[%dma_start3A_249, %dma_start3A_250, %dma_start3A_260, %dma_start3A_261] : memref<2x4x8x512xf32, #tpu.memory_space<vmem>> -> memref<1x1x8x512xf32, #tpu.memory_space<vmem>>
          %dma_start3A_263 = tpu.memref_squeeze %dma_start3A_262 : memref<1x1x8x512xf32, #tpu.memory_space<vmem>> -> memref<8x512xf32, #tpu.memory_space<vmem>>
          %dma_start3A_264 = arith.constant 16 : i32
          %dma_start3A_265 = tpu.memref_slice %arg2[%dma_start3A_264, %mul3A_248] : memref<32x1000000xf32, #tpu.memory_space<hbm>> -> memref<8x512xf32, #tpu.memory_space<hbm>>
          tpu.enqueue_dma source(%dma_start3A_265 : memref<8x512xf32, #tpu.memory_space<hbm>>) target(%dma_start3A_263 : memref<8x512xf32, #tpu.memory_space<vmem>>) target_semaphore(%dma_start3A_259 : memref<!tpu.dma_semaphore, #tpu.memory_space<semaphore_mem>>)
          %mul3A_266 = arith.constant 128 : i32
          %mul3A_267 = arith.muli %add3A_69, %mul3A_266 : i32
          %mul3A_268 = arith.constant 4 : i32
          %mul3A_269 = arith.muli %mul3A_267, %mul3A_268 : i32
          %dma_start3A_270 = arith.constant 0 : i32
          %dma_start3A_271 = arith.constant 3 : i32
          %dma_start3A_272 = arith.constant 0 : i32
          %dma_start3A_273 = arith.constant 0 : i32
          %dma_start3A_274 = arith.constant 0 : i32
          %dma_start3A_275 = tpu.memref_slice %arg5[%dma_start3A_270, %dma_start3A_271, %dma_start3A_273, %dma_start3A_274] : memref<2x4x8x512xf32, #tpu.memory_space<vmem>> -> memref<1x1x8x512xf32, #tpu.memory_space<vmem>>
          %dma_start3A_276 = tpu.memref_squeeze %dma_start3A_275 : memref<1x1x8x512xf32, #tpu.memory_space<vmem>> -> memref<8x512xf32, #tpu.memory_space<vmem>>
          %dma_start3A_277 = arith.constant 24 : i32
          %dma_start3A_278 = tpu.memref_slice %arg2[%dma_start3A_277, %mul3A_269] : memref<32x1000000xf32, #tpu.memory_space<hbm>> -> memref<8x512xf32, #tpu.memory_space<hbm>>
          %dma_start3A_279 = tpu.memref_slice %arg8[%dma_start3A_272] : memref<4x!tpu.dma_semaphore, #tpu.memory_space<semaphore_mem>> -> memref<1x!tpu.dma_semaphore, #tpu.memory_space<semaphore_mem>>
          %dma_start3A_280 = tpu.memref_squeeze %dma_start3A_279 : memref<1x!tpu.dma_semaphore, #tpu.memory_space<semaphore_mem>> -> memref<!tpu.dma_semaphore, #tpu.memory_space<semaphore_mem>>
          %dma_start3A_281 = arith.constant 0 : i32
          %dma_start3A_282 = arith.constant 0 : i32
          %dma_start3A_283 = tpu.memref_slice %arg5[%dma_start3A_270, %dma_start3A_271, %dma_start3A_281, %dma_start3A_282] : memref<2x4x8x512xf32, #tpu.memory_space<vmem>> -> memref<1x1x8x512xf32, #tpu.memory_space<vmem>>
          %dma_start3A_284 = tpu.memref_squeeze %dma_start3A_283 : memref<1x1x8x512xf32, #tpu.memory_space<vmem>> -> memref<8x512xf32, #tpu.memory_space<vmem>>
          %dma_start3A_285 = arith.constant 24 : i32
          %dma_start3A_286 = tpu.memref_slice %arg2[%dma_start3A_285, %mul3A_269] : memref<32x1000000xf32, #tpu.memory_space<hbm>> -> memref<8x512xf32, #tpu.memory_space<hbm>>
          tpu.enqueue_dma source(%dma_start3A_286 : memref<8x512xf32, #tpu.memory_space<hbm>>) target(%dma_start3A_284 : memref<8x512xf32, #tpu.memory_space<vmem>>) target_semaphore(%dma_start3A_280 : memref<!tpu.dma_semaphore, #tpu.memory_space<semaphore_mem>>)
        } else {
        }
      } else {
      }
      %mul3A_75 = arith.constant 2 : i32
      %mul3A_76 = arith.muli %mul3A_75, %scan3A_60 : i32
      %add3A_77 = arith.constant 1 : i32
      %add3A_78 = arith.addi %mul3A_76, %add3A_77 : i32
      %mul3A_79 = arith.constant 32 : i32
      %mul3A_80 = arith.muli %add3A_78, %mul3A_79 : i32
      %add3A_81 = arith.addi %mul3A_80, %add3A : i32
      %add3A_82 = arith.constant 64 : i32
      %add3A_83 = arith.addi %add3A_81, %add3A_82 : i32
      %lt3A_84 = arith.constant 1953 : i32
      %lt3A_85 = arith.cmpi slt, %add3A_81, %lt3A_84 : i32
      %convert_element_type3A_86 = arith.extui %lt3A_85 : i1 to i32
      %cond3A_87 = arith.constant 0 : i32
      %cond3A_88 = arith.cmpi ne, %convert_element_type3A_86, %cond3A_87 : i32
      scf.if %cond3A_88 {
        %dma_wait3A_89 = arith.constant 1 : i32
        %dma_wait3A_90 = arith.constant 0 : i32
        %dma_wait3A_91 = arith.constant 1 : i32
        %dma_wait3A_92 = arith.constant 0 : i32
        %dma_wait3A_93 = arith.constant 0 : i32
        %dma_wait3A_94 = tpu.memref_slice %arg5[%dma_wait3A_89, %dma_wait3A_90, %dma_wait3A_92, %dma_wait3A_93] : memref<2x4x8x512xf32, #tpu.memory_space<vmem>> -> memref<1x1x8x512xf32, #tpu.memory_space<vmem>>
        %dma_wait3A_95 = tpu.memref_squeeze %dma_wait3A_94 : memref<1x1x8x512xf32, #tpu.memory_space<vmem>> -> memref<8x512xf32, #tpu.memory_space<vmem>>
        %dma_wait3A_96 = arith.constant 0 : i32
        %dma_wait3A_97 = arith.constant 0 : i32
        %dma_wait3A_98 = tpu.memref_slice %arg2[%dma_wait3A_96, %dma_wait3A_97] : memref<32x1000000xf32, #tpu.memory_space<hbm>> -> memref<8x512xf32, #tpu.memory_space<hbm>>
        %dma_wait3A_99 = tpu.memref_slice %arg8[%dma_wait3A_91] : memref<4x!tpu.dma_semaphore, #tpu.memory_space<semaphore_mem>> -> memref<1x!tpu.dma_semaphore, #tpu.memory_space<semaphore_mem>>
        %dma_wait3A_100 = tpu.memref_squeeze %dma_wait3A_99 : memref<1x!tpu.dma_semaphore, #tpu.memory_space<semaphore_mem>> -> memref<!tpu.dma_semaphore, #tpu.memory_space<semaphore_mem>>
        %dma_wait3A_101 = arith.constant 0 : i32
        %dma_wait3A_102 = arith.constant 0 : i32
        %dma_wait3A_103 = tpu.memref_slice %arg5[%dma_wait3A_89, %dma_wait3A_90, %dma_wait3A_101, %dma_wait3A_102] : memref<2x4x8x512xf32, #tpu.memory_space<vmem>> -> memref<1x1x8x512xf32, #tpu.memory_space<vmem>>
        %dma_wait3A_104 = tpu.memref_squeeze %dma_wait3A_103 : memref<1x1x8x512xf32, #tpu.memory_space<vmem>> -> memref<8x512xf32, #tpu.memory_space<vmem>>
        %dma_wait3A_105 = arith.constant 0 : i32
        %dma_wait3A_106 = arith.constant 0 : i32
        %dma_wait3A_107 = tpu.memref_slice %arg2[%dma_wait3A_105, %dma_wait3A_106] : memref<32x1000000xf32, #tpu.memory_space<hbm>> -> memref<8x512xf32, #tpu.memory_space<hbm>>
        tpu.wait_dma2 semaphore(%dma_wait3A_100 : memref<!tpu.dma_semaphore, #tpu.memory_space<semaphore_mem>>) src(%dma_wait3A_107 : memref<8x512xf32, #tpu.memory_space<hbm>>) dst(%dma_wait3A_104 : memref<8x512xf32, #tpu.memory_space<vmem>>)
        %dma_wait3A_108 = arith.constant 1 : i32
        %dma_wait3A_109 = arith.constant 0 : i32
        %dma_wait3A_110 = arith.constant 1 : i32
        %dma_wait3A_111 = arith.constant 0 : i32
        %dma_wait3A_112 = arith.constant 0 : i32
        %dma_wait3A_113 = tpu.memref_slice %arg5[%dma_wait3A_108, %dma_wait3A_109, %dma_wait3A_111, %dma_wait3A_112] : memref<2x4x8x512xf32, #tpu.memory_space<vmem>> -> memref<1x1x8x512xf32, #tpu.memory_space<vmem>>
        %dma_wait3A_114 = tpu.memref_squeeze %dma_wait3A_113 : memref<1x1x8x512xf32, #tpu.memory_space<vmem>> -> memref<8x512xf32, #tpu.memory_space<vmem>>
        %dma_wait3A_115 = arith.constant 0 : i32
        %dma_wait3A_116 = arith.constant 0 : i32
        %dma_wait3A_117 = tpu.memref_slice %arg2[%dma_wait3A_115, %dma_wait3A_116] : memref<32x1000000xf32, #tpu.memory_space<hbm>> -> memref<8x512xf32, #tpu.memory_space<hbm>>
        %dma_wait3A_118 = tpu.memref_slice %arg8[%dma_wait3A_110] : memref<4x!tpu.dma_semaphore, #tpu.memory_space<semaphore_mem>> -> memref<1x!tpu.dma_semaphore, #tpu.memory_space<semaphore_mem>>
        %dma_wait3A_119 = tpu.memref_squeeze %dma_wait3A_118 : memref<1x!tpu.dma_semaphore, #tpu.memory_space<semaphore_mem>> -> memref<!tpu.dma_semaphore, #tpu.memory_space<semaphore_mem>>
        %dma_wait3A_120 = arith.constant 0 : i32
        %dma_wait3A_121 = arith.constant 0 : i32
        %dma_wait3A_122 = tpu.memref_slice %arg5[%dma_wait3A_108, %dma_wait3A_109, %dma_wait3A_120, %dma_wait3A_121] : memref<2x4x8x512xf32, #tpu.memory_space<vmem>> -> memref<1x1x8x512xf32, #tpu.memory_space<vmem>>
        %dma_wait3A_123 = tpu.memref_squeeze %dma_wait3A_122 : memref<1x1x8x512xf32, #tpu.memory_space<vmem>> -> memref<8x512xf32, #tpu.memory_space<vmem>>
        %dma_wait3A_124 = arith.constant 0 : i32
        %dma_wait3A_125 = arith.constant 0 : i32
        %dma_wait3A_126 = tpu.memref_slice %arg2[%dma_wait3A_124, %dma_wait3A_125] : memref<32x1000000xf32, #tpu.memory_space<hbm>> -> memref<8x512xf32, #tpu.memory_space<hbm>>
        tpu.wait_dma2 semaphore(%dma_wait3A_119 : memref<!tpu.dma_semaphore, #tpu.memory_space<semaphore_mem>>) src(%dma_wait3A_126 : memref<8x512xf32, #tpu.memory_space<hbm>>) dst(%dma_wait3A_123 : memref<8x512xf32, #tpu.memory_space<vmem>>)
        %dma_wait3A_127 = arith.constant 1 : i32
        %dma_wait3A_128 = arith.constant 0 : i32
        %dma_wait3A_129 = arith.constant 1 : i32
        %dma_wait3A_130 = arith.constant 0 : i32
        %dma_wait3A_131 = arith.constant 0 : i32
        %dma_wait3A_132 = tpu.memref_slice %arg5[%dma_wait3A_127, %dma_wait3A_128, %dma_wait3A_130, %dma_wait3A_131] : memref<2x4x8x512xf32, #tpu.memory_space<vmem>> -> memref<1x1x8x512xf32, #tpu.memory_space<vmem>>
        %dma_wait3A_133 = tpu.memref_squeeze %dma_wait3A_132 : memref<1x1x8x512xf32, #tpu.memory_space<vmem>> -> memref<8x512xf32, #tpu.memory_space<vmem>>
        %dma_wait3A_134 = arith.constant 0 : i32
        %dma_wait3A_135 = arith.constant 0 : i32
        %dma_wait3A_136 = tpu.memref_slice %arg2[%dma_wait3A_134, %dma_wait3A_135] : memref<32x1000000xf32, #tpu.memory_space<hbm>> -> memref<8x512xf32, #tpu.memory_space<hbm>>
        %dma_wait3A_137 = tpu.memref_slice %arg8[%dma_wait3A_129] : memref<4x!tpu.dma_semaphore, #tpu.memory_space<semaphore_mem>> -> memref<1x!tpu.dma_semaphore, #tpu.memory_space<semaphore_mem>>
        %dma_wait3A_138 = tpu.memref_squeeze %dma_wait3A_137 : memref<1x!tpu.dma_semaphore, #tpu.memory_space<semaphore_mem>> -> memref<!tpu.dma_semaphore, #tpu.memory_space<semaphore_mem>>
        %dma_wait3A_139 = arith.constant 0 : i32
        %dma_wait3A_140 = arith.constant 0 : i32
        %dma_wait3A_141 = tpu.memref_slice %arg5[%dma_wait3A_127, %dma_wait3A_128, %dma_wait3A_139, %dma_wait3A_140] : memref<2x4x8x512xf32, #tpu.memory_space<vmem>> -> memref<1x1x8x512xf32, #tpu.memory_space<vmem>>
        %dma_wait3A_142 = tpu.memref_squeeze %dma_wait3A_141 : memref<1x1x8x512xf32, #tpu.memory_space<vmem>> -> memref<8x512xf32, #tpu.memory_space<vmem>>
        %dma_wait3A_143 = arith.constant 0 : i32
        %dma_wait3A_144 = arith.constant 0 : i32
        %dma_wait3A_145 = tpu.memref_slice %arg2[%dma_wait3A_143, %dma_wait3A_144] : memref<32x1000000xf32, #tpu.memory_space<hbm>> -> memref<8x512xf32, #tpu.memory_space<hbm>>
        tpu.wait_dma2 semaphore(%dma_wait3A_138 : memref<!tpu.dma_semaphore, #tpu.memory_space<semaphore_mem>>) src(%dma_wait3A_145 : memref<8x512xf32, #tpu.memory_space<hbm>>) dst(%dma_wait3A_142 : memref<8x512xf32, #tpu.memory_space<vmem>>)
        %dma_wait3A_146 = arith.constant 1 : i32
        %dma_wait3A_147 = arith.constant 0 : i32
        %dma_wait3A_148 = arith.constant 1 : i32
        %dma_wait3A_149 = arith.constant 0 : i32
        %dma_wait3A_150 = arith.constant 0 : i32
        %dma_wait3A_151 = tpu.memref_slice %arg5[%dma_wait3A_146, %dma_wait3A_147, %dma_wait3A_149, %dma_wait3A_150] : memref<2x4x8x512xf32, #tpu.memory_space<vmem>> -> memref<1x1x8x512xf32, #tpu.memory_space<vmem>>
        %dma_wait3A_152 = tpu.memref_squeeze %dma_wait3A_151 : memref<1x1x8x512xf32, #tpu.memory_space<vmem>> -> memref<8x512xf32, #tpu.memory_space<vmem>>
        %dma_wait3A_153 = arith.constant 0 : i32
        %dma_wait3A_154 = arith.constant 0 : i32
        %dma_wait3A_155 = tpu.memref_slice %arg2[%dma_wait3A_153, %dma_wait3A_154] : memref<32x1000000xf32, #tpu.memory_space<hbm>> -> memref<8x512xf32, #tpu.memory_space<hbm>>
        %dma_wait3A_156 = tpu.memref_slice %arg8[%dma_wait3A_148] : memref<4x!tpu.dma_semaphore, #tpu.memory_space<semaphore_mem>> -> memref<1x!tpu.dma_semaphore, #tpu.memory_space<semaphore_mem>>
        %dma_wait3A_157 = tpu.memref_squeeze %dma_wait3A_156 : memref<1x!tpu.dma_semaphore, #tpu.memory_space<semaphore_mem>> -> memref<!tpu.dma_semaphore, #tpu.memory_space<semaphore_mem>>
        %dma_wait3A_158 = arith.constant 0 : i32
        %dma_wait3A_159 = arith.constant 0 : i32
        %dma_wait3A_160 = tpu.memref_slice %arg5[%dma_wait3A_146, %dma_wait3A_147, %dma_wait3A_158, %dma_wait3A_159] : memref<2x4x8x512xf32, #tpu.memory_space<vmem>> -> memref<1x1x8x512xf32, #tpu.memory_space<vmem>>
        %dma_wait3A_161 = tpu.memref_squeeze %dma_wait3A_160 : memref<1x1x8x512xf32, #tpu.memory_space<vmem>> -> memref<8x512xf32, #tpu.memory_space<vmem>>
        %dma_wait3A_162 = arith.constant 0 : i32
        %dma_wait3A_163 = arith.constant 0 : i32
        %dma_wait3A_164 = tpu.memref_slice %arg2[%dma_wait3A_162, %dma_wait3A_163] : memref<32x1000000xf32, #tpu.memory_space<hbm>> -> memref<8x512xf32, #tpu.memory_space<hbm>>
        tpu.wait_dma2 semaphore(%dma_wait3A_157 : memref<!tpu.dma_semaphore, #tpu.memory_space<semaphore_mem>>) src(%dma_wait3A_164 : memref<8x512xf32, #tpu.memory_space<hbm>>) dst(%dma_wait3A_161 : memref<8x512xf32, #tpu.memory_space<vmem>>)
        %mul3A_165 = arith.constant 2 : i32
        %mul3A_166 = arith.muli %mul3A_165, %scan3A_60 : i32
        %add3A_167 = arith.constant 1 : i32
        %add3A_168 = arith.addi %mul3A_166, %add3A_167 : i32
        %ge3A = arith.constant 2 : i32
        %ge3A_169 = arith.cmpi sge, %add3A_168, %ge3A : i32
        %convert_element_type3A_170 = arith.extui %ge3A_169 : i1 to i32
        %cond3A_171 = arith.constant 0 : i32
        %cond3A_172 = arith.cmpi ne, %convert_element_type3A_170, %cond3A_171 : i32
        scf.if %cond3A_172 {
          %dma_wait3A_203 = arith.constant 1 : i32
          %dma_wait3A_204 = arith.constant 3 : i32
          %dma_wait3A_205 = arith.constant 0 : i32
          %dma_wait3A_206 = arith.constant 0 : i32
          %dma_wait3A_207 = tpu.memref_slice %arg6[%dma_wait3A_203, %dma_wait3A_205, %dma_wait3A_206] : memref<2x128x128xf32, #tpu.memory_space<vmem>> -> memref<1x128x128xf32, #tpu.memory_space<vmem>>
          %dma_wait3A_208 = tpu.memref_squeeze %dma_wait3A_207 : memref<1x128x128xf32, #tpu.memory_space<vmem>> -> memref<128x128xf32, #tpu.memory_space<vmem>>
          %dma_wait3A_209 = arith.constant 0 : i32
          %dma_wait3A_210 = arith.constant 0 : i32
          %dma_wait3A_211 = tpu.memref_slice %arg4[%dma_wait3A_209, %dma_wait3A_210] : memref<250000x128xf32, #tpu.memory_space<hbm>> -> memref<128x128xf32, #tpu.memory_space<hbm>>
          %dma_wait3A_212 = tpu.memref_slice %arg8[%dma_wait3A_204] : memref<4x!tpu.dma_semaphore, #tpu.memory_space<semaphore_mem>> -> memref<1x!tpu.dma_semaphore, #tpu.memory_space<semaphore_mem>>
          %dma_wait3A_213 = tpu.memref_squeeze %dma_wait3A_212 : memref<1x!tpu.dma_semaphore, #tpu.memory_space<semaphore_mem>> -> memref<!tpu.dma_semaphore, #tpu.memory_space<semaphore_mem>>
          %dma_wait3A_214 = arith.constant 0 : i32
          %dma_wait3A_215 = arith.constant 0 : i32
          %dma_wait3A_216 = tpu.memref_slice %arg4[%dma_wait3A_214, %dma_wait3A_215] : memref<250000x128xf32, #tpu.memory_space<hbm>> -> memref<128x128xf32, #tpu.memory_space<hbm>>
          %dma_wait3A_217 = arith.constant 0 : i32
          %dma_wait3A_218 = arith.constant 0 : i32
          %dma_wait3A_219 = tpu.memref_slice %arg6[%dma_wait3A_203, %dma_wait3A_217, %dma_wait3A_218] : memref<2x128x128xf32, #tpu.memory_space<vmem>> -> memref<1x128x128xf32, #tpu.memory_space<vmem>>
          %dma_wait3A_220 = tpu.memref_squeeze %dma_wait3A_219 : memref<1x128x128xf32, #tpu.memory_space<vmem>> -> memref<128x128xf32, #tpu.memory_space<vmem>>
          tpu.wait_dma2 semaphore(%dma_wait3A_213 : memref<!tpu.dma_semaphore, #tpu.memory_space<semaphore_mem>>) src(%dma_wait3A_220 : memref<128x128xf32, #tpu.memory_space<vmem>>) dst(%dma_wait3A_216 : memref<128x128xf32, #tpu.memory_space<hbm>>)
        } else {
        }
        %scan3A_173 = arith.constant 0 : i32
        %scan3A_174 = arith.constant 0 : i32
        %scan3A_175 = arith.constant 128 : i32
        %scan3A_176 = arith.addi %scan3A_174, %scan3A_175 : i32
        %scan3A_177 = arith.constant 1 : i32
        scf.for %scan3A_203 = %scan3A_174 to %scan3A_176 step %scan3A_177  : i32 {
          %shift_right_arithmetic3A_204 = arith.constant 5 : i32
          %shift_right_arithmetic3A_205 = arith.shrsi %scan3A_203, %shift_right_arithmetic3A_204 : i32
          %mul3A_206 = arith.constant 128 : i32
          %mul3A_207 = arith.muli %shift_right_arithmetic3A_205, %mul3A_206 : i32
          %and3A_208 = arith.constant 31 : i32
          %and3A_209 = arith.andi %scan3A_203, %and3A_208 : i32
          %mul3A_210 = arith.constant 4 : i32
          %mul3A_211 = arith.muli %mul3A_210, %and3A_209 : i32
          %add3A_212 = arith.addi %mul3A_207, %mul3A_211 : i32
          %add3A_213 = arith.constant 0 : i32
          %add3A_214 = vector.broadcast %add3A_213 : i32 to vector<16xi32>
          %add3A_215 = arith.addi %shift_right_arithmetic3A_4, %add3A_214 : vector<16xi32>
          %broadcast_in_dim3A = arith.constant 0 : i32
          %broadcast_in_dim3A_216 = vector.broadcast %broadcast_in_dim3A : i32 to vector<16xi32>
          %add3A_217 = arith.constant 0 : i32
          %add3A_218 = arith.addi %add3A_212, %add3A_217 : i32
          %add3A_219 = vector.broadcast %add3A_218 : i32 to vector<16xi32>
          %add3A_220 = arith.addi %broadcast_in_dim3A_216, %add3A_219 : vector<16xi32>
          %gather3A = arith.constant 1 : i32
          %gather3A_221 = arith.constant 0 : i32
          %gather3A_222 = arith.constant 0 : i32
          %gather3A_223 = arith.constant 0 : i32
          %gather3A_224 = tpu.memref_slice %arg5[%gather3A, %gather3A_221, %gather3A_222, %gather3A_223] : memref<2x4x8x512xf32, #tpu.memory_space<vmem>> -> memref<1x4x8x512xf32, #tpu.memory_space<vmem>>
          %gather3A_225 = tpu.memref_squeeze %gather3A_224 : memref<1x4x8x512xf32, #tpu.memory_space<vmem>> -> memref<4x8x512xf32, #tpu.memory_space<vmem>>
          %gather3A_226 = tpu.vector_load_idx %gather3A_225[%add3A_215, %and3A_2, %add3A_220] : memref<4x8x512xf32, #tpu.memory_space<vmem>>[vector<16xi32>, vector<16xi32>, vector<16xi32>], vector<16xf32>,
          %swap3A = arith.constant 1 : i32
          %swap3A_227 = arith.index_cast %swap3A : i32 to index
          %swap3A_228 = arith.index_cast %scan3A_203 : i32 to index
          %swap3A_229 = arith.constant 0 : index
          %swap3A_230 = tpu.vector_load %arg6[%swap3A_227, %swap3A_228, %swap3A_229] {strides = array<i32>} : memref<2x128x128xf32, #tpu.memory_space<vmem>>, vector<16xf32>,
          tpu.vector_store %arg6[%swap3A_227, %swap3A_228, %swap3A_229], %gather3A_226 {strides = array<i32>} : memref<2x128x128xf32, #tpu.memory_space<vmem>>, vector<16xf32>,
          %add3A_231 = arith.constant 2 : i32
          %add3A_232 = vector.broadcast %add3A_231 : i32 to vector<16xi32>
          %add3A_233 = arith.addi %shift_right_arithmetic3A_4, %add3A_232 : vector<16xi32>
          %broadcast_in_dim3A_234 = arith.constant 0 : i32
          %broadcast_in_dim3A_235 = vector.broadcast %broadcast_in_dim3A_234 : i32 to vector<16xi32>
          %add3A_236 = arith.constant 0 : i32
          %add3A_237 = arith.addi %add3A_212, %add3A_236 : i32
          %add3A_238 = vector.broadcast %add3A_237 : i32 to vector<16xi32>
          %add3A_239 = arith.addi %broadcast_in_dim3A_235, %add3A_238 : vector<16xi32>
          %gather3A_240 = arith.constant 1 : i32
          %gather3A_241 = arith.constant 0 : i32
          %gather3A_242 = arith.constant 0 : i32
          %gather3A_243 = arith.constant 0 : i32
          %gather3A_244 = tpu.memref_slice %arg5[%gather3A_240, %gather3A_241, %gather3A_242, %gather3A_243] : memref<2x4x8x512xf32, #tpu.memory_space<vmem>> -> memref<1x4x8x512xf32, #tpu.memory_space<vmem>>
          %gather3A_245 = tpu.memref_squeeze %gather3A_244 : memref<1x4x8x512xf32, #tpu.memory_space<vmem>> -> memref<4x8x512xf32, #tpu.memory_space<vmem>>
          %gather3A_246 = tpu.vector_load_idx %gather3A_245[%add3A_233, %and3A_2, %add3A_239] : memref<4x8x512xf32, #tpu.memory_space<vmem>>[vector<16xi32>, vector<16xi32>, vector<16xi32>], vector<16xf32>,
          %swap3A_247 = arith.constant 1 : i32
          %swap3A_248 = arith.index_cast %swap3A_247 : i32 to index
          %swap3A_249 = arith.index_cast %scan3A_203 : i32 to index
          %swap3A_250 = arith.constant 16 : index
          %swap3A_251 = tpu.vector_load %arg6[%swap3A_248, %swap3A_249, %swap3A_250] {strides = array<i32>} : memref<2x128x128xf32, #tpu.memory_space<vmem>>, vector<16xf32>,
          tpu.vector_store %arg6[%swap3A_248, %swap3A_249, %swap3A_250], %gather3A_246 {strides = array<i32>} : memref<2x128x128xf32, #tpu.memory_space<vmem>>, vector<16xf32>,
          %add3A_252 = arith.constant 0 : i32
          %add3A_253 = vector.broadcast %add3A_252 : i32 to vector<16xi32>
          %add3A_254 = arith.addi %shift_right_arithmetic3A_4, %add3A_253 : vector<16xi32>
          %broadcast_in_dim3A_255 = arith.constant 0 : i32
          %broadcast_in_dim3A_256 = vector.broadcast %broadcast_in_dim3A_255 : i32 to vector<16xi32>
          %add3A_257 = arith.constant 1 : i32
          %add3A_258 = arith.addi %add3A_212, %add3A_257 : i32
          %add3A_259 = vector.broadcast %add3A_258 : i32 to vector<16xi32>
          %add3A_260 = arith.addi %broadcast_in_dim3A_256, %add3A_259 : vector<16xi32>
          %gather3A_261 = arith.constant 1 : i32
          %gather3A_262 = arith.constant 0 : i32
          %gather3A_263 = arith.constant 0 : i32
          %gather3A_264 = arith.constant 0 : i32
          %gather3A_265 = tpu.memref_slice %arg5[%gather3A_261, %gather3A_262, %gather3A_263, %gather3A_264] : memref<2x4x8x512xf32, #tpu.memory_space<vmem>> -> memref<1x4x8x512xf32, #tpu.memory_space<vmem>>
          %gather3A_266 = tpu.memref_squeeze %gather3A_265 : memref<1x4x8x512xf32, #tpu.memory_space<vmem>> -> memref<4x8x512xf32, #tpu.memory_space<vmem>>
          %gather3A_267 = tpu.vector_load_idx %gather3A_266[%add3A_254, %and3A_2, %add3A_260] : memref<4x8x512xf32, #tpu.memory_space<vmem>>[vector<16xi32>, vector<16xi32>, vector<16xi32>], vector<16xf32>,
          %swap3A_268 = arith.constant 1 : i32
          %swap3A_269 = arith.index_cast %swap3A_268 : i32 to index
          %swap3A_270 = arith.index_cast %scan3A_203 : i32 to index
          %swap3A_271 = arith.constant 32 : index
          %swap3A_272 = tpu.vector_load %arg6[%swap3A_269, %swap3A_270, %swap3A_271] {strides = array<i32>} : memref<2x128x128xf32, #tpu.memory_space<vmem>>, vector<16xf32>,
          tpu.vector_store %arg6[%swap3A_269, %swap3A_270, %swap3A_271], %gather3A_267 {strides = array<i32>} : memref<2x128x128xf32, #tpu.memory_space<vmem>>, vector<16xf32>,
          %add3A_273 = arith.constant 2 : i32
          %add3A_274 = vector.broadcast %add3A_273 : i32 to vector<16xi32>
          %add3A_275 = arith.addi %shift_right_arithmetic3A_4, %add3A_274 : vector<16xi32>
          %broadcast_in_dim3A_276 = arith.constant 0 : i32
          %broadcast_in_dim3A_277 = vector.broadcast %broadcast_in_dim3A_276 : i32 to vector<16xi32>
          %add3A_278 = arith.constant 1 : i32
          %add3A_279 = arith.addi %add3A_212, %add3A_278 : i32
          %add3A_280 = vector.broadcast %add3A_279 : i32 to vector<16xi32>
          %add3A_281 = arith.addi %broadcast_in_dim3A_277, %add3A_280 : vector<16xi32>
          %gather3A_282 = arith.constant 1 : i32
          %gather3A_283 = arith.constant 0 : i32
          %gather3A_284 = arith.constant 0 : i32
          %gather3A_285 = arith.constant 0 : i32
          %gather3A_286 = tpu.memref_slice %arg5[%gather3A_282, %gather3A_283, %gather3A_284, %gather3A_285] : memref<2x4x8x512xf32, #tpu.memory_space<vmem>> -> memref<1x4x8x512xf32, #tpu.memory_space<vmem>>
          %gather3A_287 = tpu.memref_squeeze %gather3A_286 : memref<1x4x8x512xf32, #tpu.memory_space<vmem>> -> memref<4x8x512xf32, #tpu.memory_space<vmem>>
          %gather3A_288 = tpu.vector_load_idx %gather3A_287[%add3A_275, %and3A_2, %add3A_281] : memref<4x8x512xf32, #tpu.memory_space<vmem>>[vector<16xi32>, vector<16xi32>, vector<16xi32>], vector<16xf32>,
          %swap3A_289 = arith.constant 1 : i32
          %swap3A_290 = arith.index_cast %swap3A_289 : i32 to index
          %swap3A_291 = arith.index_cast %scan3A_203 : i32 to index
          %swap3A_292 = arith.constant 48 : index
          %swap3A_293 = tpu.vector_load %arg6[%swap3A_290, %swap3A_291, %swap3A_292] {strides = array<i32>} : memref<2x128x128xf32, #tpu.memory_space<vmem>>, vector<16xf32>,
          tpu.vector_store %arg6[%swap3A_290, %swap3A_291, %swap3A_292], %gather3A_288 {strides = array<i32>} : memref<2x128x128xf32, #tpu.memory_space<vmem>>, vector<16xf32>,
          %add3A_294 = arith.constant 0 : i32
          %add3A_295 = vector.broadcast %add3A_294 : i32 to vector<16xi32>
          %add3A_296 = arith.addi %shift_right_arithmetic3A_4, %add3A_295 : vector<16xi32>
          %broadcast_in_dim3A_297 = arith.constant 0 : i32
          %broadcast_in_dim3A_298 = vector.broadcast %broadcast_in_dim3A_297 : i32 to vector<16xi32>
          %add3A_299 = arith.constant 2 : i32
          %add3A_300 = arith.addi %add3A_212, %add3A_299 : i32
          %add3A_301 = vector.broadcast %add3A_300 : i32 to vector<16xi32>
          %add3A_302 = arith.addi %broadcast_in_dim3A_298, %add3A_301 : vector<16xi32>
          %gather3A_303 = arith.constant 1 : i32
          %gather3A_304 = arith.constant 0 : i32
          %gather3A_305 = arith.constant 0 : i32
          %gather3A_306 = arith.constant 0 : i32
          %gather3A_307 = tpu.memref_slice %arg5[%gather3A_303, %gather3A_304, %gather3A_305, %gather3A_306] : memref<2x4x8x512xf32, #tpu.memory_space<vmem>> -> memref<1x4x8x512xf32, #tpu.memory_space<vmem>>
          %gather3A_308 = tpu.memref_squeeze %gather3A_307 : memref<1x4x8x512xf32, #tpu.memory_space<vmem>> -> memref<4x8x512xf32, #tpu.memory_space<vmem>>
          %gather3A_309 = tpu.vector_load_idx %gather3A_308[%add3A_296, %and3A_2, %add3A_302] : memref<4x8x512xf32, #tpu.memory_space<vmem>>[vector<16xi32>, vector<16xi32>, vector<16xi32>], vector<16xf32>,
          %swap3A_310 = arith.constant 1 : i32
          %swap3A_311 = arith.index_cast %swap3A_310 : i32 to index
          %swap3A_312 = arith.index_cast %scan3A_203 : i32 to index
          %swap3A_313 = arith.constant 64 : index
          %swap3A_314 = tpu.vector_load %arg6[%swap3A_311, %swap3A_312, %swap3A_313] {strides = array<i32>} : memref<2x128x128xf32, #tpu.memory_space<vmem>>, vector<16xf32>,
          tpu.vector_store %arg6[%swap3A_311, %swap3A_312, %swap3A_313], %gather3A_309 {strides = array<i32>} : memref<2x128x128xf32, #tpu.memory_space<vmem>>, vector<16xf32>,
          %add3A_315 = arith.constant 2 : i32
          %add3A_316 = vector.broadcast %add3A_315 : i32 to vector<16xi32>
          %add3A_317 = arith.addi %shift_right_arithmetic3A_4, %add3A_316 : vector<16xi32>
          %broadcast_in_dim3A_318 = arith.constant 0 : i32
          %broadcast_in_dim3A_319 = vector.broadcast %broadcast_in_dim3A_318 : i32 to vector<16xi32>
          %add3A_320 = arith.constant 2 : i32
          %add3A_321 = arith.addi %add3A_212, %add3A_320 : i32
          %add3A_322 = vector.broadcast %add3A_321 : i32 to vector<16xi32>
          %add3A_323 = arith.addi %broadcast_in_dim3A_319, %add3A_322 : vector<16xi32>
          %gather3A_324 = arith.constant 1 : i32
          %gather3A_325 = arith.constant 0 : i32
          %gather3A_326 = arith.constant 0 : i32
          %gather3A_327 = arith.constant 0 : i32
          %gather3A_328 = tpu.memref_slice %arg5[%gather3A_324, %gather3A_325, %gather3A_326, %gather3A_327] : memref<2x4x8x512xf32, #tpu.memory_space<vmem>> -> memref<1x4x8x512xf32, #tpu.memory_space<vmem>>
          %gather3A_329 = tpu.memref_squeeze %gather3A_328 : memref<1x4x8x512xf32, #tpu.memory_space<vmem>> -> memref<4x8x512xf32, #tpu.memory_space<vmem>>
          %gather3A_330 = tpu.vector_load_idx %gather3A_329[%add3A_317, %and3A_2, %add3A_323] : memref<4x8x512xf32, #tpu.memory_space<vmem>>[vector<16xi32>, vector<16xi32>, vector<16xi32>], vector<16xf32>,
          %swap3A_331 = arith.constant 1 : i32
          %swap3A_332 = arith.index_cast %swap3A_331 : i32 to index
          %swap3A_333 = arith.index_cast %scan3A_203 : i32 to index
          %swap3A_334 = arith.constant 80 : index
          %swap3A_335 = tpu.vector_load %arg6[%swap3A_332, %swap3A_333, %swap3A_334] {strides = array<i32>} : memref<2x128x128xf32, #tpu.memory_space<vmem>>, vector<16xf32>,
          tpu.vector_store %arg6[%swap3A_332, %swap3A_333, %swap3A_334], %gather3A_330 {strides = array<i32>} : memref<2x128x128xf32, #tpu.memory_space<vmem>>, vector<16xf32>,
          %add3A_336 = arith.constant 0 : i32
          %add3A_337 = vector.broadcast %add3A_336 : i32 to vector<16xi32>
          %add3A_338 = arith.addi %shift_right_arithmetic3A_4, %add3A_337 : vector<16xi32>
          %broadcast_in_dim3A_339 = arith.constant 0 : i32
          %broadcast_in_dim3A_340 = vector.broadcast %broadcast_in_dim3A_339 : i32 to vector<16xi32>
          %add3A_341 = arith.constant 3 : i32
          %add3A_342 = arith.addi %add3A_212, %add3A_341 : i32
          %add3A_343 = vector.broadcast %add3A_342 : i32 to vector<16xi32>
          %add3A_344 = arith.addi %broadcast_in_dim3A_340, %add3A_343 : vector<16xi32>
          %gather3A_345 = arith.constant 1 : i32
          %gather3A_346 = arith.constant 0 : i32
          %gather3A_347 = arith.constant 0 : i32
          %gather3A_348 = arith.constant 0 : i32
          %gather3A_349 = tpu.memref_slice %arg5[%gather3A_345, %gather3A_346, %gather3A_347, %gather3A_348] : memref<2x4x8x512xf32, #tpu.memory_space<vmem>> -> memref<1x4x8x512xf32, #tpu.memory_space<vmem>>
          %gather3A_350 = tpu.memref_squeeze %gather3A_349 : memref<1x4x8x512xf32, #tpu.memory_space<vmem>> -> memref<4x8x512xf32, #tpu.memory_space<vmem>>
          %gather3A_351 = tpu.vector_load_idx %gather3A_350[%add3A_338, %and3A_2, %add3A_344] : memref<4x8x512xf32, #tpu.memory_space<vmem>>[vector<16xi32>, vector<16xi32>, vector<16xi32>], vector<16xf32>,
          %swap3A_352 = arith.constant 1 : i32
          %swap3A_353 = arith.index_cast %swap3A_352 : i32 to index
          %swap3A_354 = arith.index_cast %scan3A_203 : i32 to index
          %swap3A_355 = arith.constant 96 : index
          %swap3A_356 = tpu.vector_load %arg6[%swap3A_353, %swap3A_354, %swap3A_355] {strides = array<i32>} : memref<2x128x128xf32, #tpu.memory_space<vmem>>, vector<16xf32>,
          tpu.vector_store %arg6[%swap3A_353, %swap3A_354, %swap3A_355], %gather3A_351 {strides = array<i32>} : memref<2x128x128xf32, #tpu.memory_space<vmem>>, vector<16xf32>,
          %add3A_357 = arith.constant 2 : i32
          %add3A_358 = vector.broadcast %add3A_357 : i32 to vector<16xi32>
          %add3A_359 = arith.addi %shift_right_arithmetic3A_4, %add3A_358 : vector<16xi32>
          %broadcast_in_dim3A_360 = arith.constant 0 : i32
          %broadcast_in_dim3A_361 = vector.broadcast %broadcast_in_dim3A_360 : i32 to vector<16xi32>
          %add3A_362 = arith.constant 3 : i32
          %add3A_363 = arith.addi %add3A_212, %add3A_362 : i32
          %add3A_364 = vector.broadcast %add3A_363 : i32 to vector<16xi32>
          %add3A_365 = arith.addi %broadcast_in_dim3A_361, %add3A_364 : vector<16xi32>
          %gather3A_366 = arith.constant 1 : i32
          %gather3A_367 = arith.constant 0 : i32
          %gather3A_368 = arith.constant 0 : i32
          %gather3A_369 = arith.constant 0 : i32
          %gather3A_370 = tpu.memref_slice %arg5[%gather3A_366, %gather3A_367, %gather3A_368, %gather3A_369] : memref<2x4x8x512xf32, #tpu.memory_space<vmem>> -> memref<1x4x8x512xf32, #tpu.memory_space<vmem>>
          %gather3A_371 = tpu.memref_squeeze %gather3A_370 : memref<1x4x8x512xf32, #tpu.memory_space<vmem>> -> memref<4x8x512xf32, #tpu.memory_space<vmem>>
          %gather3A_372 = tpu.vector_load_idx %gather3A_371[%add3A_359, %and3A_2, %add3A_365] : memref<4x8x512xf32, #tpu.memory_space<vmem>>[vector<16xi32>, vector<16xi32>, vector<16xi32>], vector<16xf32>,
          %swap3A_373 = arith.constant 1 : i32
          %swap3A_374 = arith.index_cast %swap3A_373 : i32 to index
          %swap3A_375 = arith.index_cast %scan3A_203 : i32 to index
          %swap3A_376 = arith.constant 112 : index
          %swap3A_377 = tpu.vector_load %arg6[%swap3A_374, %swap3A_375, %swap3A_376] {strides = array<i32>} : memref<2x128x128xf32, #tpu.memory_space<vmem>>, vector<16xf32>,
          tpu.vector_store %arg6[%swap3A_374, %swap3A_375, %swap3A_376], %gather3A_372 {strides = array<i32>} : memref<2x128x128xf32, #tpu.memory_space<vmem>>, vector<16xf32>,
        }
        %scan3A_178 = arith.constant 128 : i32
        %mul3A_179 = arith.constant 32 : i32
        %mul3A_180 = arith.muli %add3A_81, %mul3A_179 : i32
        %mul3A_181 = arith.constant 4 : i32
        %mul3A_182 = arith.muli %mul3A_180, %mul3A_181 : i32
        %dma_start3A = arith.constant 1 : i32
        %dma_start3A_183 = arith.constant 3 : i32
        %dma_start3A_184 = arith.constant 0 : i32
        %dma_start3A_185 = arith.constant 0 : i32
        %dma_start3A_186 = tpu.memref_slice %arg6[%dma_start3A, %dma_start3A_184, %dma_start3A_185] : memref<2x128x128xf32, #tpu.memory_space<vmem>> -> memref<1x128x128xf32, #tpu.memory_space<vmem>>
        %dma_start3A_187 = tpu.memref_squeeze %dma_start3A_186 : memref<1x128x128xf32, #tpu.memory_space<vmem>> -> memref<128x128xf32, #tpu.memory_space<vmem>>
        %dma_start3A_188 = arith.constant 0 : i32
        %dma_start3A_189 = tpu.memref_slice %arg4[%mul3A_182, %dma_start3A_188] : memref<250000x128xf32, #tpu.memory_space<hbm>> -> memref<128x128xf32, #tpu.memory_space<hbm>>
        %dma_start3A_190 = tpu.memref_slice %arg8[%dma_start3A_183] : memref<4x!tpu.dma_semaphore, #tpu.memory_space<semaphore_mem>> -> memref<1x!tpu.dma_semaphore, #tpu.memory_space<semaphore_mem>>
        %dma_start3A_191 = tpu.memref_squeeze %dma_start3A_190 : memref<1x!tpu.dma_semaphore, #tpu.memory_space<semaphore_mem>> -> memref<!tpu.dma_semaphore, #tpu.memory_space<semaphore_mem>>
        %dma_start3A_192 = arith.constant 0 : i32
        %dma_start3A_193 = tpu.memref_slice %arg4[%mul3A_182, %dma_start3A_192] : memref<250000x128xf32, #tpu.memory_space<hbm>> -> memref<128x128xf32, #tpu.memory_space<hbm>>
        %dma_start3A_194 = arith.constant 0 : i32
        %dma_start3A_195 = arith.constant 0 : i32
        %dma_start3A_196 = tpu.memref_slice %arg6[%dma_start3A, %dma_start3A_194, %dma_start3A_195] : memref<2x128x128xf32, #tpu.memory_space<vmem>> -> memref<1x128x128xf32, #tpu.memory_space<vmem>>
        %dma_start3A_197 = tpu.memref_squeeze %dma_start3A_196 : memref<1x128x128xf32, #tpu.memory_space<vmem>> -> memref<128x128xf32, #tpu.memory_space<vmem>>
        tpu.enqueue_dma source(%dma_start3A_197 : memref<128x128xf32, #tpu.memory_space<vmem>>) target(%dma_start3A_193 : memref<128x128xf32, #tpu.memory_space<hbm>>) target_semaphore(%dma_start3A_191 : memref<!tpu.dma_semaphore, #tpu.memory_space<semaphore_mem>>)
        %lt3A_198 = arith.constant 1953 : i32
        %lt3A_199 = arith.cmpi slt, %add3A_83, %lt3A_198 : i32
        %convert_element_type3A_200 = arith.extui %lt3A_199 : i1 to i32
        %cond3A_201 = arith.constant 0 : i32
        %cond3A_202 = arith.cmpi ne, %convert_element_type3A_200, %cond3A_201 : i32
        scf.if %cond3A_202 {
          %mul3A_203 = arith.constant 128 : i32
          %mul3A_204 = arith.muli %add3A_83, %mul3A_203 : i32
          %mul3A_205 = arith.constant 4 : i32
          %mul3A_206 = arith.muli %mul3A_204, %mul3A_205 : i32
          %dma_start3A_207 = arith.constant 1 : i32
          %dma_start3A_208 = arith.constant 0 : i32
          %dma_start3A_209 = arith.constant 1 : i32
          %dma_start3A_210 = arith.constant 0 : i32
          %dma_start3A_211 = arith.constant 0 : i32
          %dma_start3A_212 = tpu.memref_slice %arg5[%dma_start3A_207, %dma_start3A_208, %dma_start3A_210, %dma_start3A_211] : memref<2x4x8x512xf32, #tpu.memory_space<vmem>> -> memref<1x1x8x512xf32, #tpu.memory_space<vmem>>
          %dma_start3A_213 = tpu.memref_squeeze %dma_start3A_212 : memref<1x1x8x512xf32, #tpu.memory_space<vmem>> -> memref<8x512xf32, #tpu.memory_space<vmem>>
          %dma_start3A_214 = arith.constant 0 : i32
          %dma_start3A_215 = tpu.memref_slice %arg2[%dma_start3A_214, %mul3A_206] : memref<32x1000000xf32, #tpu.memory_space<hbm>> -> memref<8x512xf32, #tpu.memory_space<hbm>>
          %dma_start3A_216 = tpu.memref_slice %arg8[%dma_start3A_209] : memref<4x!tpu.dma_semaphore, #tpu.memory_space<semaphore_mem>> -> memref<1x!tpu.dma_semaphore, #tpu.memory_space<semaphore_mem>>
          %dma_start3A_217 = tpu.memref_squeeze %dma_start3A_216 : memref<1x!tpu.dma_semaphore, #tpu.memory_space<semaphore_mem>> -> memref<!tpu.dma_semaphore, #tpu.memory_space<semaphore_mem>>
          %dma_start3A_218 = arith.constant 0 : i32
          %dma_start3A_219 = arith.constant 0 : i32
          %dma_start3A_220 = tpu.memref_slice %arg5[%dma_start3A_207, %dma_start3A_208, %dma_start3A_218, %dma_start3A_219] : memref<2x4x8x512xf32, #tpu.memory_space<vmem>> -> memref<1x1x8x512xf32, #tpu.memory_space<vmem>>
          %dma_start3A_221 = tpu.memref_squeeze %dma_start3A_220 : memref<1x1x8x512xf32, #tpu.memory_space<vmem>> -> memref<8x512xf32, #tpu.memory_space<vmem>>
          %dma_start3A_222 = arith.constant 0 : i32
          %dma_start3A_223 = tpu.memref_slice %arg2[%dma_start3A_222, %mul3A_206] : memref<32x1000000xf32, #tpu.memory_space<hbm>> -> memref<8x512xf32, #tpu.memory_space<hbm>>
          tpu.enqueue_dma source(%dma_start3A_223 : memref<8x512xf32, #tpu.memory_space<hbm>>) target(%dma_start3A_221 : memref<8x512xf32, #tpu.memory_space<vmem>>) target_semaphore(%dma_start3A_217 : memref<!tpu.dma_semaphore, #tpu.memory_space<semaphore_mem>>)
          %mul3A_224 = arith.constant 128 : i32
          %mul3A_225 = arith.muli %add3A_83, %mul3A_224 : i32
          %mul3A_226 = arith.constant 4 : i32
          %mul3A_227 = arith.muli %mul3A_225, %mul3A_226 : i32
          %dma_start3A_228 = arith.constant 1 : i32
          %dma_start3A_229 = arith.constant 1 : i32
          %dma_start3A_230 = arith.constant 1 : i32
          %dma_start3A_231 = arith.constant 0 : i32
          %dma_start3A_232 = arith.constant 0 : i32
          %dma_start3A_233 = tpu.memref_slice %arg5[%dma_start3A_228, %dma_start3A_229, %dma_start3A_231, %dma_start3A_232] : memref<2x4x8x512xf32, #tpu.memory_space<vmem>> -> memref<1x1x8x512xf32, #tpu.memory_space<vmem>>
          %dma_start3A_234 = tpu.memref_squeeze %dma_start3A_233 : memref<1x1x8x512xf32, #tpu.memory_space<vmem>> -> memref<8x512xf32, #tpu.memory_space<vmem>>
          %dma_start3A_235 = arith.constant 8 : i32
          %dma_start3A_236 = tpu.memref_slice %arg2[%dma_start3A_235, %mul3A_227] : memref<32x1000000xf32, #tpu.memory_space<hbm>> -> memref<8x512xf32, #tpu.memory_space<hbm>>
          %dma_start3A_237 = tpu.memref_slice %arg8[%dma_start3A_230] : memref<4x!tpu.dma_semaphore, #tpu.memory_space<semaphore_mem>> -> memref<1x!tpu.dma_semaphore, #tpu.memory_space<semaphore_mem>>
          %dma_start3A_238 = tpu.memref_squeeze %dma_start3A_237 : memref<1x!tpu.dma_semaphore, #tpu.memory_space<semaphore_mem>> -> memref<!tpu.dma_semaphore, #tpu.memory_space<semaphore_mem>>
          %dma_start3A_239 = arith.constant 0 : i32
          %dma_start3A_240 = arith.constant 0 : i32
          %dma_start3A_241 = tpu.memref_slice %arg5[%dma_start3A_228, %dma_start3A_229, %dma_start3A_239, %dma_start3A_240] : memref<2x4x8x512xf32, #tpu.memory_space<vmem>> -> memref<1x1x8x512xf32, #tpu.memory_space<vmem>>
          %dma_start3A_242 = tpu.memref_squeeze %dma_start3A_241 : memref<1x1x8x512xf32, #tpu.memory_space<vmem>> -> memref<8x512xf32, #tpu.memory_space<vmem>>
          %dma_start3A_243 = arith.constant 8 : i32
          %dma_start3A_244 = tpu.memref_slice %arg2[%dma_start3A_243, %mul3A_227] : memref<32x1000000xf32, #tpu.memory_space<hbm>> -> memref<8x512xf32, #tpu.memory_space<hbm>>
          tpu.enqueue_dma source(%dma_start3A_244 : memref<8x512xf32, #tpu.memory_space<hbm>>) target(%dma_start3A_242 : memref<8x512xf32, #tpu.memory_space<vmem>>) target_semaphore(%dma_start3A_238 : memref<!tpu.dma_semaphore, #tpu.memory_space<semaphore_mem>>)
          %mul3A_245 = arith.constant 128 : i32
          %mul3A_246 = arith.muli %add3A_83, %mul3A_245 : i32
          %mul3A_247 = arith.constant 4 : i32
          %mul3A_248 = arith.muli %mul3A_246, %mul3A_247 : i32
          %dma_start3A_249 = arith.constant 1 : i32
          %dma_start3A_250 = arith.constant 2 : i32
          %dma_start3A_251 = arith.constant 1 : i32
          %dma_start3A_252 = arith.constant 0 : i32
          %dma_start3A_253 = arith.constant 0 : i32
          %dma_start3A_254 = tpu.memref_slice %arg5[%dma_start3A_249, %dma_start3A_250, %dma_start3A_252, %dma_start3A_253] : memref<2x4x8x512xf32, #tpu.memory_space<vmem>> -> memref<1x1x8x512xf32, #tpu.memory_space<vmem>>
          %dma_start3A_255 = tpu.memref_squeeze %dma_start3A_254 : memref<1x1x8x512xf32, #tpu.memory_space<vmem>> -> memref<8x512xf32, #tpu.memory_space<vmem>>
          %dma_start3A_256 = arith.constant 16 : i32
          %dma_start3A_257 = tpu.memref_slice %arg2[%dma_start3A_256, %mul3A_248] : memref<32x1000000xf32, #tpu.memory_space<hbm>> -> memref<8x512xf32, #tpu.memory_space<hbm>>
          %dma_start3A_258 = tpu.memref_slice %arg8[%dma_start3A_251] : memref<4x!tpu.dma_semaphore, #tpu.memory_space<semaphore_mem>> -> memref<1x!tpu.dma_semaphore, #tpu.memory_space<semaphore_mem>>
          %dma_start3A_259 = tpu.memref_squeeze %dma_start3A_258 : memref<1x!tpu.dma_semaphore, #tpu.memory_space<semaphore_mem>> -> memref<!tpu.dma_semaphore, #tpu.memory_space<semaphore_mem>>
          %dma_start3A_260 = arith.constant 0 : i32
          %dma_start3A_261 = arith.constant 0 : i32
          %dma_start3A_262 = tpu.memref_slice %arg5[%dma_start3A_249, %dma_start3A_250, %dma_start3A_260, %dma_start3A_261] : memref<2x4x8x512xf32, #tpu.memory_space<vmem>> -> memref<1x1x8x512xf32, #tpu.memory_space<vmem>>
          %dma_start3A_263 = tpu.memref_squeeze %dma_start3A_262 : memref<1x1x8x512xf32, #tpu.memory_space<vmem>> -> memref<8x512xf32, #tpu.memory_space<vmem>>
          %dma_start3A_264 = arith.constant 16 : i32
          %dma_start3A_265 = tpu.memref_slice %arg2[%dma_start3A_264, %mul3A_248] : memref<32x1000000xf32, #tpu.memory_space<hbm>> -> memref<8x512xf32, #tpu.memory_space<hbm>>
          tpu.enqueue_dma source(%dma_start3A_265 : memref<8x512xf32, #tpu.memory_space<hbm>>) target(%dma_start3A_263 : memref<8x512xf32, #tpu.memory_space<vmem>>) target_semaphore(%dma_start3A_259 : memref<!tpu.dma_semaphore, #tpu.memory_space<semaphore_mem>>)
          %mul3A_266 = arith.constant 128 : i32
          %mul3A_267 = arith.muli %add3A_83, %mul3A_266 : i32
          %mul3A_268 = arith.constant 4 : i32
          %mul3A_269 = arith.muli %mul3A_267, %mul3A_268 : i32
          %dma_start3A_270 = arith.constant 1 : i32
          %dma_start3A_271 = arith.constant 3 : i32
          %dma_start3A_272 = arith.constant 1 : i32
          %dma_start3A_273 = arith.constant 0 : i32
          %dma_start3A_274 = arith.constant 0 : i32
          %dma_start3A_275 = tpu.memref_slice %arg5[%dma_start3A_270, %dma_start3A_271, %dma_start3A_273, %dma_start3A_274] : memref<2x4x8x512xf32, #tpu.memory_space<vmem>> -> memref<1x1x8x512xf32, #tpu.memory_space<vmem>>
          %dma_start3A_276 = tpu.memref_squeeze %dma_start3A_275 : memref<1x1x8x512xf32, #tpu.memory_space<vmem>> -> memref<8x512xf32, #tpu.memory_space<vmem>>
          %dma_start3A_277 = arith.constant 24 : i32
          %dma_start3A_278 = tpu.memref_slice %arg2[%dma_start3A_277, %mul3A_269] : memref<32x1000000xf32, #tpu.memory_space<hbm>> -> memref<8x512xf32, #tpu.memory_space<hbm>>
          %dma_start3A_279 = tpu.memref_slice %arg8[%dma_start3A_272] : memref<4x!tpu.dma_semaphore, #tpu.memory_space<semaphore_mem>> -> memref<1x!tpu.dma_semaphore, #tpu.memory_space<semaphore_mem>>
          %dma_start3A_280 = tpu.memref_squeeze %dma_start3A_279 : memref<1x!tpu.dma_semaphore, #tpu.memory_space<semaphore_mem>> -> memref<!tpu.dma_semaphore, #tpu.memory_space<semaphore_mem>>
          %dma_start3A_281 = arith.constant 0 : i32
          %dma_start3A_282 = arith.constant 0 : i32
          %dma_start3A_283 = tpu.memref_slice %arg5[%dma_start3A_270, %dma_start3A_271, %dma_start3A_281, %dma_start3A_282] : memref<2x4x8x512xf32, #tpu.memory_space<vmem>> -> memref<1x1x8x512xf32, #tpu.memory_space<vmem>>
          %dma_start3A_284 = tpu.memref_squeeze %dma_start3A_283 : memref<1x1x8x512xf32, #tpu.memory_space<vmem>> -> memref<8x512xf32, #tpu.memory_space<vmem>>
          %dma_start3A_285 = arith.constant 24 : i32
          %dma_start3A_286 = tpu.memref_slice %arg2[%dma_start3A_285, %mul3A_269] : memref<32x1000000xf32, #tpu.memory_space<hbm>> -> memref<8x512xf32, #tpu.memory_space<hbm>>
          tpu.enqueue_dma source(%dma_start3A_286 : memref<8x512xf32, #tpu.memory_space<hbm>>) target(%dma_start3A_284 : memref<8x512xf32, #tpu.memory_space<vmem>>) target_semaphore(%dma_start3A_280 : memref<!tpu.dma_semaphore, #tpu.memory_space<semaphore_mem>>)
        } else {
        }
      } else {
      }
    }
    %scan3A_20 = arith.constant 32 : i32
    %dma_wait3A = arith.constant 0 : i32
    %dma_wait3A_21 = arith.constant 2 : i32
    %dma_wait3A_22 = arith.constant 0 : i32
    %dma_wait3A_23 = arith.constant 0 : i32
    %dma_wait3A_24 = tpu.memref_slice %arg6[%dma_wait3A, %dma_wait3A_22, %dma_wait3A_23] : memref<2x128x128xf32, #tpu.memory_space<vmem>> -> memref<1x128x128xf32, #tpu.memory_space<vmem>>
    %dma_wait3A_25 = tpu.memref_squeeze %dma_wait3A_24 : memref<1x128x128xf32, #tpu.memory_space<vmem>> -> memref<128x128xf32, #tpu.memory_space<vmem>>
    %dma_wait3A_26 = arith.constant 0 : i32
    %dma_wait3A_27 = arith.constant 0 : i32
    %dma_wait3A_28 = tpu.memref_slice %arg4[%dma_wait3A_26, %dma_wait3A_27] : memref<250000x128xf32, #tpu.memory_space<hbm>> -> memref<128x128xf32, #tpu.memory_space<hbm>>
    %dma_wait3A_29 = tpu.memref_slice %arg8[%dma_wait3A_21] : memref<4x!tpu.dma_semaphore, #tpu.memory_space<semaphore_mem>> -> memref<1x!tpu.dma_semaphore, #tpu.memory_space<semaphore_mem>>
    %dma_wait3A_30 = tpu.memref_squeeze %dma_wait3A_29 : memref<1x!tpu.dma_semaphore, #tpu.memory_space<semaphore_mem>> -> memref<!tpu.dma_semaphore, #tpu.memory_space<semaphore_mem>>
    %dma_wait3A_31 = arith.constant 0 : i32
    %dma_wait3A_32 = arith.constant 0 : i32
    %dma_wait3A_33 = tpu.memref_slice %arg4[%dma_wait3A_31, %dma_wait3A_32] : memref<250000x128xf32, #tpu.memory_space<hbm>> -> memref<128x128xf32, #tpu.memory_space<hbm>>
    %dma_wait3A_34 = arith.constant 0 : i32
    %dma_wait3A_35 = arith.constant 0 : i32
    %dma_wait3A_36 = tpu.memref_slice %arg6[%dma_wait3A, %dma_wait3A_34, %dma_wait3A_35] : memref<2x128x128xf32, #tpu.memory_space<vmem>> -> memref<1x128x128xf32, #tpu.memory_space<vmem>>
    %dma_wait3A_37 = tpu.memref_squeeze %dma_wait3A_36 : memref<1x128x128xf32, #tpu.memory_space<vmem>> -> memref<128x128xf32, #tpu.memory_space<vmem>>
    tpu.wait_dma2 semaphore(%dma_wait3A_30 : memref<!tpu.dma_semaphore, #tpu.memory_space<semaphore_mem>>) src(%dma_wait3A_37 : memref<128x128xf32, #tpu.memory_space<vmem>>) dst(%dma_wait3A_33 : memref<128x128xf32, #tpu.memory_space<hbm>>)
    %dma_wait3A_38 = arith.constant 1 : i32
    %dma_wait3A_39 = arith.constant 3 : i32
    %dma_wait3A_40 = arith.constant 0 : i32
    %dma_wait3A_41 = arith.constant 0 : i32
    %dma_wait3A_42 = tpu.memref_slice %arg6[%dma_wait3A_38, %dma_wait3A_40, %dma_wait3A_41] : memref<2x128x128xf32, #tpu.memory_space<vmem>> -> memref<1x128x128xf32, #tpu.memory_space<vmem>>
    %dma_wait3A_43 = tpu.memref_squeeze %dma_wait3A_42 : memref<1x128x128xf32, #tpu.memory_space<vmem>> -> memref<128x128xf32, #tpu.memory_space<vmem>>
    %dma_wait3A_44 = arith.constant 0 : i32
    %dma_wait3A_45 = arith.constant 0 : i32
    %dma_wait3A_46 = tpu.memref_slice %arg4[%dma_wait3A_44, %dma_wait3A_45] : memref<250000x128xf32, #tpu.memory_space<hbm>> -> memref<128x128xf32, #tpu.memory_space<hbm>>
    %dma_wait3A_47 = tpu.memref_slice %arg8[%dma_wait3A_39] : memref<4x!tpu.dma_semaphore, #tpu.memory_space<semaphore_mem>> -> memref<1x!tpu.dma_semaphore, #tpu.memory_space<semaphore_mem>>
    %dma_wait3A_48 = tpu.memref_squeeze %dma_wait3A_47 : memref<1x!tpu.dma_semaphore, #tpu.memory_space<semaphore_mem>> -> memref<!tpu.dma_semaphore, #tpu.memory_space<semaphore_mem>>
    %dma_wait3A_49 = arith.constant 0 : i32
    %dma_wait3A_50 = arith.constant 0 : i32
    %dma_wait3A_51 = tpu.memref_slice %arg4[%dma_wait3A_49, %dma_wait3A_50] : memref<250000x128xf32, #tpu.memory_space<hbm>> -> memref<128x128xf32, #tpu.memory_space<hbm>>
    %dma_wait3A_52 = arith.constant 0 : i32
    %dma_wait3A_53 = arith.constant 0 : i32
    %dma_wait3A_54 = tpu.memref_slice %arg6[%dma_wait3A_38, %dma_wait3A_52, %dma_wait3A_53] : memref<2x128x128xf32, #tpu.memory_space<vmem>> -> memref<1x128x128xf32, #tpu.memory_space<vmem>>
    %dma_wait3A_55 = tpu.memref_squeeze %dma_wait3A_54 : memref<1x128x128xf32, #tpu.memory_space<vmem>> -> memref<128x128xf32, #tpu.memory_space<vmem>>
    tpu.wait_dma2 semaphore(%dma_wait3A_48 : memref<!tpu.dma_semaphore, #tpu.memory_space<semaphore_mem>>) src(%dma_wait3A_55 : memref<128x128xf32, #tpu.memory_space<vmem>>) dst(%dma_wait3A_51 : memref<128x128xf32, #tpu.memory_space<hbm>>)
    %eq3A = arith.constant 0 : i32
    %eq3A_56 = arith.cmpi eq, %add3A, %eq3A : i32
    %convert_element_type3A_57 = arith.extui %eq3A_56 : i1 to i32
    %cond3A_58 = arith.constant 0 : i32
    %cond3A_59 = arith.cmpi ne, %convert_element_type3A_57, %cond3A_58 : i32
    scf.if %cond3A_59 {
      "tpu.region"() ({
        %run_scoped3A = tpu.sem_alloc : memref<!tpu.dma_semaphore, #tpu.memory_space<semaphore_mem>>
        tpu.enqueue_dma source(%arg3 : memref<16x128xf32, #tpu.memory_space<hbm>>) target(%arg7 : memref<16x128xf32, #tpu.memory_space<vmem>>) target_semaphore(%run_scoped3A : memref<!tpu.dma_semaphore, #tpu.memory_space<semaphore_mem>>)
        tpu.wait_dma2 semaphore(%run_scoped3A : memref<!tpu.dma_semaphore, #tpu.memory_space<semaphore_mem>>) src(%arg3 : memref<16x128xf32, #tpu.memory_space<hbm>>) dst(%arg7 : memref<16x128xf32, #tpu.memory_space<vmem>>)
        tpu.yield
      }) : () -> ()
      "tpu.region"() ({
        %run_scoped3A = tpu.sem_alloc : memref<!tpu.dma_semaphore, #tpu.memory_space<semaphore_mem>>
        %dma_start3A = arith.constant 249984 : i32
        %dma_start3A_60 = arith.constant 0 : i32
        %dma_start3A_61 = tpu.memref_slice %arg4[%dma_start3A, %dma_start3A_60] : memref<250000x128xf32, #tpu.memory_space<hbm>> -> memref<16x128xf32, #tpu.memory_space<hbm>>
        %dma_start3A_62 = arith.constant 249984 : i32
        %dma_start3A_63 = arith.constant 0 : i32
        %dma_start3A_64 = tpu.memref_slice %arg4[%dma_start3A_62, %dma_start3A_63] : memref<250000x128xf32, #tpu.memory_space<hbm>> -> memref<16x128xf32, #tpu.memory_space<hbm>>
        tpu.enqueue_dma source(%arg7 : memref<16x128xf32, #tpu.memory_space<vmem>>) target(%dma_start3A_64 : memref<16x128xf32, #tpu.memory_space<hbm>>) target_semaphore(%run_scoped3A : memref<!tpu.dma_semaphore, #tpu.memory_space<semaphore_mem>>)
        %dma_wait3A_65 = arith.constant 249984 : i32
        %dma_wait3A_66 = arith.constant 0 : i32
        %dma_wait3A_67 = tpu.memref_slice %arg4[%dma_wait3A_65, %dma_wait3A_66] : memref<250000x128xf32, #tpu.memory_space<hbm>> -> memref<16x128xf32, #tpu.memory_space<hbm>>
        %dma_wait3A_68 = arith.constant 249984 : i32
        %dma_wait3A_69 = arith.constant 0 : i32
        %dma_wait3A_70 = tpu.memref_slice %arg4[%dma_wait3A_68, %dma_wait3A_69] : memref<250000x128xf32, #tpu.memory_space<hbm>> -> memref<16x128xf32, #tpu.memory_space<hbm>>
        tpu.wait_dma2 semaphore(%run_scoped3A : memref<!tpu.dma_semaphore, #tpu.memory_space<semaphore_mem>>) src(%arg7 : memref<16x128xf32, #tpu.memory_space<vmem>>) dst(%dma_wait3A_70 : memref<16x128xf32, #tpu.memory_space<hbm>>)
        tpu.yield
      }) : () -> ()
    } else {
    }
    return
  }
}

#map = affine_map<(d0, d1) -> (0, 0)>
#map1 = affine_map<(d0, d1) -> (0, 0, 0, 0, 0)>
module attributes {stable_mosaic.version = 14 : i64} {
  func.func @_lookup_body(%arg0: i32, %arg1: i32, %arg2: memref<200x4096xi32, #tpu.memory_space<hbm>>, %arg3: memref<1000000x32xf32, #tpu.memory_space<hbm>>, %arg4: memref<200x32xf32, #tpu.memory_space<hbm>>, %arg5: memref<200x4x32x8x128xf32, #tpu.memory_space<hbm>>, %arg6: memref<2x512xi32, #tpu.memory_space<vmem>>, %arg7: memref<2x512x32xf32, #tpu.memory_space<vmem>>, %arg8: memref<2x4x4x8x128xf32, #tpu.memory_space<vmem>>, %arg9: memref<200x32xf32, #tpu.memory_space<vmem>>, %arg10: memref<2x!tpu.dma_semaphore, #tpu.memory_space<semaphore_mem>>, %arg11: memref<2x!tpu.dma_semaphore, #tpu.memory_space<semaphore_mem>>) attributes {dimension_semantics = [#tpu.dimension_semantics<core_parallel>, #tpu.dimension_semantics<subcore_parallel>], iteration_bounds = array<i64: 2, 16>, scalar_prefetch = 0 : i64, scratch_operands = 6 : i64, tpu.core_type = #tpu.core_type<sc_vector_subcore>, window_params = [{transform_indices = #map}, {transform_indices = #map}, {transform_indices = #map}, {transform_indices = #map1}]} {
    %mul3A = arith.constant 2 : i32
    %mul3A_0 = arith.muli %arg1, %mul3A : i32
    %add3A = arith.addi %mul3A_0, %arg0 : i32
    "tpu.region"() ({
      %run_scoped3A_180 = tpu.sem_alloc : memref<!tpu.dma_semaphore, #tpu.memory_space<semaphore_mem>>
      tpu.enqueue_dma source(%arg4 : memref<200x32xf32, #tpu.memory_space<hbm>>) target(%arg9 : memref<200x32xf32, #tpu.memory_space<vmem>>) target_semaphore(%run_scoped3A_180 : memref<!tpu.dma_semaphore, #tpu.memory_space<semaphore_mem>>)
      tpu.wait_dma2 semaphore(%run_scoped3A_180 : memref<!tpu.dma_semaphore, #tpu.memory_space<semaphore_mem>>) src(%arg4 : memref<200x32xf32, #tpu.memory_space<hbm>>) dst(%arg9 : memref<200x32xf32, #tpu.memory_space<vmem>>)
      tpu.yield
    }) : () -> ()
    %iota3A = tpu.iota {dimensions = array<i32: 0>} : vector<16xi32>
    %and3A = arith.constant 7 : i32
    %and3A_1 = vector.broadcast %and3A : i32 to vector<16xi32>
    %and3A_2 = arith.andi %iota3A, %and3A_1 : vector<16xi32>
    %shift_right_arithmetic3A = arith.constant 3 : i32
    %shift_right_arithmetic3A_3 = vector.broadcast %shift_right_arithmetic3A : i32 to vector<16xi32>
    %shift_right_arithmetic3A_4 = arith.shrsi %iota3A, %shift_right_arithmetic3A_3 : vector<16xi32>
    %mul3A_5 = arith.constant 50 : i32
    %mul3A_6 = arith.muli %add3A, %mul3A_5 : i32
    %add3A_7 = arith.constant 0 : i32
    %add3A_8 = arith.addi %mul3A_6, %add3A_7 : i32
    %jit3A = arith.constant 8 : i32
    %div3A = arith.divsi %add3A_8, %jit3A : i32
    %sign3A = arith.constant 0 : i32
    %sign3A_9 = arith.cmpi sgt, %add3A_8, %sign3A : i32
    %sign3A_10 = arith.extui %sign3A_9 : i1 to i32
    %sign3A_11 = arith.constant 0 : i32
    %sign3A_12 = arith.cmpi slt, %add3A_8, %sign3A_11 : i32
    %sign3A_13 = arith.extui %sign3A_12 : i1 to i32
    %sign3A_14 = arith.subi %sign3A_10, %sign3A_13 : i32
    %sign3A_15 = arith.constant 0 : i32
    %sign3A_16 = arith.cmpi sgt, %jit3A, %sign3A_15 : i32
    %sign3A_17 = arith.extui %sign3A_16 : i1 to i32
    %sign3A_18 = arith.constant 0 : i32
    %sign3A_19 = arith.cmpi slt, %jit3A, %sign3A_18 : i32
    %sign3A_20 = arith.extui %sign3A_19 : i1 to i32
    %sign3A_21 = arith.subi %sign3A_17, %sign3A_20 : i32
    %ne3A = arith.cmpi ne, %sign3A_14, %sign3A_21 : i32
    %rem3A = arith.remsi %add3A_8, %jit3A : i32
    %ne3A_22 = arith.constant 0 : i32
    %ne3A_23 = arith.cmpi ne, %rem3A, %ne3A_22 : i32
    %and3A_24 = arith.andi %ne3A, %ne3A_23 : i1
    %sub3A = arith.constant 1 : i32
    %sub3A_25 = arith.subi %div3A, %sub3A : i32
    %select_n3A = arith.select %and3A_24, %sub3A_25, %div3A : i32
    %jit3A_26 = arith.constant 8 : i32
    %eq3A = arith.constant 0 : i32
    %eq3A_27 = arith.cmpi eq, %jit3A_26, %eq3A : i32
    %jit3A_28 = arith.constant 1 : i32
    %select_n3A_29 = arith.select %eq3A_27, %jit3A_28, %jit3A_26 : i32
    %rem3A_30 = arith.remsi %add3A_8, %select_n3A_29 : i32
    %ne3A_31 = arith.constant 0 : i32
    %ne3A_32 = arith.cmpi ne, %rem3A_30, %ne3A_31 : i32
    %lt3A = arith.constant 0 : i32
    %lt3A_33 = arith.cmpi slt, %rem3A_30, %lt3A : i32
    %lt3A_34 = arith.constant 0 : i32
    %lt3A_35 = arith.cmpi slt, %select_n3A_29, %lt3A_34 : i32
    %ne3A_36 = arith.xori %lt3A_33, %lt3A_35 : i1
    %and3A_37 = arith.andi %ne3A_36, %ne3A_32 : i1
    %add3A_38 = arith.addi %rem3A_30, %select_n3A_29 : i32
    %select_n3A_39 = arith.select %and3A_37, %add3A_38, %rem3A_30 : i32
    %mul3A_40 = arith.constant 512 : i32
    %mul3A_41 = arith.muli %select_n3A_39, %mul3A_40 : i32
    %run_scoped3A = arith.constant 0 : i32
    "tpu.region"() ({
      %run_scoped3A_180 = tpu.sem_alloc : memref<!tpu.dma_semaphore, #tpu.memory_space<semaphore_mem>>
      %dma_start3A_181 = arith.constant 0 : i32
      %dma_start3A_182 = tpu.memref_slice %arg6[%run_scoped3A, %dma_start3A_181] : memref<2x512xi32, #tpu.memory_space<vmem>> -> memref<1x512xi32, #tpu.memory_space<vmem>>
      %dma_start3A_183 = tpu.memref_squeeze %dma_start3A_182 : memref<1x512xi32, #tpu.memory_space<vmem>> -> memref<512xi32, #tpu.memory_space<vmem>>
      %dma_start3A_184 = tpu.memref_slice %arg2[%select_n3A, %mul3A_41] : memref<200x4096xi32, #tpu.memory_space<hbm>> -> memref<1x512xi32, #tpu.memory_space<hbm>>
      %dma_start3A_185 = tpu.memref_squeeze %dma_start3A_184 : memref<1x512xi32, #tpu.memory_space<hbm>> -> memref<512xi32, #tpu.memory_space<hbm>>
      %dma_start3A_186 = arith.constant 0 : i32
      %dma_start3A_187 = tpu.memref_slice %arg6[%run_scoped3A, %dma_start3A_186] : memref<2x512xi32, #tpu.memory_space<vmem>> -> memref<1x512xi32, #tpu.memory_space<vmem>>
      %dma_start3A_188 = tpu.memref_squeeze %dma_start3A_187 : memref<1x512xi32, #tpu.memory_space<vmem>> -> memref<512xi32, #tpu.memory_space<vmem>>
      %dma_start3A_189 = tpu.memref_slice %arg2[%select_n3A, %mul3A_41] : memref<200x4096xi32, #tpu.memory_space<hbm>> -> memref<1x512xi32, #tpu.memory_space<hbm>>
      %dma_start3A_190 = tpu.memref_squeeze %dma_start3A_189 : memref<1x512xi32, #tpu.memory_space<hbm>> -> memref<512xi32, #tpu.memory_space<hbm>>
      tpu.enqueue_dma source(%dma_start3A_190 : memref<512xi32, #tpu.memory_space<hbm>>) target(%dma_start3A_188 : memref<512xi32, #tpu.memory_space<vmem>>) target_semaphore(%run_scoped3A_180 : memref<!tpu.dma_semaphore, #tpu.memory_space<semaphore_mem>>)
      %dma_wait3A_191 = arith.constant 0 : i32
      %dma_wait3A_192 = tpu.memref_slice %arg6[%run_scoped3A, %dma_wait3A_191] : memref<2x512xi32, #tpu.memory_space<vmem>> -> memref<1x512xi32, #tpu.memory_space<vmem>>
      %dma_wait3A_193 = tpu.memref_squeeze %dma_wait3A_192 : memref<1x512xi32, #tpu.memory_space<vmem>> -> memref<512xi32, #tpu.memory_space<vmem>>
      %dma_wait3A_194 = tpu.memref_slice %arg2[%select_n3A, %mul3A_41] : memref<200x4096xi32, #tpu.memory_space<hbm>> -> memref<1x512xi32, #tpu.memory_space<hbm>>
      %dma_wait3A_195 = tpu.memref_squeeze %dma_wait3A_194 : memref<1x512xi32, #tpu.memory_space<hbm>> -> memref<512xi32, #tpu.memory_space<hbm>>
      %dma_wait3A_196 = arith.constant 0 : i32
      %dma_wait3A_197 = tpu.memref_slice %arg6[%run_scoped3A, %dma_wait3A_196] : memref<2x512xi32, #tpu.memory_space<vmem>> -> memref<1x512xi32, #tpu.memory_space<vmem>>
      %dma_wait3A_198 = tpu.memref_squeeze %dma_wait3A_197 : memref<1x512xi32, #tpu.memory_space<vmem>> -> memref<512xi32, #tpu.memory_space<vmem>>
      %dma_wait3A_199 = tpu.memref_slice %arg2[%select_n3A, %mul3A_41] : memref<200x4096xi32, #tpu.memory_space<hbm>> -> memref<1x512xi32, #tpu.memory_space<hbm>>
      %dma_wait3A_200 = tpu.memref_squeeze %dma_wait3A_199 : memref<1x512xi32, #tpu.memory_space<hbm>> -> memref<512xi32, #tpu.memory_space<hbm>>
      tpu.wait_dma2 semaphore(%run_scoped3A_180 : memref<!tpu.dma_semaphore, #tpu.memory_space<semaphore_mem>>) src(%dma_wait3A_200 : memref<512xi32, #tpu.memory_space<hbm>>) dst(%dma_wait3A_198 : memref<512xi32, #tpu.memory_space<vmem>>)
      tpu.yield
    }) : () -> ()
    %dma_start3A = arith.constant 0 : i32
    %dma_start3A_42 = arith.constant 0 : i32
    %dma_start3A_43 = arith.constant 0 : i32
    %dma_start3A_44 = arith.constant 0 : i32
    %dma_start3A_45 = arith.constant 0 : i32
    %dma_start3A_46 = tpu.memref_slice %arg7[%dma_start3A_42, %dma_start3A_44, %dma_start3A_45] : memref<2x512x32xf32, #tpu.memory_space<vmem>> -> memref<1x512x32xf32, #tpu.memory_space<vmem>>
    %dma_start3A_47 = tpu.memref_squeeze %dma_start3A_46 : memref<1x512x32xf32, #tpu.memory_space<vmem>> -> memref<512x32xf32, #tpu.memory_space<vmem>>
    %dma_start3A_48 = arith.constant 0 : i32
    %dma_start3A_49 = tpu.memref_slice %arg6[%dma_start3A, %dma_start3A_48] : memref<2x512xi32, #tpu.memory_space<vmem>> -> memref<1x512xi32, #tpu.memory_space<vmem>>
    %dma_start3A_50 = tpu.memref_squeeze %dma_start3A_49 : memref<1x512xi32, #tpu.memory_space<vmem>> -> memref<512xi32, #tpu.memory_space<vmem>>
    %dma_start3A_51 = arith.constant 0 : i32
    %dma_start3A_52 = arith.constant 0 : i32
    %dma_start3A_53 = tpu.memref_slice %arg3[%dma_start3A_51, %dma_start3A_52] : memref<1000000x32xf32, #tpu.memory_space<hbm>> -> memref<1000000x32xf32, #tpu.memory_space<hbm>>
    %dma_start3A_54 = tpu.memref_slice %arg10[%dma_start3A_43] : memref<2x!tpu.dma_semaphore, #tpu.memory_space<semaphore_mem>> -> memref<1x!tpu.dma_semaphore, #tpu.memory_space<semaphore_mem>>
    %dma_start3A_55 = tpu.memref_squeeze %dma_start3A_54 : memref<1x!tpu.dma_semaphore, #tpu.memory_space<semaphore_mem>> -> memref<!tpu.dma_semaphore, #tpu.memory_space<semaphore_mem>>
    tpu.enqueue_indirect_dma source(%dma_start3A_53 : memref<1000000x32xf32, #tpu.memory_space<hbm>>) target(%dma_start3A_47 : memref<512x32xf32, #tpu.memory_space<vmem>>) offsets(%dma_start3A_50 : memref<512xi32, #tpu.memory_space<vmem>>) semaphore(%dma_start3A_55 : memref<!tpu.dma_semaphore, #tpu.memory_space<semaphore_mem>>)
    %mul3A_56 = arith.constant 50 : i32
    %mul3A_57 = arith.muli %add3A, %mul3A_56 : i32
    %add3A_58 = arith.constant 1 : i32
    %add3A_59 = arith.addi %mul3A_57, %add3A_58 : i32
    %jit3A_60 = arith.constant 8 : i32
    %div3A_61 = arith.divsi %add3A_59, %jit3A_60 : i32
    %sign3A_62 = arith.constant 0 : i32
    %sign3A_63 = arith.cmpi sgt, %add3A_59, %sign3A_62 : i32
    %sign3A_64 = arith.extui %sign3A_63 : i1 to i32
    %sign3A_65 = arith.constant 0 : i32
    %sign3A_66 = arith.cmpi slt, %add3A_59, %sign3A_65 : i32
    %sign3A_67 = arith.extui %sign3A_66 : i1 to i32
    %sign3A_68 = arith.subi %sign3A_64, %sign3A_67 : i32
    %sign3A_69 = arith.constant 0 : i32
    %sign3A_70 = arith.cmpi sgt, %jit3A_60, %sign3A_69 : i32
    %sign3A_71 = arith.extui %sign3A_70 : i1 to i32
    %sign3A_72 = arith.constant 0 : i32
    %sign3A_73 = arith.cmpi slt, %jit3A_60, %sign3A_72 : i32
    %sign3A_74 = arith.extui %sign3A_73 : i1 to i32
    %sign3A_75 = arith.subi %sign3A_71, %sign3A_74 : i32
    %ne3A_76 = arith.cmpi ne, %sign3A_68, %sign3A_75 : i32
    %rem3A_77 = arith.remsi %add3A_59, %jit3A_60 : i32
    %ne3A_78 = arith.constant 0 : i32
    %ne3A_79 = arith.cmpi ne, %rem3A_77, %ne3A_78 : i32
    %and3A_80 = arith.andi %ne3A_76, %ne3A_79 : i1
    %sub3A_81 = arith.constant 1 : i32
    %sub3A_82 = arith.subi %div3A_61, %sub3A_81 : i32
    %select_n3A_83 = arith.select %and3A_80, %sub3A_82, %div3A_61 : i32
    %jit3A_84 = arith.constant 8 : i32
    %eq3A_85 = arith.constant 0 : i32
    %eq3A_86 = arith.cmpi eq, %jit3A_84, %eq3A_85 : i32
    %jit3A_87 = arith.constant 1 : i32
    %select_n3A_88 = arith.select %eq3A_86, %jit3A_87, %jit3A_84 : i32
    %rem3A_89 = arith.remsi %add3A_59, %select_n3A_88 : i32
    %ne3A_90 = arith.constant 0 : i32
    %ne3A_91 = arith.cmpi ne, %rem3A_89, %ne3A_90 : i32
    %lt3A_92 = arith.constant 0 : i32
    %lt3A_93 = arith.cmpi slt, %rem3A_89, %lt3A_92 : i32
    %lt3A_94 = arith.constant 0 : i32
    %lt3A_95 = arith.cmpi slt, %select_n3A_88, %lt3A_94 : i32
    %ne3A_96 = arith.xori %lt3A_93, %lt3A_95 : i1
    %and3A_97 = arith.andi %ne3A_96, %ne3A_91 : i1
    %add3A_98 = arith.addi %rem3A_89, %select_n3A_88 : i32
    %select_n3A_99 = arith.select %and3A_97, %add3A_98, %rem3A_89 : i32
    %mul3A_100 = arith.constant 512 : i32
    %mul3A_101 = arith.muli %select_n3A_99, %mul3A_100 : i32
    %run_scoped3A_102 = arith.constant 1 : i32
    "tpu.region"() ({
      %run_scoped3A_180 = tpu.sem_alloc : memref<!tpu.dma_semaphore, #tpu.memory_space<semaphore_mem>>
      %dma_start3A_181 = arith.constant 0 : i32
      %dma_start3A_182 = tpu.memref_slice %arg6[%run_scoped3A_102, %dma_start3A_181] : memref<2x512xi32, #tpu.memory_space<vmem>> -> memref<1x512xi32, #tpu.memory_space<vmem>>
      %dma_start3A_183 = tpu.memref_squeeze %dma_start3A_182 : memref<1x512xi32, #tpu.memory_space<vmem>> -> memref<512xi32, #tpu.memory_space<vmem>>
      %dma_start3A_184 = tpu.memref_slice %arg2[%select_n3A_83, %mul3A_101] : memref<200x4096xi32, #tpu.memory_space<hbm>> -> memref<1x512xi32, #tpu.memory_space<hbm>>
      %dma_start3A_185 = tpu.memref_squeeze %dma_start3A_184 : memref<1x512xi32, #tpu.memory_space<hbm>> -> memref<512xi32, #tpu.memory_space<hbm>>
      %dma_start3A_186 = arith.constant 0 : i32
      %dma_start3A_187 = tpu.memref_slice %arg6[%run_scoped3A_102, %dma_start3A_186] : memref<2x512xi32, #tpu.memory_space<vmem>> -> memref<1x512xi32, #tpu.memory_space<vmem>>
      %dma_start3A_188 = tpu.memref_squeeze %dma_start3A_187 : memref<1x512xi32, #tpu.memory_space<vmem>> -> memref<512xi32, #tpu.memory_space<vmem>>
      %dma_start3A_189 = tpu.memref_slice %arg2[%select_n3A_83, %mul3A_101] : memref<200x4096xi32, #tpu.memory_space<hbm>> -> memref<1x512xi32, #tpu.memory_space<hbm>>
      %dma_start3A_190 = tpu.memref_squeeze %dma_start3A_189 : memref<1x512xi32, #tpu.memory_space<hbm>> -> memref<512xi32, #tpu.memory_space<hbm>>
      tpu.enqueue_dma source(%dma_start3A_190 : memref<512xi32, #tpu.memory_space<hbm>>) target(%dma_start3A_188 : memref<512xi32, #tpu.memory_space<vmem>>) target_semaphore(%run_scoped3A_180 : memref<!tpu.dma_semaphore, #tpu.memory_space<semaphore_mem>>)
      %dma_wait3A_191 = arith.constant 0 : i32
      %dma_wait3A_192 = tpu.memref_slice %arg6[%run_scoped3A_102, %dma_wait3A_191] : memref<2x512xi32, #tpu.memory_space<vmem>> -> memref<1x512xi32, #tpu.memory_space<vmem>>
      %dma_wait3A_193 = tpu.memref_squeeze %dma_wait3A_192 : memref<1x512xi32, #tpu.memory_space<vmem>> -> memref<512xi32, #tpu.memory_space<vmem>>
      %dma_wait3A_194 = tpu.memref_slice %arg2[%select_n3A_83, %mul3A_101] : memref<200x4096xi32, #tpu.memory_space<hbm>> -> memref<1x512xi32, #tpu.memory_space<hbm>>
      %dma_wait3A_195 = tpu.memref_squeeze %dma_wait3A_194 : memref<1x512xi32, #tpu.memory_space<hbm>> -> memref<512xi32, #tpu.memory_space<hbm>>
      %dma_wait3A_196 = arith.constant 0 : i32
      %dma_wait3A_197 = tpu.memref_slice %arg6[%run_scoped3A_102, %dma_wait3A_196] : memref<2x512xi32, #tpu.memory_space<vmem>> -> memref<1x512xi32, #tpu.memory_space<vmem>>
      %dma_wait3A_198 = tpu.memref_squeeze %dma_wait3A_197 : memref<1x512xi32, #tpu.memory_space<vmem>> -> memref<512xi32, #tpu.memory_space<vmem>>
      %dma_wait3A_199 = tpu.memref_slice %arg2[%select_n3A_83, %mul3A_101] : memref<200x4096xi32, #tpu.memory_space<hbm>> -> memref<1x512xi32, #tpu.memory_space<hbm>>
      %dma_wait3A_200 = tpu.memref_squeeze %dma_wait3A_199 : memref<1x512xi32, #tpu.memory_space<hbm>> -> memref<512xi32, #tpu.memory_space<hbm>>
      tpu.wait_dma2 semaphore(%run_scoped3A_180 : memref<!tpu.dma_semaphore, #tpu.memory_space<semaphore_mem>>) src(%dma_wait3A_200 : memref<512xi32, #tpu.memory_space<hbm>>) dst(%dma_wait3A_198 : memref<512xi32, #tpu.memory_space<vmem>>)
      tpu.yield
    }) : () -> ()
    %dma_start3A_103 = arith.constant 1 : i32
    %dma_start3A_104 = arith.constant 1 : i32
    %dma_start3A_105 = arith.constant 1 : i32
    %dma_start3A_106 = arith.constant 0 : i32
    %dma_start3A_107 = arith.constant 0 : i32
    %dma_start3A_108 = tpu.memref_slice %arg7[%dma_start3A_104, %dma_start3A_106, %dma_start3A_107] : memref<2x512x32xf32, #tpu.memory_space<vmem>> -> memref<1x512x32xf32, #tpu.memory_space<vmem>>
    %dma_start3A_109 = tpu.memref_squeeze %dma_start3A_108 : memref<1x512x32xf32, #tpu.memory_space<vmem>> -> memref<512x32xf32, #tpu.memory_space<vmem>>
    %dma_start3A_110 = arith.constant 0 : i32
    %dma_start3A_111 = tpu.memref_slice %arg6[%dma_start3A_103, %dma_start3A_110] : memref<2x512xi32, #tpu.memory_space<vmem>> -> memref<1x512xi32, #tpu.memory_space<vmem>>
    %dma_start3A_112 = tpu.memref_squeeze %dma_start3A_111 : memref<1x512xi32, #tpu.memory_space<vmem>> -> memref<512xi32, #tpu.memory_space<vmem>>
    %dma_start3A_113 = arith.constant 0 : i32
    %dma_start3A_114 = arith.constant 0 : i32
    %dma_start3A_115 = tpu.memref_slice %arg3[%dma_start3A_113, %dma_start3A_114] : memref<1000000x32xf32, #tpu.memory_space<hbm>> -> memref<1000000x32xf32, #tpu.memory_space<hbm>>
    %dma_start3A_116 = tpu.memref_slice %arg10[%dma_start3A_105] : memref<2x!tpu.dma_semaphore, #tpu.memory_space<semaphore_mem>> -> memref<1x!tpu.dma_semaphore, #tpu.memory_space<semaphore_mem>>
    %dma_start3A_117 = tpu.memref_squeeze %dma_start3A_116 : memref<1x!tpu.dma_semaphore, #tpu.memory_space<semaphore_mem>> -> memref<!tpu.dma_semaphore, #tpu.memory_space<semaphore_mem>>
    tpu.enqueue_indirect_dma source(%dma_start3A_115 : memref<1000000x32xf32, #tpu.memory_space<hbm>>) target(%dma_start3A_109 : memref<512x32xf32, #tpu.memory_space<vmem>>) offsets(%dma_start3A_112 : memref<512xi32, #tpu.memory_space<vmem>>) semaphore(%dma_start3A_117 : memref<!tpu.dma_semaphore, #tpu.memory_space<semaphore_mem>>)
    %scan3A = arith.constant 0 : i32
    %scan3A_118 = arith.constant 0 : i32
    %scan3A_119 = arith.constant 25 : i32
    %scan3A_120 = arith.addi %scan3A_118, %scan3A_119 : i32
    %scan3A_121 = arith.constant 1 : i32
    scf.for %scan3A_180 = %scan3A_118 to %scan3A_120 step %scan3A_121  : i32 {
      %mul3A_181 = arith.constant 2 : i32
      %mul3A_182 = arith.muli %mul3A_181, %scan3A_180 : i32
      %add3A_183 = arith.constant 0 : i32
      %add3A_184 = arith.addi %mul3A_182, %add3A_183 : i32
      %mul3A_185 = arith.constant 50 : i32
      %mul3A_186 = arith.muli %add3A, %mul3A_185 : i32
      %add3A_187 = arith.addi %mul3A_186, %add3A_184 : i32
      %jit3A_188 = arith.constant 8 : i32
      %div3A_189 = arith.divsi %add3A_187, %jit3A_188 : i32
      %sign3A_190 = arith.constant 0 : i32
      %sign3A_191 = arith.cmpi sgt, %add3A_187, %sign3A_190 : i32
      %sign3A_192 = arith.extui %sign3A_191 : i1 to i32
      %sign3A_193 = arith.constant 0 : i32
      %sign3A_194 = arith.cmpi slt, %add3A_187, %sign3A_193 : i32
      %sign3A_195 = arith.extui %sign3A_194 : i1 to i32
      %sign3A_196 = arith.subi %sign3A_192, %sign3A_195 : i32
      %sign3A_197 = arith.constant 0 : i32
      %sign3A_198 = arith.cmpi sgt, %jit3A_188, %sign3A_197 : i32
      %sign3A_199 = arith.extui %sign3A_198 : i1 to i32
      %sign3A_200 = arith.constant 0 : i32
      %sign3A_201 = arith.cmpi slt, %jit3A_188, %sign3A_200 : i32
      %sign3A_202 = arith.extui %sign3A_201 : i1 to i32
      %sign3A_203 = arith.subi %sign3A_199, %sign3A_202 : i32
      %ne3A_204 = arith.cmpi ne, %sign3A_196, %sign3A_203 : i32
      %rem3A_205 = arith.remsi %add3A_187, %jit3A_188 : i32
      %ne3A_206 = arith.constant 0 : i32
      %ne3A_207 = arith.cmpi ne, %rem3A_205, %ne3A_206 : i32
      %and3A_208 = arith.andi %ne3A_204, %ne3A_207 : i1
      %sub3A_209 = arith.constant 1 : i32
      %sub3A_210 = arith.subi %div3A_189, %sub3A_209 : i32
      %select_n3A_211 = arith.select %and3A_208, %sub3A_210, %div3A_189 : i32
      %jit3A_212 = arith.constant 8 : i32
      %eq3A_213 = arith.constant 0 : i32
      %eq3A_214 = arith.cmpi eq, %jit3A_212, %eq3A_213 : i32
      %jit3A_215 = arith.constant 1 : i32
      %select_n3A_216 = arith.select %eq3A_214, %jit3A_215, %jit3A_212 : i32
      %rem3A_217 = arith.remsi %add3A_187, %select_n3A_216 : i32
      %ne3A_218 = arith.constant 0 : i32
      %ne3A_219 = arith.cmpi ne, %rem3A_217, %ne3A_218 : i32
      %lt3A_220 = arith.constant 0 : i32
      %lt3A_221 = arith.cmpi slt, %rem3A_217, %lt3A_220 : i32
      %lt3A_222 = arith.constant 0 : i32
      %lt3A_223 = arith.cmpi slt, %select_n3A_216, %lt3A_222 : i32
      %ne3A_224 = arith.xori %lt3A_221, %lt3A_223 : i1
      %and3A_225 = arith.andi %ne3A_224, %ne3A_219 : i1
      %add3A_226 = arith.addi %rem3A_217, %select_n3A_216 : i32
      %select_n3A_227 = arith.select %and3A_225, %add3A_226, %rem3A_217 : i32
      %dma_wait3A_228 = arith.constant 0 : i32
      %dma_wait3A_229 = arith.constant 0 : i32
      %dma_wait3A_230 = arith.constant 0 : i32
      %dma_wait3A_231 = arith.constant 0 : i32
      %dma_wait3A_232 = arith.constant 0 : i32
      %dma_wait3A_233 = tpu.memref_slice %arg7[%dma_wait3A_229, %dma_wait3A_231, %dma_wait3A_232] : memref<2x512x32xf32, #tpu.memory_space<vmem>> -> memref<1x512x32xf32, #tpu.memory_space<vmem>>
      %dma_wait3A_234 = tpu.memref_squeeze %dma_wait3A_233 : memref<1x512x32xf32, #tpu.memory_space<vmem>> -> memref<512x32xf32, #tpu.memory_space<vmem>>
      %dma_wait3A_235 = arith.constant 0 : i32
      %dma_wait3A_236 = tpu.memref_slice %arg6[%dma_wait3A_228, %dma_wait3A_235] : memref<2x512xi32, #tpu.memory_space<vmem>> -> memref<1x512xi32, #tpu.memory_space<vmem>>
      %dma_wait3A_237 = tpu.memref_squeeze %dma_wait3A_236 : memref<1x512xi32, #tpu.memory_space<vmem>> -> memref<512xi32, #tpu.memory_space<vmem>>
      %dma_wait3A_238 = arith.constant 0 : i32
      %dma_wait3A_239 = arith.constant 0 : i32
      %dma_wait3A_240 = tpu.memref_slice %arg3[%dma_wait3A_238, %dma_wait3A_239] : memref<1000000x32xf32, #tpu.memory_space<hbm>> -> memref<1000000x32xf32, #tpu.memory_space<hbm>>
      %dma_wait3A_241 = tpu.memref_slice %arg10[%dma_wait3A_230] : memref<2x!tpu.dma_semaphore, #tpu.memory_space<semaphore_mem>> -> memref<1x!tpu.dma_semaphore, #tpu.memory_space<semaphore_mem>>
      %dma_wait3A_242 = tpu.memref_squeeze %dma_wait3A_241 : memref<1x!tpu.dma_semaphore, #tpu.memory_space<semaphore_mem>> -> memref<!tpu.dma_semaphore, #tpu.memory_space<semaphore_mem>>
      tpu.wait_indirect_dma semaphore(%dma_wait3A_242 : memref<!tpu.dma_semaphore, #tpu.memory_space<semaphore_mem>>) src(%dma_wait3A_240 : memref<1000000x32xf32, #tpu.memory_space<hbm>>) dst(%dma_wait3A_234 : memref<512x32xf32, #tpu.memory_space<vmem>>)
      %ge3A = arith.constant 2 : i32
      %ge3A_243 = arith.cmpi sge, %add3A_184, %ge3A : i32
      %convert_element_type3A = arith.extui %ge3A_243 : i1 to i32
      %cond3A = arith.constant 0 : i32
      %cond3A_244 = arith.cmpi ne, %convert_element_type3A, %cond3A : i32
      scf.if %cond3A_244 {
        %dma_wait3A_405 = arith.constant 0 : i32
        %dma_wait3A_406 = arith.constant 0 : i32
        %dma_wait3A_407 = arith.constant 0 : i32
        %dma_wait3A_408 = arith.constant 0 : i32
        %dma_wait3A_409 = arith.constant 0 : i32
        %dma_wait3A_410 = arith.constant 0 : i32
        %dma_wait3A_411 = arith.constant 0 : i32
        %dma_wait3A_412 = tpu.memref_slice %arg8[%dma_wait3A_405, %dma_wait3A_408, %dma_wait3A_409, %dma_wait3A_410, %dma_wait3A_411] : memref<2x4x4x8x128xf32, #tpu.memory_space<vmem>> -> memref<1x4x4x8x128xf32, #tpu.memory_space<vmem>>
        %dma_wait3A_413 = tpu.memref_squeeze %dma_wait3A_412 : memref<1x4x4x8x128xf32, #tpu.memory_space<vmem>> -> memref<4x4x8x128xf32, #tpu.memory_space<vmem>>
        %dma_wait3A_414 = arith.constant 0 : i32
        %dma_wait3A_415 = arith.constant 0 : i32
        %dma_wait3A_416 = arith.constant 0 : i32
        %dma_wait3A_417 = arith.constant 0 : i32
        %dma_wait3A_418 = tpu.memref_slice %arg5[%dma_wait3A_406, %dma_wait3A_414, %dma_wait3A_415, %dma_wait3A_416, %dma_wait3A_417] : memref<200x4x32x8x128xf32, #tpu.memory_space<hbm>> -> memref<1x4x4x8x128xf32, #tpu.memory_space<hbm>>
        %dma_wait3A_419 = tpu.memref_squeeze %dma_wait3A_418 : memref<1x4x4x8x128xf32, #tpu.memory_space<hbm>> -> memref<4x4x8x128xf32, #tpu.memory_space<hbm>>
        %dma_wait3A_420 = tpu.memref_slice %arg11[%dma_wait3A_407] : memref<2x!tpu.dma_semaphore, #tpu.memory_space<semaphore_mem>> -> memref<1x!tpu.dma_semaphore, #tpu.memory_space<semaphore_mem>>
        %dma_wait3A_421 = tpu.memref_squeeze %dma_wait3A_420 : memref<1x!tpu.dma_semaphore, #tpu.memory_space<semaphore_mem>> -> memref<!tpu.dma_semaphore, #tpu.memory_space<semaphore_mem>>
        %dma_wait3A_422 = arith.constant 0 : i32
        %dma_wait3A_423 = arith.constant 0 : i32
        %dma_wait3A_424 = arith.constant 0 : i32
        %dma_wait3A_425 = arith.constant 0 : i32
        %dma_wait3A_426 = tpu.memref_slice %arg5[%dma_wait3A_406, %dma_wait3A_422, %dma_wait3A_423, %dma_wait3A_424, %dma_wait3A_425] : memref<200x4x32x8x128xf32, #tpu.memory_space<hbm>> -> memref<1x4x4x8x128xf32, #tpu.memory_space<hbm>>
        %dma_wait3A_427 = tpu.memref_squeeze %dma_wait3A_426 : memref<1x4x4x8x128xf32, #tpu.memory_space<hbm>> -> memref<4x4x8x128xf32, #tpu.memory_space<hbm>>
        %dma_wait3A_428 = arith.constant 0 : i32
        %dma_wait3A_429 = arith.constant 0 : i32
        %dma_wait3A_430 = arith.constant 0 : i32
        %dma_wait3A_431 = arith.constant 0 : i32
        %dma_wait3A_432 = tpu.memref_slice %arg8[%dma_wait3A_405, %dma_wait3A_428, %dma_wait3A_429, %dma_wait3A_430, %dma_wait3A_431] : memref<2x4x4x8x128xf32, #tpu.memory_space<vmem>> -> memref<1x4x4x8x128xf32, #tpu.memory_space<vmem>>
        %dma_wait3A_433 = tpu.memref_squeeze %dma_wait3A_432 : memref<1x4x4x8x128xf32, #tpu.memory_space<vmem>> -> memref<4x4x8x128xf32, #tpu.memory_space<vmem>>
        tpu.wait_dma2 semaphore(%dma_wait3A_421 : memref<!tpu.dma_semaphore, #tpu.memory_space<semaphore_mem>>) src(%dma_wait3A_433 : memref<4x4x8x128xf32, #tpu.memory_space<vmem>>) dst(%dma_wait3A_427 : memref<4x4x8x128xf32, #tpu.memory_space<hbm>>)
      } else {
      }
      %get3A = arith.index_cast %select_n3A_211 : i32 to index
      %get3A_245 = arith.constant 0 : index
      %get3A_246 = tpu.vector_load %arg9[%get3A, %get3A_245] {strides = array<i32>} : memref<200x32xf32, #tpu.memory_space<vmem>>, vector<16xf32>,
      %get3A_247 = arith.index_cast %select_n3A_211 : i32 to index
      %get3A_248 = arith.constant 16 : index
      %get3A_249 = tpu.vector_load %arg9[%get3A_247, %get3A_248] {strides = array<i32>} : memref<200x32xf32, #tpu.memory_space<vmem>>, vector<16xf32>,
      %scan3A_250 = arith.constant 0 : i32
      %scan3A_251 = arith.constant 0 : i32
      %scan3A_252 = arith.constant 512 : i32
      %scan3A_253 = arith.addi %scan3A_251, %scan3A_252 : i32
      %scan3A_254 = arith.constant 1 : i32
      scf.for %scan3A_405 = %scan3A_251 to %scan3A_253 step %scan3A_254  : i32 {
        %get3A_406 = arith.constant 0 : i32
        %get3A_407 = arith.index_cast %get3A_406 : i32 to index
        %get3A_408 = arith.index_cast %scan3A_405 : i32 to index
        %get3A_409 = arith.constant 0 : index
        %get3A_410 = tpu.vector_load %arg7[%get3A_407, %get3A_408, %get3A_409] {strides = array<i32>} : memref<2x512x32xf32, #tpu.memory_space<vmem>>, vector<16xf32>,
        %add3A_411 = arith.addf %get3A_410, %get3A_246 : vector<16xf32>
        %get3A_412 = arith.constant 0 : i32
        %get3A_413 = arith.index_cast %get3A_412 : i32 to index
        %get3A_414 = arith.index_cast %scan3A_405 : i32 to index
        %get3A_415 = arith.constant 16 : index
        %get3A_416 = tpu.vector_load %arg7[%get3A_413, %get3A_414, %get3A_415] {strides = array<i32>} : memref<2x512x32xf32, #tpu.memory_space<vmem>>, vector<16xf32>,
        %add3A_417 = arith.addf %get3A_416, %get3A_249 : vector<16xf32>
        %broadcast_in_dim3A = arith.constant 0 : i32
        %broadcast_in_dim3A_418 = vector.broadcast %broadcast_in_dim3A : i32 to vector<16xi32>
        %shift_right_arithmetic3A_419 = arith.constant 7 : i32
        %shift_right_arithmetic3A_420 = arith.shrsi %scan3A_405, %shift_right_arithmetic3A_419 : i32
        %add3A_421 = vector.broadcast %shift_right_arithmetic3A_420 : i32 to vector<16xi32>
        %add3A_422 = arith.addi %broadcast_in_dim3A_418, %add3A_421 : vector<16xi32>
        %broadcast_in_dim3A_423 = arith.constant 0 : i32
        %broadcast_in_dim3A_424 = vector.broadcast %broadcast_in_dim3A_423 : i32 to vector<16xi32>
        %and3A_425 = arith.constant 127 : i32
        %and3A_426 = arith.andi %scan3A_405, %and3A_425 : i32
        %add3A_427 = vector.broadcast %and3A_426 : i32 to vector<16xi32>
        %add3A_428 = arith.addi %broadcast_in_dim3A_424, %add3A_427 : vector<16xi32>
        %scatter3A = arith.constant 0 : i32
        %scatter3A_429 = arith.constant 0 : i32
        %scatter3A_430 = arith.constant 0 : i32
        %scatter3A_431 = arith.constant 0 : i32
        %scatter3A_432 = arith.constant 0 : i32
        %scatter3A_433 = tpu.memref_slice %arg8[%scatter3A, %scatter3A_429, %scatter3A_430, %scatter3A_431, %scatter3A_432] : memref<2x4x4x8x128xf32, #tpu.memory_space<vmem>> -> memref<1x4x4x8x128xf32, #tpu.memory_space<vmem>>
        %scatter3A_434 = tpu.memref_squeeze %scatter3A_433 : memref<1x4x4x8x128xf32, #tpu.memory_space<vmem>> -> memref<4x4x8x128xf32, #tpu.memory_space<vmem>>
        tpu.vector_store_idx %scatter3A_434[%shift_right_arithmetic3A_4, %add3A_422, %and3A_2, %add3A_428], %add3A_411 : memref<4x4x8x128xf32, #tpu.memory_space<vmem>>[vector<16xi32>, vector<16xi32>, vector<16xi32>, vector<16xi32>], vector<16xf32>,
        %add3A_435 = arith.constant 2 : i32
        %add3A_436 = vector.broadcast %add3A_435 : i32 to vector<16xi32>
        %add3A_437 = arith.addi %add3A_436, %shift_right_arithmetic3A_4 : vector<16xi32>
        %scatter3A_438 = arith.constant 0 : i32
        %scatter3A_439 = arith.constant 0 : i32
        %scatter3A_440 = arith.constant 0 : i32
        %scatter3A_441 = arith.constant 0 : i32
        %scatter3A_442 = arith.constant 0 : i32
        %scatter3A_443 = tpu.memref_slice %arg8[%scatter3A_438, %scatter3A_439, %scatter3A_440, %scatter3A_441, %scatter3A_442] : memref<2x4x4x8x128xf32, #tpu.memory_space<vmem>> -> memref<1x4x4x8x128xf32, #tpu.memory_space<vmem>>
        %scatter3A_444 = tpu.memref_squeeze %scatter3A_443 : memref<1x4x4x8x128xf32, #tpu.memory_space<vmem>> -> memref<4x4x8x128xf32, #tpu.memory_space<vmem>>
        tpu.vector_store_idx %scatter3A_444[%add3A_437, %add3A_422, %and3A_2, %add3A_428], %add3A_417 : memref<4x4x8x128xf32, #tpu.memory_space<vmem>>[vector<16xi32>, vector<16xi32>, vector<16xi32>, vector<16xi32>], vector<16xf32>,
      }
      %scan3A_255 = arith.constant 512 : i32
      %mul3A_256 = arith.constant 4 : i32
      %mul3A_257 = arith.muli %select_n3A_227, %mul3A_256 : i32
      %dma_start3A_258 = arith.constant 0 : i32
      %dma_start3A_259 = arith.constant 0 : i32
      %dma_start3A_260 = arith.constant 0 : i32
      %dma_start3A_261 = arith.constant 0 : i32
      %dma_start3A_262 = arith.constant 0 : i32
      %dma_start3A_263 = arith.constant 0 : i32
      %dma_start3A_264 = tpu.memref_slice %arg8[%dma_start3A_258, %dma_start3A_260, %dma_start3A_261, %dma_start3A_262, %dma_start3A_263] : memref<2x4x4x8x128xf32, #tpu.memory_space<vmem>> -> memref<1x4x4x8x128xf32, #tpu.memory_space<vmem>>
      %dma_start3A_265 = tpu.memref_squeeze %dma_start3A_264 : memref<1x4x4x8x128xf32, #tpu.memory_space<vmem>> -> memref<4x4x8x128xf32, #tpu.memory_space<vmem>>
      %dma_start3A_266 = arith.constant 0 : i32
      %dma_start3A_267 = arith.constant 0 : i32
      %dma_start3A_268 = arith.constant 0 : i32
      %dma_start3A_269 = tpu.memref_slice %arg5[%select_n3A_211, %dma_start3A_266, %mul3A_257, %dma_start3A_267, %dma_start3A_268] : memref<200x4x32x8x128xf32, #tpu.memory_space<hbm>> -> memref<1x4x4x8x128xf32, #tpu.memory_space<hbm>>
      %dma_start3A_270 = tpu.memref_squeeze %dma_start3A_269 : memref<1x4x4x8x128xf32, #tpu.memory_space<hbm>> -> memref<4x4x8x128xf32, #tpu.memory_space<hbm>>
      %dma_start3A_271 = tpu.memref_slice %arg11[%dma_start3A_259] : memref<2x!tpu.dma_semaphore, #tpu.memory_space<semaphore_mem>> -> memref<1x!tpu.dma_semaphore, #tpu.memory_space<semaphore_mem>>
      %dma_start3A_272 = tpu.memref_squeeze %dma_start3A_271 : memref<1x!tpu.dma_semaphore, #tpu.memory_space<semaphore_mem>> -> memref<!tpu.dma_semaphore, #tpu.memory_space<semaphore_mem>>
      %dma_start3A_273 = arith.constant 0 : i32
      %dma_start3A_274 = arith.constant 0 : i32
      %dma_start3A_275 = arith.constant 0 : i32
      %dma_start3A_276 = tpu.memref_slice %arg5[%select_n3A_211, %dma_start3A_273, %mul3A_257, %dma_start3A_274, %dma_start3A_275] : memref<200x4x32x8x128xf32, #tpu.memory_space<hbm>> -> memref<1x4x4x8x128xf32, #tpu.memory_space<hbm>>
      %dma_start3A_277 = tpu.memref_squeeze %dma_start3A_276 : memref<1x4x4x8x128xf32, #tpu.memory_space<hbm>> -> memref<4x4x8x128xf32, #tpu.memory_space<hbm>>
      %dma_start3A_278 = arith.constant 0 : i32
      %dma_start3A_279 = arith.constant 0 : i32
      %dma_start3A_280 = arith.constant 0 : i32
      %dma_start3A_281 = arith.constant 0 : i32
      %dma_start3A_282 = tpu.memref_slice %arg8[%dma_start3A_258, %dma_start3A_278, %dma_start3A_279, %dma_start3A_280, %dma_start3A_281] : memref<2x4x4x8x128xf32, #tpu.memory_space<vmem>> -> memref<1x4x4x8x128xf32, #tpu.memory_space<vmem>>
      %dma_start3A_283 = tpu.memref_squeeze %dma_start3A_282 : memref<1x4x4x8x128xf32, #tpu.memory_space<vmem>> -> memref<4x4x8x128xf32, #tpu.memory_space<vmem>>
      tpu.enqueue_dma source(%dma_start3A_283 : memref<4x4x8x128xf32, #tpu.memory_space<vmem>>) target(%dma_start3A_277 : memref<4x4x8x128xf32, #tpu.memory_space<hbm>>) target_semaphore(%dma_start3A_272 : memref<!tpu.dma_semaphore, #tpu.memory_space<semaphore_mem>>)
      %add3A_284 = arith.constant 2 : i32
      %add3A_285 = arith.addi %add3A_184, %add3A_284 : i32
      %lt3A_286 = arith.constant 50 : i32
      %lt3A_287 = arith.cmpi slt, %add3A_285, %lt3A_286 : i32
      %convert_element_type3A_288 = arith.extui %lt3A_287 : i1 to i32
      %cond3A_289 = arith.constant 0 : i32
      %cond3A_290 = arith.cmpi ne, %convert_element_type3A_288, %cond3A_289 : i32
      scf.if %cond3A_290 {
        %add3A_405 = arith.constant 2 : i32
        %add3A_406 = arith.addi %add3A_187, %add3A_405 : i32
        %jit3A_407 = arith.constant 8 : i32
        %div3A_408 = arith.divsi %add3A_406, %jit3A_407 : i32
        %sign3A_409 = arith.constant 0 : i32
        %sign3A_410 = arith.cmpi sgt, %add3A_406, %sign3A_409 : i32
        %sign3A_411 = arith.extui %sign3A_410 : i1 to i32
        %sign3A_412 = arith.constant 0 : i32
        %sign3A_413 = arith.cmpi slt, %add3A_406, %sign3A_412 : i32
        %sign3A_414 = arith.extui %sign3A_413 : i1 to i32
        %sign3A_415 = arith.subi %sign3A_411, %sign3A_414 : i32
        %sign3A_416 = arith.constant 0 : i32
        %sign3A_417 = arith.cmpi sgt, %jit3A_407, %sign3A_416 : i32
        %sign3A_418 = arith.extui %sign3A_417 : i1 to i32
        %sign3A_419 = arith.constant 0 : i32
        %sign3A_420 = arith.cmpi slt, %jit3A_407, %sign3A_419 : i32
        %sign3A_421 = arith.extui %sign3A_420 : i1 to i32
        %sign3A_422 = arith.subi %sign3A_418, %sign3A_421 : i32
        %ne3A_423 = arith.cmpi ne, %sign3A_415, %sign3A_422 : i32
        %rem3A_424 = arith.remsi %add3A_406, %jit3A_407 : i32
        %ne3A_425 = arith.constant 0 : i32
        %ne3A_426 = arith.cmpi ne, %rem3A_424, %ne3A_425 : i32
        %and3A_427 = arith.andi %ne3A_423, %ne3A_426 : i1
        %sub3A_428 = arith.constant 1 : i32
        %sub3A_429 = arith.subi %div3A_408, %sub3A_428 : i32
        %select_n3A_430 = arith.select %and3A_427, %sub3A_429, %div3A_408 : i32
        %jit3A_431 = arith.constant 8 : i32
        %eq3A_432 = arith.constant 0 : i32
        %eq3A_433 = arith.cmpi eq, %jit3A_431, %eq3A_432 : i32
        %jit3A_434 = arith.constant 1 : i32
        %select_n3A_435 = arith.select %eq3A_433, %jit3A_434, %jit3A_431 : i32
        %rem3A_436 = arith.remsi %add3A_406, %select_n3A_435 : i32
        %ne3A_437 = arith.constant 0 : i32
        %ne3A_438 = arith.cmpi ne, %rem3A_436, %ne3A_437 : i32
        %lt3A_439 = arith.constant 0 : i32
        %lt3A_440 = arith.cmpi slt, %rem3A_436, %lt3A_439 : i32
        %lt3A_441 = arith.constant 0 : i32
        %lt3A_442 = arith.cmpi slt, %select_n3A_435, %lt3A_441 : i32
        %ne3A_443 = arith.xori %lt3A_440, %lt3A_442 : i1
        %and3A_444 = arith.andi %ne3A_443, %ne3A_438 : i1
        %add3A_445 = arith.addi %rem3A_436, %select_n3A_435 : i32
        %select_n3A_446 = arith.select %and3A_444, %add3A_445, %rem3A_436 : i32
        %mul3A_447 = arith.constant 512 : i32
        %mul3A_448 = arith.muli %select_n3A_446, %mul3A_447 : i32
        %run_scoped3A_449 = arith.constant 0 : i32
        "tpu.region"() ({
          %run_scoped3A_465 = tpu.sem_alloc : memref<!tpu.dma_semaphore, #tpu.memory_space<semaphore_mem>>
          %dma_start3A_466 = arith.constant 0 : i32
          %dma_start3A_467 = tpu.memref_slice %arg6[%run_scoped3A_449, %dma_start3A_466] : memref<2x512xi32, #tpu.memory_space<vmem>> -> memref<1x512xi32, #tpu.memory_space<vmem>>
          %dma_start3A_468 = tpu.memref_squeeze %dma_start3A_467 : memref<1x512xi32, #tpu.memory_space<vmem>> -> memref<512xi32, #tpu.memory_space<vmem>>
          %dma_start3A_469 = tpu.memref_slice %arg2[%select_n3A_430, %mul3A_448] : memref<200x4096xi32, #tpu.memory_space<hbm>> -> memref<1x512xi32, #tpu.memory_space<hbm>>
          %dma_start3A_470 = tpu.memref_squeeze %dma_start3A_469 : memref<1x512xi32, #tpu.memory_space<hbm>> -> memref<512xi32, #tpu.memory_space<hbm>>
          %dma_start3A_471 = arith.constant 0 : i32
          %dma_start3A_472 = tpu.memref_slice %arg6[%run_scoped3A_449, %dma_start3A_471] : memref<2x512xi32, #tpu.memory_space<vmem>> -> memref<1x512xi32, #tpu.memory_space<vmem>>
          %dma_start3A_473 = tpu.memref_squeeze %dma_start3A_472 : memref<1x512xi32, #tpu.memory_space<vmem>> -> memref<512xi32, #tpu.memory_space<vmem>>
          %dma_start3A_474 = tpu.memref_slice %arg2[%select_n3A_430, %mul3A_448] : memref<200x4096xi32, #tpu.memory_space<hbm>> -> memref<1x512xi32, #tpu.memory_space<hbm>>
          %dma_start3A_475 = tpu.memref_squeeze %dma_start3A_474 : memref<1x512xi32, #tpu.memory_space<hbm>> -> memref<512xi32, #tpu.memory_space<hbm>>
          tpu.enqueue_dma source(%dma_start3A_475 : memref<512xi32, #tpu.memory_space<hbm>>) target(%dma_start3A_473 : memref<512xi32, #tpu.memory_space<vmem>>) target_semaphore(%run_scoped3A_465 : memref<!tpu.dma_semaphore, #tpu.memory_space<semaphore_mem>>)
          %dma_wait3A_476 = arith.constant 0 : i32
          %dma_wait3A_477 = tpu.memref_slice %arg6[%run_scoped3A_449, %dma_wait3A_476] : memref<2x512xi32, #tpu.memory_space<vmem>> -> memref<1x512xi32, #tpu.memory_space<vmem>>
          %dma_wait3A_478 = tpu.memref_squeeze %dma_wait3A_477 : memref<1x512xi32, #tpu.memory_space<vmem>> -> memref<512xi32, #tpu.memory_space<vmem>>
          %dma_wait3A_479 = tpu.memref_slice %arg2[%select_n3A_430, %mul3A_448] : memref<200x4096xi32, #tpu.memory_space<hbm>> -> memref<1x512xi32, #tpu.memory_space<hbm>>
          %dma_wait3A_480 = tpu.memref_squeeze %dma_wait3A_479 : memref<1x512xi32, #tpu.memory_space<hbm>> -> memref<512xi32, #tpu.memory_space<hbm>>
          %dma_wait3A_481 = arith.constant 0 : i32
          %dma_wait3A_482 = tpu.memref_slice %arg6[%run_scoped3A_449, %dma_wait3A_481] : memref<2x512xi32, #tpu.memory_space<vmem>> -> memref<1x512xi32, #tpu.memory_space<vmem>>
          %dma_wait3A_483 = tpu.memref_squeeze %dma_wait3A_482 : memref<1x512xi32, #tpu.memory_space<vmem>> -> memref<512xi32, #tpu.memory_space<vmem>>
          %dma_wait3A_484 = tpu.memref_slice %arg2[%select_n3A_430, %mul3A_448] : memref<200x4096xi32, #tpu.memory_space<hbm>> -> memref<1x512xi32, #tpu.memory_space<hbm>>
          %dma_wait3A_485 = tpu.memref_squeeze %dma_wait3A_484 : memref<1x512xi32, #tpu.memory_space<hbm>> -> memref<512xi32, #tpu.memory_space<hbm>>
          tpu.wait_dma2 semaphore(%run_scoped3A_465 : memref<!tpu.dma_semaphore, #tpu.memory_space<semaphore_mem>>) src(%dma_wait3A_485 : memref<512xi32, #tpu.memory_space<hbm>>) dst(%dma_wait3A_483 : memref<512xi32, #tpu.memory_space<vmem>>)
          tpu.yield
        }) : () -> ()
        %dma_start3A_450 = arith.constant 0 : i32
        %dma_start3A_451 = arith.constant 0 : i32
        %dma_start3A_452 = arith.constant 0 : i32
        %dma_start3A_453 = arith.constant 0 : i32
        %dma_start3A_454 = arith.constant 0 : i32
        %dma_start3A_455 = tpu.memref_slice %arg7[%dma_start3A_451, %dma_start3A_453, %dma_start3A_454] : memref<2x512x32xf32, #tpu.memory_space<vmem>> -> memref<1x512x32xf32, #tpu.memory_space<vmem>>
        %dma_start3A_456 = tpu.memref_squeeze %dma_start3A_455 : memref<1x512x32xf32, #tpu.memory_space<vmem>> -> memref<512x32xf32, #tpu.memory_space<vmem>>
        %dma_start3A_457 = arith.constant 0 : i32
        %dma_start3A_458 = tpu.memref_slice %arg6[%dma_start3A_450, %dma_start3A_457] : memref<2x512xi32, #tpu.memory_space<vmem>> -> memref<1x512xi32, #tpu.memory_space<vmem>>
        %dma_start3A_459 = tpu.memref_squeeze %dma_start3A_458 : memref<1x512xi32, #tpu.memory_space<vmem>> -> memref<512xi32, #tpu.memory_space<vmem>>
        %dma_start3A_460 = arith.constant 0 : i32
        %dma_start3A_461 = arith.constant 0 : i32
        %dma_start3A_462 = tpu.memref_slice %arg3[%dma_start3A_460, %dma_start3A_461] : memref<1000000x32xf32, #tpu.memory_space<hbm>> -> memref<1000000x32xf32, #tpu.memory_space<hbm>>
        %dma_start3A_463 = tpu.memref_slice %arg10[%dma_start3A_452] : memref<2x!tpu.dma_semaphore, #tpu.memory_space<semaphore_mem>> -> memref<1x!tpu.dma_semaphore, #tpu.memory_space<semaphore_mem>>
        %dma_start3A_464 = tpu.memref_squeeze %dma_start3A_463 : memref<1x!tpu.dma_semaphore, #tpu.memory_space<semaphore_mem>> -> memref<!tpu.dma_semaphore, #tpu.memory_space<semaphore_mem>>
        tpu.enqueue_indirect_dma source(%dma_start3A_462 : memref<1000000x32xf32, #tpu.memory_space<hbm>>) target(%dma_start3A_456 : memref<512x32xf32, #tpu.memory_space<vmem>>) offsets(%dma_start3A_459 : memref<512xi32, #tpu.memory_space<vmem>>) semaphore(%dma_start3A_464 : memref<!tpu.dma_semaphore, #tpu.memory_space<semaphore_mem>>)
      } else {
      }
      %mul3A_291 = arith.constant 2 : i32
      %mul3A_292 = arith.muli %mul3A_291, %scan3A_180 : i32
      %add3A_293 = arith.constant 1 : i32
      %add3A_294 = arith.addi %mul3A_292, %add3A_293 : i32
      %mul3A_295 = arith.constant 50 : i32
      %mul3A_296 = arith.muli %add3A, %mul3A_295 : i32
      %add3A_297 = arith.addi %mul3A_296, %add3A_294 : i32
      %jit3A_298 = arith.constant 8 : i32
      %div3A_299 = arith.divsi %add3A_297, %jit3A_298 : i32
      %sign3A_300 = arith.constant 0 : i32
      %sign3A_301 = arith.cmpi sgt, %add3A_297, %sign3A_300 : i32
      %sign3A_302 = arith.extui %sign3A_301 : i1 to i32
      %sign3A_303 = arith.constant 0 : i32
      %sign3A_304 = arith.cmpi slt, %add3A_297, %sign3A_303 : i32
      %sign3A_305 = arith.extui %sign3A_304 : i1 to i32
      %sign3A_306 = arith.subi %sign3A_302, %sign3A_305 : i32
      %sign3A_307 = arith.constant 0 : i32
      %sign3A_308 = arith.cmpi sgt, %jit3A_298, %sign3A_307 : i32
      %sign3A_309 = arith.extui %sign3A_308 : i1 to i32
      %sign3A_310 = arith.constant 0 : i32
      %sign3A_311 = arith.cmpi slt, %jit3A_298, %sign3A_310 : i32
      %sign3A_312 = arith.extui %sign3A_311 : i1 to i32
      %sign3A_313 = arith.subi %sign3A_309, %sign3A_312 : i32
      %ne3A_314 = arith.cmpi ne, %sign3A_306, %sign3A_313 : i32
      %rem3A_315 = arith.remsi %add3A_297, %jit3A_298 : i32
      %ne3A_316 = arith.constant 0 : i32
      %ne3A_317 = arith.cmpi ne, %rem3A_315, %ne3A_316 : i32
      %and3A_318 = arith.andi %ne3A_314, %ne3A_317 : i1
      %sub3A_319 = arith.constant 1 : i32
      %sub3A_320 = arith.subi %div3A_299, %sub3A_319 : i32
      %select_n3A_321 = arith.select %and3A_318, %sub3A_320, %div3A_299 : i32
      %jit3A_322 = arith.constant 8 : i32
      %eq3A_323 = arith.constant 0 : i32
      %eq3A_324 = arith.cmpi eq, %jit3A_322, %eq3A_323 : i32
      %jit3A_325 = arith.constant 1 : i32
      %select_n3A_326 = arith.select %eq3A_324, %jit3A_325, %jit3A_322 : i32
      %rem3A_327 = arith.remsi %add3A_297, %select_n3A_326 : i32
      %ne3A_328 = arith.constant 0 : i32
      %ne3A_329 = arith.cmpi ne, %rem3A_327, %ne3A_328 : i32
      %lt3A_330 = arith.constant 0 : i32
      %lt3A_331 = arith.cmpi slt, %rem3A_327, %lt3A_330 : i32
      %lt3A_332 = arith.constant 0 : i32
      %lt3A_333 = arith.cmpi slt, %select_n3A_326, %lt3A_332 : i32
      %ne3A_334 = arith.xori %lt3A_331, %lt3A_333 : i1
      %and3A_335 = arith.andi %ne3A_334, %ne3A_329 : i1
      %add3A_336 = arith.addi %rem3A_327, %select_n3A_326 : i32
      %select_n3A_337 = arith.select %and3A_335, %add3A_336, %rem3A_327 : i32
      %dma_wait3A_338 = arith.constant 1 : i32
      %dma_wait3A_339 = arith.constant 1 : i32
      %dma_wait3A_340 = arith.constant 1 : i32
      %dma_wait3A_341 = arith.constant 0 : i32
      %dma_wait3A_342 = arith.constant 0 : i32
      %dma_wait3A_343 = tpu.memref_slice %arg7[%dma_wait3A_339, %dma_wait3A_341, %dma_wait3A_342] : memref<2x512x32xf32, #tpu.memory_space<vmem>> -> memref<1x512x32xf32, #tpu.memory_space<vmem>>
      %dma_wait3A_344 = tpu.memref_squeeze %dma_wait3A_343 : memref<1x512x32xf32, #tpu.memory_space<vmem>> -> memref<512x32xf32, #tpu.memory_space<vmem>>
      %dma_wait3A_345 = arith.constant 0 : i32
      %dma_wait3A_346 = tpu.memref_slice %arg6[%dma_wait3A_338, %dma_wait3A_345] : memref<2x512xi32, #tpu.memory_space<vmem>> -> memref<1x512xi32, #tpu.memory_space<vmem>>
      %dma_wait3A_347 = tpu.memref_squeeze %dma_wait3A_346 : memref<1x512xi32, #tpu.memory_space<vmem>> -> memref<512xi32, #tpu.memory_space<vmem>>
      %dma_wait3A_348 = arith.constant 0 : i32
      %dma_wait3A_349 = arith.constant 0 : i32
      %dma_wait3A_350 = tpu.memref_slice %arg3[%dma_wait3A_348, %dma_wait3A_349] : memref<1000000x32xf32, #tpu.memory_space<hbm>> -> memref<1000000x32xf32, #tpu.memory_space<hbm>>
      %dma_wait3A_351 = tpu.memref_slice %arg10[%dma_wait3A_340] : memref<2x!tpu.dma_semaphore, #tpu.memory_space<semaphore_mem>> -> memref<1x!tpu.dma_semaphore, #tpu.memory_space<semaphore_mem>>
      %dma_wait3A_352 = tpu.memref_squeeze %dma_wait3A_351 : memref<1x!tpu.dma_semaphore, #tpu.memory_space<semaphore_mem>> -> memref<!tpu.dma_semaphore, #tpu.memory_space<semaphore_mem>>
      tpu.wait_indirect_dma semaphore(%dma_wait3A_352 : memref<!tpu.dma_semaphore, #tpu.memory_space<semaphore_mem>>) src(%dma_wait3A_350 : memref<1000000x32xf32, #tpu.memory_space<hbm>>) dst(%dma_wait3A_344 : memref<512x32xf32, #tpu.memory_space<vmem>>)
      %ge3A_353 = arith.constant 2 : i32
      %ge3A_354 = arith.cmpi sge, %add3A_294, %ge3A_353 : i32
      %convert_element_type3A_355 = arith.extui %ge3A_354 : i1 to i32
      %cond3A_356 = arith.constant 0 : i32
      %cond3A_357 = arith.cmpi ne, %convert_element_type3A_355, %cond3A_356 : i32
      scf.if %cond3A_357 {
        %dma_wait3A_405 = arith.constant 1 : i32
        %dma_wait3A_406 = arith.constant 0 : i32
        %dma_wait3A_407 = arith.constant 1 : i32
        %dma_wait3A_408 = arith.constant 0 : i32
        %dma_wait3A_409 = arith.constant 0 : i32
        %dma_wait3A_410 = arith.constant 0 : i32
        %dma_wait3A_411 = arith.constant 0 : i32
        %dma_wait3A_412 = tpu.memref_slice %arg8[%dma_wait3A_405, %dma_wait3A_408, %dma_wait3A_409, %dma_wait3A_410, %dma_wait3A_411] : memref<2x4x4x8x128xf32, #tpu.memory_space<vmem>> -> memref<1x4x4x8x128xf32, #tpu.memory_space<vmem>>
        %dma_wait3A_413 = tpu.memref_squeeze %dma_wait3A_412 : memref<1x4x4x8x128xf32, #tpu.memory_space<vmem>> -> memref<4x4x8x128xf32, #tpu.memory_space<vmem>>
        %dma_wait3A_414 = arith.constant 0 : i32
        %dma_wait3A_415 = arith.constant 0 : i32
        %dma_wait3A_416 = arith.constant 0 : i32
        %dma_wait3A_417 = arith.constant 0 : i32
        %dma_wait3A_418 = tpu.memref_slice %arg5[%dma_wait3A_406, %dma_wait3A_414, %dma_wait3A_415, %dma_wait3A_416, %dma_wait3A_417] : memref<200x4x32x8x128xf32, #tpu.memory_space<hbm>> -> memref<1x4x4x8x128xf32, #tpu.memory_space<hbm>>
        %dma_wait3A_419 = tpu.memref_squeeze %dma_wait3A_418 : memref<1x4x4x8x128xf32, #tpu.memory_space<hbm>> -> memref<4x4x8x128xf32, #tpu.memory_space<hbm>>
        %dma_wait3A_420 = tpu.memref_slice %arg11[%dma_wait3A_407] : memref<2x!tpu.dma_semaphore, #tpu.memory_space<semaphore_mem>> -> memref<1x!tpu.dma_semaphore, #tpu.memory_space<semaphore_mem>>
        %dma_wait3A_421 = tpu.memref_squeeze %dma_wait3A_420 : memref<1x!tpu.dma_semaphore, #tpu.memory_space<semaphore_mem>> -> memref<!tpu.dma_semaphore, #tpu.memory_space<semaphore_mem>>
        %dma_wait3A_422 = arith.constant 0 : i32
        %dma_wait3A_423 = arith.constant 0 : i32
        %dma_wait3A_424 = arith.constant 0 : i32
        %dma_wait3A_425 = arith.constant 0 : i32
        %dma_wait3A_426 = tpu.memref_slice %arg5[%dma_wait3A_406, %dma_wait3A_422, %dma_wait3A_423, %dma_wait3A_424, %dma_wait3A_425] : memref<200x4x32x8x128xf32, #tpu.memory_space<hbm>> -> memref<1x4x4x8x128xf32, #tpu.memory_space<hbm>>
        %dma_wait3A_427 = tpu.memref_squeeze %dma_wait3A_426 : memref<1x4x4x8x128xf32, #tpu.memory_space<hbm>> -> memref<4x4x8x128xf32, #tpu.memory_space<hbm>>
        %dma_wait3A_428 = arith.constant 0 : i32
        %dma_wait3A_429 = arith.constant 0 : i32
        %dma_wait3A_430 = arith.constant 0 : i32
        %dma_wait3A_431 = arith.constant 0 : i32
        %dma_wait3A_432 = tpu.memref_slice %arg8[%dma_wait3A_405, %dma_wait3A_428, %dma_wait3A_429, %dma_wait3A_430, %dma_wait3A_431] : memref<2x4x4x8x128xf32, #tpu.memory_space<vmem>> -> memref<1x4x4x8x128xf32, #tpu.memory_space<vmem>>
        %dma_wait3A_433 = tpu.memref_squeeze %dma_wait3A_432 : memref<1x4x4x8x128xf32, #tpu.memory_space<vmem>> -> memref<4x4x8x128xf32, #tpu.memory_space<vmem>>
        tpu.wait_dma2 semaphore(%dma_wait3A_421 : memref<!tpu.dma_semaphore, #tpu.memory_space<semaphore_mem>>) src(%dma_wait3A_433 : memref<4x4x8x128xf32, #tpu.memory_space<vmem>>) dst(%dma_wait3A_427 : memref<4x4x8x128xf32, #tpu.memory_space<hbm>>)
      } else {
      }
      %get3A_358 = arith.index_cast %select_n3A_321 : i32 to index
      %get3A_359 = arith.constant 0 : index
      %get3A_360 = tpu.vector_load %arg9[%get3A_358, %get3A_359] {strides = array<i32>} : memref<200x32xf32, #tpu.memory_space<vmem>>, vector<16xf32>,
      %get3A_361 = arith.index_cast %select_n3A_321 : i32 to index
      %get3A_362 = arith.constant 16 : index
      %get3A_363 = tpu.vector_load %arg9[%get3A_361, %get3A_362] {strides = array<i32>} : memref<200x32xf32, #tpu.memory_space<vmem>>, vector<16xf32>,
      %scan3A_364 = arith.constant 0 : i32
      %scan3A_365 = arith.constant 0 : i32
      %scan3A_366 = arith.constant 512 : i32
      %scan3A_367 = arith.addi %scan3A_365, %scan3A_366 : i32
      %scan3A_368 = arith.constant 1 : i32
      scf.for %scan3A_405 = %scan3A_365 to %scan3A_367 step %scan3A_368  : i32 {
        %get3A_406 = arith.constant 1 : i32
        %get3A_407 = arith.index_cast %get3A_406 : i32 to index
        %get3A_408 = arith.index_cast %scan3A_405 : i32 to index
        %get3A_409 = arith.constant 0 : index
        %get3A_410 = tpu.vector_load %arg7[%get3A_407, %get3A_408, %get3A_409] {strides = array<i32>} : memref<2x512x32xf32, #tpu.memory_space<vmem>>, vector<16xf32>,
        %add3A_411 = arith.addf %get3A_410, %get3A_360 : vector<16xf32>
        %get3A_412 = arith.constant 1 : i32
        %get3A_413 = arith.index_cast %get3A_412 : i32 to index
        %get3A_414 = arith.index_cast %scan3A_405 : i32 to index
        %get3A_415 = arith.constant 16 : index
        %get3A_416 = tpu.vector_load %arg7[%get3A_413, %get3A_414, %get3A_415] {strides = array<i32>} : memref<2x512x32xf32, #tpu.memory_space<vmem>>, vector<16xf32>,
        %add3A_417 = arith.addf %get3A_416, %get3A_363 : vector<16xf32>
        %broadcast_in_dim3A = arith.constant 0 : i32
        %broadcast_in_dim3A_418 = vector.broadcast %broadcast_in_dim3A : i32 to vector<16xi32>
        %shift_right_arithmetic3A_419 = arith.constant 7 : i32
        %shift_right_arithmetic3A_420 = arith.shrsi %scan3A_405, %shift_right_arithmetic3A_419 : i32
        %add3A_421 = vector.broadcast %shift_right_arithmetic3A_420 : i32 to vector<16xi32>
        %add3A_422 = arith.addi %broadcast_in_dim3A_418, %add3A_421 : vector<16xi32>
        %broadcast_in_dim3A_423 = arith.constant 0 : i32
        %broadcast_in_dim3A_424 = vector.broadcast %broadcast_in_dim3A_423 : i32 to vector<16xi32>
        %and3A_425 = arith.constant 127 : i32
        %and3A_426 = arith.andi %scan3A_405, %and3A_425 : i32
        %add3A_427 = vector.broadcast %and3A_426 : i32 to vector<16xi32>
        %add3A_428 = arith.addi %broadcast_in_dim3A_424, %add3A_427 : vector<16xi32>
        %scatter3A = arith.constant 1 : i32
        %scatter3A_429 = arith.constant 0 : i32
        %scatter3A_430 = arith.constant 0 : i32
        %scatter3A_431 = arith.constant 0 : i32
        %scatter3A_432 = arith.constant 0 : i32
        %scatter3A_433 = tpu.memref_slice %arg8[%scatter3A, %scatter3A_429, %scatter3A_430, %scatter3A_431, %scatter3A_432] : memref<2x4x4x8x128xf32, #tpu.memory_space<vmem>> -> memref<1x4x4x8x128xf32, #tpu.memory_space<vmem>>
        %scatter3A_434 = tpu.memref_squeeze %scatter3A_433 : memref<1x4x4x8x128xf32, #tpu.memory_space<vmem>> -> memref<4x4x8x128xf32, #tpu.memory_space<vmem>>
        tpu.vector_store_idx %scatter3A_434[%shift_right_arithmetic3A_4, %add3A_422, %and3A_2, %add3A_428], %add3A_411 : memref<4x4x8x128xf32, #tpu.memory_space<vmem>>[vector<16xi32>, vector<16xi32>, vector<16xi32>, vector<16xi32>], vector<16xf32>,
        %add3A_435 = arith.constant 2 : i32
        %add3A_436 = vector.broadcast %add3A_435 : i32 to vector<16xi32>
        %add3A_437 = arith.addi %add3A_436, %shift_right_arithmetic3A_4 : vector<16xi32>
        %scatter3A_438 = arith.constant 1 : i32
        %scatter3A_439 = arith.constant 0 : i32
        %scatter3A_440 = arith.constant 0 : i32
        %scatter3A_441 = arith.constant 0 : i32
        %scatter3A_442 = arith.constant 0 : i32
        %scatter3A_443 = tpu.memref_slice %arg8[%scatter3A_438, %scatter3A_439, %scatter3A_440, %scatter3A_441, %scatter3A_442] : memref<2x4x4x8x128xf32, #tpu.memory_space<vmem>> -> memref<1x4x4x8x128xf32, #tpu.memory_space<vmem>>
        %scatter3A_444 = tpu.memref_squeeze %scatter3A_443 : memref<1x4x4x8x128xf32, #tpu.memory_space<vmem>> -> memref<4x4x8x128xf32, #tpu.memory_space<vmem>>
        tpu.vector_store_idx %scatter3A_444[%add3A_437, %add3A_422, %and3A_2, %add3A_428], %add3A_417 : memref<4x4x8x128xf32, #tpu.memory_space<vmem>>[vector<16xi32>, vector<16xi32>, vector<16xi32>, vector<16xi32>], vector<16xf32>,
      }
      %scan3A_369 = arith.constant 512 : i32
      %mul3A_370 = arith.constant 4 : i32
      %mul3A_371 = arith.muli %select_n3A_337, %mul3A_370 : i32
      %dma_start3A_372 = arith.constant 1 : i32
      %dma_start3A_373 = arith.constant 1 : i32
      %dma_start3A_374 = arith.constant 0 : i32
      %dma_start3A_375 = arith.constant 0 : i32
      %dma_start3A_376 = arith.constant 0 : i32
      %dma_start3A_377 = arith.constant 0 : i32
      %dma_start3A_378 = tpu.memref_slice %arg8[%dma_start3A_372, %dma_start3A_374, %dma_start3A_375, %dma_start3A_376, %dma_start3A_377] : memref<2x4x4x8x128xf32, #tpu.memory_space<vmem>> -> memref<1x4x4x8x128xf32, #tpu.memory_space<vmem>>
      %dma_start3A_379 = tpu.memref_squeeze %dma_start3A_378 : memref<1x4x4x8x128xf32, #tpu.memory_space<vmem>> -> memref<4x4x8x128xf32, #tpu.memory_space<vmem>>
      %dma_start3A_380 = arith.constant 0 : i32
      %dma_start3A_381 = arith.constant 0 : i32
      %dma_start3A_382 = arith.constant 0 : i32
      %dma_start3A_383 = tpu.memref_slice %arg5[%select_n3A_321, %dma_start3A_380, %mul3A_371, %dma_start3A_381, %dma_start3A_382] : memref<200x4x32x8x128xf32, #tpu.memory_space<hbm>> -> memref<1x4x4x8x128xf32, #tpu.memory_space<hbm>>
      %dma_start3A_384 = tpu.memref_squeeze %dma_start3A_383 : memref<1x4x4x8x128xf32, #tpu.memory_space<hbm>> -> memref<4x4x8x128xf32, #tpu.memory_space<hbm>>
      %dma_start3A_385 = tpu.memref_slice %arg11[%dma_start3A_373] : memref<2x!tpu.dma_semaphore, #tpu.memory_space<semaphore_mem>> -> memref<1x!tpu.dma_semaphore, #tpu.memory_space<semaphore_mem>>
      %dma_start3A_386 = tpu.memref_squeeze %dma_start3A_385 : memref<1x!tpu.dma_semaphore, #tpu.memory_space<semaphore_mem>> -> memref<!tpu.dma_semaphore, #tpu.memory_space<semaphore_mem>>
      %dma_start3A_387 = arith.constant 0 : i32
      %dma_start3A_388 = arith.constant 0 : i32
      %dma_start3A_389 = arith.constant 0 : i32
      %dma_start3A_390 = tpu.memref_slice %arg5[%select_n3A_321, %dma_start3A_387, %mul3A_371, %dma_start3A_388, %dma_start3A_389] : memref<200x4x32x8x128xf32, #tpu.memory_space<hbm>> -> memref<1x4x4x8x128xf32, #tpu.memory_space<hbm>>
      %dma_start3A_391 = tpu.memref_squeeze %dma_start3A_390 : memref<1x4x4x8x128xf32, #tpu.memory_space<hbm>> -> memref<4x4x8x128xf32, #tpu.memory_space<hbm>>
      %dma_start3A_392 = arith.constant 0 : i32
      %dma_start3A_393 = arith.constant 0 : i32
      %dma_start3A_394 = arith.constant 0 : i32
      %dma_start3A_395 = arith.constant 0 : i32
      %dma_start3A_396 = tpu.memref_slice %arg8[%dma_start3A_372, %dma_start3A_392, %dma_start3A_393, %dma_start3A_394, %dma_start3A_395] : memref<2x4x4x8x128xf32, #tpu.memory_space<vmem>> -> memref<1x4x4x8x128xf32, #tpu.memory_space<vmem>>
      %dma_start3A_397 = tpu.memref_squeeze %dma_start3A_396 : memref<1x4x4x8x128xf32, #tpu.memory_space<vmem>> -> memref<4x4x8x128xf32, #tpu.memory_space<vmem>>
      tpu.enqueue_dma source(%dma_start3A_397 : memref<4x4x8x128xf32, #tpu.memory_space<vmem>>) target(%dma_start3A_391 : memref<4x4x8x128xf32, #tpu.memory_space<hbm>>) target_semaphore(%dma_start3A_386 : memref<!tpu.dma_semaphore, #tpu.memory_space<semaphore_mem>>)
      %add3A_398 = arith.constant 2 : i32
      %add3A_399 = arith.addi %add3A_294, %add3A_398 : i32
      %lt3A_400 = arith.constant 50 : i32
      %lt3A_401 = arith.cmpi slt, %add3A_399, %lt3A_400 : i32
      %convert_element_type3A_402 = arith.extui %lt3A_401 : i1 to i32
      %cond3A_403 = arith.constant 0 : i32
      %cond3A_404 = arith.cmpi ne, %convert_element_type3A_402, %cond3A_403 : i32
      scf.if %cond3A_404 {
        %add3A_405 = arith.constant 2 : i32
        %add3A_406 = arith.addi %add3A_297, %add3A_405 : i32
        %jit3A_407 = arith.constant 8 : i32
        %div3A_408 = arith.divsi %add3A_406, %jit3A_407 : i32
        %sign3A_409 = arith.constant 0 : i32
        %sign3A_410 = arith.cmpi sgt, %add3A_406, %sign3A_409 : i32
        %sign3A_411 = arith.extui %sign3A_410 : i1 to i32
        %sign3A_412 = arith.constant 0 : i32
        %sign3A_413 = arith.cmpi slt, %add3A_406, %sign3A_412 : i32
        %sign3A_414 = arith.extui %sign3A_413 : i1 to i32
        %sign3A_415 = arith.subi %sign3A_411, %sign3A_414 : i32
        %sign3A_416 = arith.constant 0 : i32
        %sign3A_417 = arith.cmpi sgt, %jit3A_407, %sign3A_416 : i32
        %sign3A_418 = arith.extui %sign3A_417 : i1 to i32
        %sign3A_419 = arith.constant 0 : i32
        %sign3A_420 = arith.cmpi slt, %jit3A_407, %sign3A_419 : i32
        %sign3A_421 = arith.extui %sign3A_420 : i1 to i32
        %sign3A_422 = arith.subi %sign3A_418, %sign3A_421 : i32
        %ne3A_423 = arith.cmpi ne, %sign3A_415, %sign3A_422 : i32
        %rem3A_424 = arith.remsi %add3A_406, %jit3A_407 : i32
        %ne3A_425 = arith.constant 0 : i32
        %ne3A_426 = arith.cmpi ne, %rem3A_424, %ne3A_425 : i32
        %and3A_427 = arith.andi %ne3A_423, %ne3A_426 : i1
        %sub3A_428 = arith.constant 1 : i32
        %sub3A_429 = arith.subi %div3A_408, %sub3A_428 : i32
        %select_n3A_430 = arith.select %and3A_427, %sub3A_429, %div3A_408 : i32
        %jit3A_431 = arith.constant 8 : i32
        %eq3A_432 = arith.constant 0 : i32
        %eq3A_433 = arith.cmpi eq, %jit3A_431, %eq3A_432 : i32
        %jit3A_434 = arith.constant 1 : i32
        %select_n3A_435 = arith.select %eq3A_433, %jit3A_434, %jit3A_431 : i32
        %rem3A_436 = arith.remsi %add3A_406, %select_n3A_435 : i32
        %ne3A_437 = arith.constant 0 : i32
        %ne3A_438 = arith.cmpi ne, %rem3A_436, %ne3A_437 : i32
        %lt3A_439 = arith.constant 0 : i32
        %lt3A_440 = arith.cmpi slt, %rem3A_436, %lt3A_439 : i32
        %lt3A_441 = arith.constant 0 : i32
        %lt3A_442 = arith.cmpi slt, %select_n3A_435, %lt3A_441 : i32
        %ne3A_443 = arith.xori %lt3A_440, %lt3A_442 : i1
        %and3A_444 = arith.andi %ne3A_443, %ne3A_438 : i1
        %add3A_445 = arith.addi %rem3A_436, %select_n3A_435 : i32
        %select_n3A_446 = arith.select %and3A_444, %add3A_445, %rem3A_436 : i32
        %mul3A_447 = arith.constant 512 : i32
        %mul3A_448 = arith.muli %select_n3A_446, %mul3A_447 : i32
        %run_scoped3A_449 = arith.constant 1 : i32
        "tpu.region"() ({
          %run_scoped3A_465 = tpu.sem_alloc : memref<!tpu.dma_semaphore, #tpu.memory_space<semaphore_mem>>
          %dma_start3A_466 = arith.constant 0 : i32
          %dma_start3A_467 = tpu.memref_slice %arg6[%run_scoped3A_449, %dma_start3A_466] : memref<2x512xi32, #tpu.memory_space<vmem>> -> memref<1x512xi32, #tpu.memory_space<vmem>>
          %dma_start3A_468 = tpu.memref_squeeze %dma_start3A_467 : memref<1x512xi32, #tpu.memory_space<vmem>> -> memref<512xi32, #tpu.memory_space<vmem>>
          %dma_start3A_469 = tpu.memref_slice %arg2[%select_n3A_430, %mul3A_448] : memref<200x4096xi32, #tpu.memory_space<hbm>> -> memref<1x512xi32, #tpu.memory_space<hbm>>
          %dma_start3A_470 = tpu.memref_squeeze %dma_start3A_469 : memref<1x512xi32, #tpu.memory_space<hbm>> -> memref<512xi32, #tpu.memory_space<hbm>>
          %dma_start3A_471 = arith.constant 0 : i32
          %dma_start3A_472 = tpu.memref_slice %arg6[%run_scoped3A_449, %dma_start3A_471] : memref<2x512xi32, #tpu.memory_space<vmem>> -> memref<1x512xi32, #tpu.memory_space<vmem>>
          %dma_start3A_473 = tpu.memref_squeeze %dma_start3A_472 : memref<1x512xi32, #tpu.memory_space<vmem>> -> memref<512xi32, #tpu.memory_space<vmem>>
          %dma_start3A_474 = tpu.memref_slice %arg2[%select_n3A_430, %mul3A_448] : memref<200x4096xi32, #tpu.memory_space<hbm>> -> memref<1x512xi32, #tpu.memory_space<hbm>>
          %dma_start3A_475 = tpu.memref_squeeze %dma_start3A_474 : memref<1x512xi32, #tpu.memory_space<hbm>> -> memref<512xi32, #tpu.memory_space<hbm>>
          tpu.enqueue_dma source(%dma_start3A_475 : memref<512xi32, #tpu.memory_space<hbm>>) target(%dma_start3A_473 : memref<512xi32, #tpu.memory_space<vmem>>) target_semaphore(%run_scoped3A_465 : memref<!tpu.dma_semaphore, #tpu.memory_space<semaphore_mem>>)
          %dma_wait3A_476 = arith.constant 0 : i32
          %dma_wait3A_477 = tpu.memref_slice %arg6[%run_scoped3A_449, %dma_wait3A_476] : memref<2x512xi32, #tpu.memory_space<vmem>> -> memref<1x512xi32, #tpu.memory_space<vmem>>
          %dma_wait3A_478 = tpu.memref_squeeze %dma_wait3A_477 : memref<1x512xi32, #tpu.memory_space<vmem>> -> memref<512xi32, #tpu.memory_space<vmem>>
          %dma_wait3A_479 = tpu.memref_slice %arg2[%select_n3A_430, %mul3A_448] : memref<200x4096xi32, #tpu.memory_space<hbm>> -> memref<1x512xi32, #tpu.memory_space<hbm>>
          %dma_wait3A_480 = tpu.memref_squeeze %dma_wait3A_479 : memref<1x512xi32, #tpu.memory_space<hbm>> -> memref<512xi32, #tpu.memory_space<hbm>>
          %dma_wait3A_481 = arith.constant 0 : i32
          %dma_wait3A_482 = tpu.memref_slice %arg6[%run_scoped3A_449, %dma_wait3A_481] : memref<2x512xi32, #tpu.memory_space<vmem>> -> memref<1x512xi32, #tpu.memory_space<vmem>>
          %dma_wait3A_483 = tpu.memref_squeeze %dma_wait3A_482 : memref<1x512xi32, #tpu.memory_space<vmem>> -> memref<512xi32, #tpu.memory_space<vmem>>
          %dma_wait3A_484 = tpu.memref_slice %arg2[%select_n3A_430, %mul3A_448] : memref<200x4096xi32, #tpu.memory_space<hbm>> -> memref<1x512xi32, #tpu.memory_space<hbm>>
          %dma_wait3A_485 = tpu.memref_squeeze %dma_wait3A_484 : memref<1x512xi32, #tpu.memory_space<hbm>> -> memref<512xi32, #tpu.memory_space<hbm>>
          tpu.wait_dma2 semaphore(%run_scoped3A_465 : memref<!tpu.dma_semaphore, #tpu.memory_space<semaphore_mem>>) src(%dma_wait3A_485 : memref<512xi32, #tpu.memory_space<hbm>>) dst(%dma_wait3A_483 : memref<512xi32, #tpu.memory_space<vmem>>)
          tpu.yield
        }) : () -> ()
        %dma_start3A_450 = arith.constant 1 : i32
        %dma_start3A_451 = arith.constant 1 : i32
        %dma_start3A_452 = arith.constant 1 : i32
        %dma_start3A_453 = arith.constant 0 : i32
        %dma_start3A_454 = arith.constant 0 : i32
        %dma_start3A_455 = tpu.memref_slice %arg7[%dma_start3A_451, %dma_start3A_453, %dma_start3A_454] : memref<2x512x32xf32, #tpu.memory_space<vmem>> -> memref<1x512x32xf32, #tpu.memory_space<vmem>>
        %dma_start3A_456 = tpu.memref_squeeze %dma_start3A_455 : memref<1x512x32xf32, #tpu.memory_space<vmem>> -> memref<512x32xf32, #tpu.memory_space<vmem>>
        %dma_start3A_457 = arith.constant 0 : i32
        %dma_start3A_458 = tpu.memref_slice %arg6[%dma_start3A_450, %dma_start3A_457] : memref<2x512xi32, #tpu.memory_space<vmem>> -> memref<1x512xi32, #tpu.memory_space<vmem>>
        %dma_start3A_459 = tpu.memref_squeeze %dma_start3A_458 : memref<1x512xi32, #tpu.memory_space<vmem>> -> memref<512xi32, #tpu.memory_space<vmem>>
        %dma_start3A_460 = arith.constant 0 : i32
        %dma_start3A_461 = arith.constant 0 : i32
        %dma_start3A_462 = tpu.memref_slice %arg3[%dma_start3A_460, %dma_start3A_461] : memref<1000000x32xf32, #tpu.memory_space<hbm>> -> memref<1000000x32xf32, #tpu.memory_space<hbm>>
        %dma_start3A_463 = tpu.memref_slice %arg10[%dma_start3A_452] : memref<2x!tpu.dma_semaphore, #tpu.memory_space<semaphore_mem>> -> memref<1x!tpu.dma_semaphore, #tpu.memory_space<semaphore_mem>>
        %dma_start3A_464 = tpu.memref_squeeze %dma_start3A_463 : memref<1x!tpu.dma_semaphore, #tpu.memory_space<semaphore_mem>> -> memref<!tpu.dma_semaphore, #tpu.memory_space<semaphore_mem>>
        tpu.enqueue_indirect_dma source(%dma_start3A_462 : memref<1000000x32xf32, #tpu.memory_space<hbm>>) target(%dma_start3A_456 : memref<512x32xf32, #tpu.memory_space<vmem>>) offsets(%dma_start3A_459 : memref<512xi32, #tpu.memory_space<vmem>>) semaphore(%dma_start3A_464 : memref<!tpu.dma_semaphore, #tpu.memory_space<semaphore_mem>>)
      } else {
      }
    }
    %scan3A_122 = arith.constant 25 : i32
    %dma_wait3A = arith.constant 0 : i32
    %dma_wait3A_123 = arith.constant 0 : i32
    %dma_wait3A_124 = arith.constant 0 : i32
    %dma_wait3A_125 = arith.constant 0 : i32
    %dma_wait3A_126 = arith.constant 0 : i32
    %dma_wait3A_127 = arith.constant 0 : i32
    %dma_wait3A_128 = arith.constant 0 : i32
    %dma_wait3A_129 = tpu.memref_slice %arg8[%dma_wait3A, %dma_wait3A_125, %dma_wait3A_126, %dma_wait3A_127, %dma_wait3A_128] : memref<2x4x4x8x128xf32, #tpu.memory_space<vmem>> -> memref<1x4x4x8x128xf32, #tpu.memory_space<vmem>>
    %dma_wait3A_130 = tpu.memref_squeeze %dma_wait3A_129 : memref<1x4x4x8x128xf32, #tpu.memory_space<vmem>> -> memref<4x4x8x128xf32, #tpu.memory_space<vmem>>
    %dma_wait3A_131 = arith.constant 0 : i32
    %dma_wait3A_132 = arith.constant 0 : i32
    %dma_wait3A_133 = arith.constant 0 : i32
    %dma_wait3A_134 = arith.constant 0 : i32
    %dma_wait3A_135 = tpu.memref_slice %arg5[%dma_wait3A_123, %dma_wait3A_131, %dma_wait3A_132, %dma_wait3A_133, %dma_wait3A_134] : memref<200x4x32x8x128xf32, #tpu.memory_space<hbm>> -> memref<1x4x4x8x128xf32, #tpu.memory_space<hbm>>
    %dma_wait3A_136 = tpu.memref_squeeze %dma_wait3A_135 : memref<1x4x4x8x128xf32, #tpu.memory_space<hbm>> -> memref<4x4x8x128xf32, #tpu.memory_space<hbm>>
    %dma_wait3A_137 = tpu.memref_slice %arg11[%dma_wait3A_124] : memref<2x!tpu.dma_semaphore, #tpu.memory_space<semaphore_mem>> -> memref<1x!tpu.dma_semaphore, #tpu.memory_space<semaphore_mem>>
    %dma_wait3A_138 = tpu.memref_squeeze %dma_wait3A_137 : memref<1x!tpu.dma_semaphore, #tpu.memory_space<semaphore_mem>> -> memref<!tpu.dma_semaphore, #tpu.memory_space<semaphore_mem>>
    %dma_wait3A_139 = arith.constant 0 : i32
    %dma_wait3A_140 = arith.constant 0 : i32
    %dma_wait3A_141 = arith.constant 0 : i32
    %dma_wait3A_142 = arith.constant 0 : i32
    %dma_wait3A_143 = tpu.memref_slice %arg5[%dma_wait3A_123, %dma_wait3A_139, %dma_wait3A_140, %dma_wait3A_141, %dma_wait3A_142] : memref<200x4x32x8x128xf32, #tpu.memory_space<hbm>> -> memref<1x4x4x8x128xf32, #tpu.memory_space<hbm>>
    %dma_wait3A_144 = tpu.memref_squeeze %dma_wait3A_143 : memref<1x4x4x8x128xf32, #tpu.memory_space<hbm>> -> memref<4x4x8x128xf32, #tpu.memory_space<hbm>>
    %dma_wait3A_145 = arith.constant 0 : i32
    %dma_wait3A_146 = arith.constant 0 : i32
    %dma_wait3A_147 = arith.constant 0 : i32
    %dma_wait3A_148 = arith.constant 0 : i32
    %dma_wait3A_149 = tpu.memref_slice %arg8[%dma_wait3A, %dma_wait3A_145, %dma_wait3A_146, %dma_wait3A_147, %dma_wait3A_148] : memref<2x4x4x8x128xf32, #tpu.memory_space<vmem>> -> memref<1x4x4x8x128xf32, #tpu.memory_space<vmem>>
    %dma_wait3A_150 = tpu.memref_squeeze %dma_wait3A_149 : memref<1x4x4x8x128xf32, #tpu.memory_space<vmem>> -> memref<4x4x8x128xf32, #tpu.memory_space<vmem>>
    tpu.wait_dma2 semaphore(%dma_wait3A_138 : memref<!tpu.dma_semaphore, #tpu.memory_space<semaphore_mem>>) src(%dma_wait3A_150 : memref<4x4x8x128xf32, #tpu.memory_space<vmem>>) dst(%dma_wait3A_144 : memref<4x4x8x128xf32, #tpu.memory_space<hbm>>)
    %dma_wait3A_151 = arith.constant 1 : i32
    %dma_wait3A_152 = arith.constant 0 : i32
    %dma_wait3A_153 = arith.constant 1 : i32
    %dma_wait3A_154 = arith.constant 0 : i32
    %dma_wait3A_155 = arith.constant 0 : i32
    %dma_wait3A_156 = arith.constant 0 : i32
    %dma_wait3A_157 = arith.constant 0 : i32
    %dma_wait3A_158 = tpu.memref_slice %arg8[%dma_wait3A_151, %dma_wait3A_154, %dma_wait3A_155, %dma_wait3A_156, %dma_wait3A_157] : memref<2x4x4x8x128xf32, #tpu.memory_space<vmem>> -> memref<1x4x4x8x128xf32, #tpu.memory_space<vmem>>
    %dma_wait3A_159 = tpu.memref_squeeze %dma_wait3A_158 : memref<1x4x4x8x128xf32, #tpu.memory_space<vmem>> -> memref<4x4x8x128xf32, #tpu.memory_space<vmem>>
    %dma_wait3A_160 = arith.constant 0 : i32
    %dma_wait3A_161 = arith.constant 0 : i32
    %dma_wait3A_162 = arith.constant 0 : i32
    %dma_wait3A_163 = arith.constant 0 : i32
    %dma_wait3A_164 = tpu.memref_slice %arg5[%dma_wait3A_152, %dma_wait3A_160, %dma_wait3A_161, %dma_wait3A_162, %dma_wait3A_163] : memref<200x4x32x8x128xf32, #tpu.memory_space<hbm>> -> memref<1x4x4x8x128xf32, #tpu.memory_space<hbm>>
    %dma_wait3A_165 = tpu.memref_squeeze %dma_wait3A_164 : memref<1x4x4x8x128xf32, #tpu.memory_space<hbm>> -> memref<4x4x8x128xf32, #tpu.memory_space<hbm>>
    %dma_wait3A_166 = tpu.memref_slice %arg11[%dma_wait3A_153] : memref<2x!tpu.dma_semaphore, #tpu.memory_space<semaphore_mem>> -> memref<1x!tpu.dma_semaphore, #tpu.memory_space<semaphore_mem>>
    %dma_wait3A_167 = tpu.memref_squeeze %dma_wait3A_166 : memref<1x!tpu.dma_semaphore, #tpu.memory_space<semaphore_mem>> -> memref<!tpu.dma_semaphore, #tpu.memory_space<semaphore_mem>>
    %dma_wait3A_168 = arith.constant 0 : i32
    %dma_wait3A_169 = arith.constant 0 : i32
    %dma_wait3A_170 = arith.constant 0 : i32
    %dma_wait3A_171 = arith.constant 0 : i32
    %dma_wait3A_172 = tpu.memref_slice %arg5[%dma_wait3A_152, %dma_wait3A_168, %dma_wait3A_169, %dma_wait3A_170, %dma_wait3A_171] : memref<200x4x32x8x128xf32, #tpu.memory_space<hbm>> -> memref<1x4x4x8x128xf32, #tpu.memory_space<hbm>>
    %dma_wait3A_173 = tpu.memref_squeeze %dma_wait3A_172 : memref<1x4x4x8x128xf32, #tpu.memory_space<hbm>> -> memref<4x4x8x128xf32, #tpu.memory_space<hbm>>
    %dma_wait3A_174 = arith.constant 0 : i32
    %dma_wait3A_175 = arith.constant 0 : i32
    %dma_wait3A_176 = arith.constant 0 : i32
    %dma_wait3A_177 = arith.constant 0 : i32
    %dma_wait3A_178 = tpu.memref_slice %arg8[%dma_wait3A_151, %dma_wait3A_174, %dma_wait3A_175, %dma_wait3A_176, %dma_wait3A_177] : memref<2x4x4x8x128xf32, #tpu.memory_space<vmem>> -> memref<1x4x4x8x128xf32, #tpu.memory_space<vmem>>
    %dma_wait3A_179 = tpu.memref_squeeze %dma_wait3A_178 : memref<1x4x4x8x128xf32, #tpu.memory_space<vmem>> -> memref<4x4x8x128xf32, #tpu.memory_space<vmem>>
    tpu.wait_dma2 semaphore(%dma_wait3A_167 : memref<!tpu.dma_semaphore, #tpu.memory_space<semaphore_mem>>) src(%dma_wait3A_179 : memref<4x4x8x128xf32, #tpu.memory_space<vmem>>) dst(%dma_wait3A_173 : memref<4x4x8x128xf32, #tpu.memory_space<hbm>>)
    return
  }
}

</mosaic_0001>

<sc_bundles>
// kernel: kernel.4.cloned.1.call-start
scs
__scs_entry_jumppad:
0x0: {  	(pc) =	sbr.rel $0x88, $3  }
0x1: {  	(tag) =	ssettag $0x0;
	lr =	simm.s32 $0x1  }
0x2: {  	[smem:$0x3F9E] =	sst lr;
	_ =	strace $0xD0000000  }
0x3: {  	_ = 	snop  }
0x4: {  	_ = 	snop  }
0x5: {  	_ = 	snop  }
0x6: {  	_ = 	snop  }
0x7: {  	_ = 	snop  }
__scs_overlays_trampoline_lowered:
0x8: {  	[smem:$0x3FAD] =	sst s0  }
0x9: {  	[smem:$0x3FAE] =	sst s1  }
0xa: {  	[smem:$0x3FAF] =	sst s2  }
0xb: {  	[smem:$0x3FB0] =	sst s3  }
0xc: {  	[smem:$0x3FB1] =	sst s4  }
0xd: {  	[smem:$0x3FB2] =	sst s5  }
0xe: {  	[smem:$0x3FB3] =	sst s6  }
0xf: {  	[smem:$0x3FB4] =	sst s7  }
0x10: {  	[smem:$0x3FB5] =	sst s8  }
0x11: {  	[smem:$0x3FB6] =	sst s9;
	s0 =	simm.s32 @!p0 $0x0  }
0x12: {  	s1 =	sld [smem:$0x3F9C];
	s0 =	simm.s32 @p0 $0x1  }
0x13: {  	[smem:$0x3FB7] =	sst s0;
	s0 =	simm.s32 @!p1 $0x0  }
0x14: {  	s2 =	sld [smem:$0x3F9B];
	s0 =	simm.s32 @p1 $0x1  }
0x15: {  	[smem:$0x3FB8] =	sst s0;
	s0 =	simm.s32 @!p2 $0x0  }
0x16: {  	s3 =	sld [smem:$0x3FDB];
	s0 =	simm.s32 @p2 $0x1  }
0x17: {  	s4 =	simm.s32 $0x1BF5;
	[smem:$0x3FBA] =	sst s0  }
0x18: {  	s0 =	sld [smem:$0x3F9D];
	_ =	swait.ge [sflag:s4], $0x0  }
0x19: {  	s7 =	sld [smem:$0x3F9E]  }
0x1a: {  	s8 =	sadd.s32 $0xFFFFE003, lr  }
0x1b: {  	s9 =	sadd.s32 $0xFFFFFEF7, lr;
	s5 =	simm.s32 $0xFFFFFFFF;
	p2 =	slt.u32 s8, $0xFFFFF086  }
0x1c: {  	p1 =	slt.u32 s9, $0xF7A;
	s5 =	simm.s32 @!p2 $0x0  }
0x1d: {  	s5 =	simm.s32 @p1 $0x1;
	p0 =	seq.s32 s7, s2  }
0x1e: {  	s7 =	smul.u32 @!p0 $0xF7A, s2;
	p2 =	seq.s32 @!p0 s5, $0x0  }
0x1f: {  	s9 =	smul.u32 $0xF7A, s1;
	s8 =	simm.s32 @!p0 $0x1BF5;
	p2 =	por !p2, p0  }
0x20: {  	[sflag:s8] =	ssyncset.s32 @!p0 $0xFFFFF086;
	s6 =	sadd.s32 @!p0 s3, s7;
	s7 =	simm.s32 @!p0 $0x108  }
0x21: {  	s3 =	sadd.s32 s3, s9;
	s6 =	sadd.s32 @!p0 $0x88, s6;
	s7 =	simm.s32 @p2 $0x1082  }
0x22: {  	[simem:s7], [sflag:s8] =	dma.local @!p0 [hbm:s6], $0xF7A  }
0x23: {  	s9 =	sor.u32 $0xD0000000, s2;
	s6 =	simm.s32 $0x108;
	_ =	swait.ge @!p0 [sflag:s8], $0x0  }
0x24: {  	s3 =	sadd.s32 $0x88, s3;
	s6 =	simm.s32 @!p1 $0x1082;
	[sflag:s4] =	ssyncset.s32 $0xFFFFF086  }
0x25: {  	[simem:s6], [sflag:s4] =	dma.local [hbm:s3], $0xF7A  }
0x26: {  	[smem:$0x3F9E] =	sst s1;
	(tag) =	ssettag s2;
	_ =	strace s9  }
0x27: {  	s1 =	sld [smem:$0x3FAE]  }
0x28: {  	s2 =	sld [smem:$0x3FAF]  }
0x29: {  	s4 =	sld [smem:$0x3FB1]  }
0x2a: {  	p0 =	seq.s32 s5, $0x0;
	s5 =	sld [smem:$0x3FB2]  }
0x2b: {  	s6 =	sld [smem:$0x3FB3]  }
0x2c: {  	s7 =	sld [smem:$0x3FB4]  }
0x2d: {  	s3 =	simm.s32 $0x108;
	s8 =	sld [smem:$0x3FB5]  }
0x2e: {  	s3 =	simm.s32 @!p0 $0x1082;
	s9 =	sld [smem:$0x3FB6]  }
0x2f: {  	lr =	sadd.s32 s0, s3;
	s0 =	sld [smem:$0x3FAD]  }
0x30: {  	s3 =	sld [smem:$0x3FB0]  }
0x31: {  	[smem:$0x3FB9] =	sst s10  }
0x32: {  	s10 =	sld [smem:$0x3FB7];
	_ =	sdelay $0x3  }
0x33: {  	p0 =	seq.s32 s10, $0x1;
	s10 =	sld [smem:$0x3FB9];
	_ =	sdelay $0x3  }
0x34: {  	[smem:$0x3FB9] =	sst s10  }
0x35: {  	s10 =	sld [smem:$0x3FB8];
	_ =	sdelay $0x3  }
0x36: {  	p1 =	seq.s32 s10, $0x1;
	s10 =	sld [smem:$0x3FB9];
	_ =	sdelay $0x3  }
0x37: {  	[smem:$0x3FB9] =	sst s10  }
0x38: {  	s10 =	sld [smem:$0x3FBA]  }
0x39: {  	_ = 	snop;
	(pc) =	sbr.ind lr, $3  }
0x3a: {  	_ = 	snop  }
0x3b: {  	_ = 	snop  }
0x3c: {  	p2 =	seq.s32 s10, $0x1;
	s10 =	sld [smem:$0x3FB9]  }
0x3d: {  	_ =	shalt  }
0x3e: {  	_ =	shalt  }
0x3f: {  	_ =	shalt  }
0x40: {  	_ =	shalt  }
0x41: {  	_ =	shalt  }
0x42: {  	_ =	shalt  }
0x43: {  	_ =	shalt  }
0x44: {  	_ =	shalt  }
0x45: {  	_ =	shalt  }
0x46: {  	_ =	shalt  }
0x47: {  	_ =	shalt  }
0x48: {  	_ =	shalt  }
0x49: {  	_ =	shalt  }
0x4a: {  	_ =	shalt  }
0x4b: {  	_ =	shalt  }
0x4c: {  	_ =	shalt  }
0x4d: {  	_ =	shalt  }
0x4e: {  	_ =	shalt  }
0x4f: {  	_ =	shalt  }
0x50: {  	_ =	shalt  }
0x51: {  	_ =	shalt  }
0x52: {  	_ =	shalt  }
0x53: {  	_ =	shalt  }
0x54: {  	_ =	shalt  }
0x55: {  	_ =	shalt  }
0x56: {  	_ =	shalt  }
0x57: {  	_ =	shalt  }
0x58: {  	_ =	shalt  }
0x59: {  	_ =	shalt  }
0x5a: {  	_ =	shalt  }
0x5b: {  	_ =	shalt  }
0x5c: {  	_ =	shalt  }
0x5d: {  	_ =	shalt  }
0x5e: {  	_ =	shalt  }
0x5f: {  	_ =	shalt  }
0x60: {  	_ =	shalt  }
0x61: {  	_ =	shalt  }
0x62: {  	_ =	shalt  }
0x63: {  	_ =	shalt  }
0x64: {  	_ =	shalt  }
0x65: {  	_ =	shalt  }
0x66: {  	_ =	shalt  }
0x67: {  	_ =	shalt  }
0x68: {  	_ =	shalt  }
0x69: {  	_ =	shalt  }
0x6a: {  	_ =	shalt  }
0x6b: {  	_ =	shalt  }
0x6c: {  	_ =	shalt  }
0x6d: {  	_ =	shalt  }
0x6e: {  	_ =	shalt  }
0x6f: {  	_ =	shalt  }
0x70: {  	_ =	shalt  }
0x71: {  	_ =	shalt  }
0x72: {  	_ =	shalt  }
0x73: {  	_ =	shalt  }
0x74: {  	_ =	shalt  }
0x75: {  	_ =	shalt  }
0x76: {  	_ =	shalt  }
0x77: {  	_ =	shalt  }
0x78: {  	_ =	shalt  }
0x79: {  	_ =	shalt  }
0x7a: {  	_ =	shalt  }
0x7b: {  	_ =	shalt  }
0x7c: {  	_ =	shalt  }
0x7d: {  	_ =	shalt  }
0x7e: {  	_ =	shalt  }
0x7f: {  	_ =	shalt  }
0x80: {  	_ =	shalt  }
0x81: {  	_ =	shalt  }
0x82: {  	_ =	shalt  }
0x83: {  	_ =	shalt  }
0x84: {  	_ =	shalt  }
0x85: {  	_ =	shalt  }
0x86: {  	_ =	shalt  }
0x87: {  	_ =	shalt  }
.Lfunc_end0:
.L_simem_size_0:
called_computation_lowered:
.L_overlay_start_0:
0x88: {  	s2 =	sld [smem:$0x3FD9]  }
0x89: {  	s3 =	sld [smem:$0x3FFE];
	_ =	sdelay $0x1  }
0x8a: {  	s1 =	srdreg.scid  }
0x8b: {  	s0 =	sand.u32 $0x1, s1  }
0x8c: {  	s17 =	sshll.u32 s0, $0xA;
	s2 =	sadd.s32 s3, s2  }
0x8d: {  	s2 =	sadd.s32 s2, s17  }
0x8e: {  	[smem:$0x3FC5] =	sst s2  }
0x8f: {  	_ = 	snop  }
0x90: {  	s2 =	sld [smem:$0x3FC8]  }
0x91: {  	s18 =	sld [smem:$0x3FD0];
	(tm) =	ssettm $0x1  }
0x92: {  	s4 =	sld [smem:$0x3FFB];
	_ =	sdelay $0x3  }
0x93: {  	_ =	strace s4  }
0x94: {  	s4 =	sld [smem:$0x3FFC];
	_ =	sdelay $0x3  }
0x95: {  	_ =	strace s4  }
0x96: {  	s4 =	sld [smem:$0x3FFD];
	_ =	sdelay $0x3  }
0x97: {  	_ =	strace s4  }
0x98: {  	_ =	strace $0x8FFFFFFF  }
0x99: {  	s19 =	sld [smem:$0x3FDB];
	_ =	sdelay $0x1  }
0x9a: {  	s5 =	simm.s32 $_scs_section_size  }
0x9b: {  	s6 =	simm.s32 $_size__tile_overlayer_lowered;
	s7 =	simm.s32 $_tile_overlayer_lowered  }
0x9c: {  	s22 =	simm.s32 $0x1BFF;
	s21 =	sshll.u32 s7, $0x1;
	s4 =	sadd.s32 s5, s19  }
0x9d: {  	s8 =	simm.s32 $0x0;
	s20 =	sshll.u32 s6, $0x1;
	s6 =	sadd.s32 s21, s4  }
0x9e: {  	[timem:s8], [sflag:s22] =	dma.local [hbm:s6], s20  }
0x9f: {  	_ =	swait.ge [sflag:s22], s20  }
0xa0: {  	s5 =	ssub.s32 $0x0, s20;
	[sflag:s22] =	ssyncset.done $0x0  }
0xa1: {  	[sflag:s22] =	ssyncadd.s32 s5;
	_ =	sdelay $0x1  }
0xa2: {  	s23 =	simm.s32 $0x1B8B  }
0xa3: {  	_ =	swait.ge [sflag:s23], $0x1  }
0xa4: {  	[sflag:s23] =	ssyncset.done $0x0  }
0xa5: {  	s25 =	simm.s32 $0x1B8E;
	s24 =	sld [smem:$0x3FFE];
	[sflag:s23] =	ssyncadd.s32 $0xFFFFFFFF  }
0xa6: {  	s26 =	simm.s32 $execute0_lowered;
	[smem:$0x3FD2] =	sst s25  }
0xa7: {  	s6 =	sshll.u32 s26, $0x1;
	_ =	strace $0x80000046;
	[dreg:$0x1] =	wrdreg $0xFFFFFFFF  }
0xa8: {  	s28 =	simm.s32 $_size_execute0_lowered;
	s4 =	sadd.s32 s4, s6;
	[dreg:$0x0] =	wrdreg $0x0  }
0xa9: {  	s6 =	sshll.u32 s28, $0x1;
	[dreg:$0x2] =	wrdreg s4  }
0xaa: {  	[dreg:$0x3] =	wrdreg s6  }
0xab: {  	[dreg:$0x4] =	wrdreg $0xC0  }
0xac: {  	_ =	task [dreg:s8], $0x5FFFF  }
0xad: {  	[dreg:$0x1] =	wrdreg $0xFFFFFFFF  }
0xae: {  	[dreg:$0x0] =	wrdreg $0x60  }
0xaf: {  	[dreg:$0x2] =	wrdreg s2  }
0xb0: {  	[dreg:$0x3] =	wrdreg s18  }
0xb1: {  	[dreg:$0x4] =	wrdreg s24  }
0xb2: {  	[dreg:$0x5] =	wrdreg $0x9  }
0xb3: {  	_ =	task.clear_ibuf [dreg:s8], $0x6FFFF;
	_ =	strace $0x90000046  }
0xb4: {  	s29 =	simm.s32 $0x9;
	_ =	strace $0x80000048  }
0xb5: {  	_ =	swait.ge [sflag:s29], $0x1  }
0xb6: {  	[sflag:s29] =	ssyncadd.s32 $0xFFFFFFFF  }
0xb7: {  	_ =	strace $0x90000048  }
0xb8: {  	_ =	sfence  }
0xb9: {  	s30 =	sld [smem:$0x0];
	_ =	sdelay $0x2  }
0xba: {  	s31 =	sshll.u32 s1, $0xD;
	s1 =	sshrl.u32 s1, $0x2  }
0xbb: {  	s3 =	sand.u32 $0x4000, s31;
	s1 =	sadd.s32 s1, s30  }
0xbc: {  	s0 =	sor.u32 s3, s0;
	s1 =	sshll.u32 s1, $0x11  }
0xbd: {  	s0 =	sor.u32 s1, s0  }
0xbe: {  	s0 =	sadd.s32 $0x8F2B, s0  }
0xbf: {  	[sflag:s0] =	ssyncadd.remote.s32 $0x1  }
0xc0: {  	_ =	sfence.sel $0xFFFF  }
0xc1: {  	[dreg:$0x0] =	wrdreg $0xFFFFFFFF;
	(pc) =	sbr.abs _section_cstart, $3  }
0xc2: {  	[dreg:$0x1] =	wrdreg $0xFFFFFFFF  }
0xc3: {  	_ =	task.clear_ibuf [dreg:s8], $0x2FFFF;
	_ =	strace $0x9FFFFFFF  }
0xc4: {  	(tm) =	ssettm $0x7FFFFFFF  }
0xc5: {  	_ =	shalt  }
tec
execute0_lowered:
.L_overlay_start_1:
0x0: {  	(tag) =	ssettag $0x1  }
0x1: {  	v0 =	vimm.s32 $0x1380;
	vm0 =	vcmask $0x300;
	v1 =	vimm.s32 $0x3380  }
0x2: {  	vm1 =	vcmask $0x704;
	vm15 =	vcmask $0xB08;
	vm4 =	vcmask $0xF0C  }
0x3: {  	vm5 =	vcmask $0x1310;
	v0 =	vsel vm0, $0x0, v0;
	v1 =	vsel vm0, $0x2000, v1  }
0x4: {  	vm6 =	vcmask $0x1714;
	v0 =	vsel vm1, $0x80, v0;
	v1 =	vsel vm1, $0x2080, v1  }
0x5: {  	s0 =	rddreg [dreg:$0x0];
	vm7 =	vcmask $0x1B18;
	v0 =	vsel vm15, $0x100, v0;
	v1 =	vsel vm15, $0x2100, v1  }
0x6: {  	s1 =	srdreg.scid;
	s3 =	stileid.u32;
	vm8 =	vcmask $0x1F1C;
	v0 =	vsel vm4, $0x180, v0;
	v1 =	vsel vm4, $0x2180, v1  }
0x7: {  	s2 =	rddreg [dreg:$0x2];
	s4 =	simm.s32 $0x0;
	vm9 =	vcmask $0x2320;
	s20 =	simm.s32 $0x4000;
	v0 =	vsel vm5, $0x200, v0;
	v1 =	vsel vm5, $0x2200, v1  }
0x8: {  	vm10 =	vcmask $0x2724;
	s23 =	simm.s32 $0x7000;
	s24 =	simm.s32 $0x1;
	s25 =	simm.s32 $0x8000;
	v0 =	vsel vm6, $0x280, v0;
	v1 =	vsel vm6, $0x2280, v1  }
0x9: {  	vm11 =	vcmask $0x2B28;
	s28 =	simm.s32 $0xC000;
	s29 =	simm.s32 $0x3;
	s30 =	simm.s32 $0x4;
	v0 =	vsel vm7, $0x300, v0;
	v1 =	vsel vm7, $0x2300, v1  }
0xa: {  	vm12 =	vcmask $0x2F2C;
	s31 =	simm.s32 $0x0;
	s1 =	sand.u32 $0x1, s1;
	s3 =	sshll.u32 s3, $0x1;
	v0 =	vsel vm8, $0x380, v0;
	v1 =	vsel vm8, $0x2380, v1  }
0xb: {  	[smem:$0x7FF] =	sst s4;
	s8 =	sadd.s32 $0xC00, s2;
	s15 =	sadd.s32 $0x3D1400, s2;
	v0 =	vsel vm9, $0x1000, v0;
	v1 =	vsel vm9, $0x3000, v1  }
0xc: {  	vm13 =	vcmask $0x3330;
	s5 =	sor.u32 s1, s3;
	_ =	strace $0x80000047;
	s1 =	ssub.s32 $0x2, s1;
	v0 =	vsel vm10, $0x1080, v0;
	v1 =	vsel vm10, $0x3080, v1  }
.Ltmp0:
0xd: {  	vm14 =	vcmask $0x3734;
	s3 =	sshll.u32 s5, $0x9;
	s26 =	sshrl.u32 s1, $0x1;
	v0 =	vsel vm11, $0x1100, v0;
	v1 =	vsel vm11, $0x3100, v1;
	(pc) =	sbr.rel .LBB2_1-.Ltmp0, $4  }
0xe: {  	vm15 =	vcmask $0x3B38;
	p0 =	sne.s32 s5, $0x0;
	s6 =	sadd.s32 s0, s3;
	s1 =	ssub.s32 s1, s26;
	v0 =	vsel vm12, $0x1180, v0;
	v1 =	vsel vm12, $0x3180, v1  }
0xf: {  	s26 =	simm.s32 $0x2;
	s7 =	sadd.s32 $0x1E8500, s6;
	s9 =	sadd.s32 $0x2DC780, s6;
	v0 =	vsel vm13, $0x1200, v0;
	v1 =	vsel vm13, $0x3200, v1  }
0x10: {  	s10 =	sadd.s32 $0xF4280, s6;
	s11 =	sadd.s32 $0x1EC500, s6;
	s12 =	sadd.s32 $0x4000, s6;
	v0 =	vsel vm14, $0x1280, v0;
	v1 =	vsel vm14, $0x3280, v1  }
0x11: {  	s13 =	sadd.s32 $0x2E0780, s6;
	s14 =	sadd.s32 $0xF8280, s6;
	s16 =	smax.u32 s1, $0x1;
	v0 =	vsel vm15, $0x1300, v0;
	v1 =	vsel vm15, $0x3300, v1  }
.LBB2_11:
0x12: {  	_ =	swait.ge [sflag:s29], $0x4000  }
0x13: {  	[sflag:s29] =	ssyncset.done $0x0  }
0x14: {  	[sflag:s29] =	ssyncadd.s32 $0xFFFFC000  }
0x15: {  	_ =	swait.ge [sflag:s30], $0x4000  }
0x16: {  	[sflag:s30] =	ssyncset.done $0x0  }
0x17: {  	[sflag:s30] =	ssyncadd.s32 $0xFFFFC000  }
0x18: {  	s1 =	simm.s32 @!p0 $0x0;
	s2 =	simm.s32 @!p0 $0x10000;
	s3 =	rddreg [dreg:$0x1]  }
0x19: {  	[tilespmem:s2], [sflag:$0x5] =	stream.linear.gather @!p0 [hbm4b:s3+s1], $0x800, $0x38;
	[tilespmem:$0x10800] =	vst v63  }
0x1a: {  	s3 =	simm.s32 @!p0 $0x5  }
0x1b: {  	s31 =	sadd.s32 $0x1, s31;
	_ =	swait.ge @!p0 [sflag:s3], $0x800  }
0x1c: {  	p1 =	sne.s32 s31, s16;
	[sflag:s3] =	ssyncset.done @!p0 $0x0  }
.Ltmp1:
0x1d: {  	[sflag:s3] =	ssyncadd.s32 @!p0 $0xFFFFF800;
	(pc) =	sbr.rel @!p1 .LBB2_12-.Ltmp1, $4  }
0x1e: {  	[hbm4b:s15+s1] =	stream.linear.scatter @!p0 [tilespmem:s2], [sflag:$0x5], $0x800, $0x38;
	[tilespmem:$0x10800] =	vst v63  }
0x1f: {  	_ =	swait.ge @!p0 [sflag:s3], $0x800  }
0x20: {  	[sflag:s3] =	ssyncset.done @!p0 $0x0  }
0x21: {  	[sflag:s3] =	ssyncadd.s32 @!p0 $0xFFFFF800  }
.LBB2_1:
0x22: {  	[tilespmem:s4], [sflag:$0x1] =	stream.linear.gather [hbm4b:s6+s4], $0x1000, $0x38;
	[tilespmem:$0x10800] =	vst v63  }
0x23: {  	s1 =	simm.s32 $0x1000  }
0x24: {  	[tilespmem:s1], [sflag:$0x1] =	stream.linear.gather [hbm4b:s10+s4], $0x1000, $0x38;
	[tilespmem:$0x10800] =	vst v63  }
0x25: {  	s18 =	simm.s32 $0x2000  }
0x26: {  	[tilespmem:s18], [sflag:$0x1] =	stream.linear.gather [hbm4b:s7+s4], $0x1000, $0x38;
	[tilespmem:$0x10800] =	vst v63  }
0x27: {  	s19 =	simm.s32 $0x3000  }
0x28: {  	[tilespmem:s19], [sflag:$0x1] =	stream.linear.gather [hbm4b:s9+s4], $0x1000, $0x38;
	[tilespmem:$0x10800] =	vst v63  }
0x29: {  	_ = 	snop  }
0x2a: {  	[tilespmem:s20], [sflag:$0x2] =	stream.linear.gather [hbm4b:s12+s4], $0x1000, $0x38;
	[tilespmem:$0x10800] =	vst v63  }
0x2b: {  	s21 =	simm.s32 $0x5000  }
0x2c: {  	[tilespmem:s21], [sflag:$0x2] =	stream.linear.gather [hbm4b:s14+s4], $0x1000, $0x38;
	[tilespmem:$0x10800] =	vst v63  }
.Ltmp2:
0x2d: {  	_ = 	snop;
	(pc) =	sbr.rel .LBB2_2-.Ltmp2, $4  }
0x2e: {  	s22 =	simm.s32 $0x6000  }
0x2f: {  	[tilespmem:s22], [sflag:$0x2] =	stream.linear.gather [hbm4b:s11+s4], $0x1000, $0x38;
	[tilespmem:$0x10800] =	vst v63  }
0x30: {  	s3 =	simm.s32 $0x0  }
0x31: {  	[tilespmem:s23], [sflag:$0x2] =	stream.linear.gather [hbm4b:s13+s4], $0x1000, $0x38;
	[tilespmem:$0x10800] =	vst v63  }
.LBB2_10:
0x32: {  	s3 =	sadd.s32 $0x1, s3  }
0x33: {  	p1 =	sne.s32 s3, $0x20  }
.Ltmp3:
0x34: {  	_ = 	snop;
	(pc) =	sbr.rel @!p1 .LBB2_11-.Ltmp3, $1  }
0x35: {  	_ =	sdelay $0x3  }
.LBB2_2:
0x36: {  	s1 =	sshll.u32 s3, $0x6  }
0x37: {  	s2 =	sor.u32 s5, s1  }
0x38: {  	p1 =	sgt.u32 s2, $0x7A0  }
.Ltmp4:
0x39: {  	_ = 	snop;
	(pc) =	sbr.rel @p1 .LBB2_6-.Ltmp4, $1  }
0x3a: {  	_ =	sdelay $0x3  }
0x3b: {  	_ =	swait.ge [sflag:s24], $0x1000  }
0x3c: {  	[sflag:s24] =	ssyncset.done $0x0  }
0x3d: {  	[sflag:s24] =	ssyncadd.s32 $0xFFFFF000  }
0x3e: {  	_ =	swait.ge [sflag:s24], $0x1000  }
0x3f: {  	[sflag:s24] =	ssyncset.done $0x0  }
0x40: {  	s1 =	simm.s32 $0x0;
	[sflag:s24] =	ssyncadd.s32 $0xFFFFF000  }
0x41: {  	v2 =	vmov s1;
	_ =	swait.ge [sflag:s24], $0x1000  }
0x42: {  	v3 =	vshll.u32 v2, $0x3;
	[sflag:s24] =	ssyncset.done $0x0  }
0x43: {  	v2 =	vand.u32 $0x7C, v2;
	v3 =	vand.u32 $0xC00, v3;
	[sflag:s24] =	ssyncadd.s32 $0xFFFFF000  }
0x44: {  	v2 =	vor.u32 v2, v3;
	_ =	swait.ge [sflag:s24], $0x1000  }
0x45: {  	p1 =	seq.s32 s3, $0x0;
	v3 =	vor.u32 v0, v2;
	[sflag:s24] =	ssyncset.done $0x0  }
0x46: {  	s1 =	simm.s32 @!p1 $0x3;
	[sflag:s24] =	ssyncadd.s32 $0xFFFFF000  }
0x47: {  	_ =	swait.ge @!p1 [sflag:s1], $0x4000  }
0x48: {  	[sflag:s1] =	ssyncset.done @!p1 $0x0  }
0x49: {  	[sflag:s1] =	ssyncadd.s32 @!p1 $0xFFFFC000  }
0x4a: {  	v3 =	vld.idx.msk [tilespmem:v3+s4+$0x0], $0xffff  }
0x4b: {  	v2 =	vor.u32 v1, v2  }
0x4c: {  	s21 =	simm.s32 $0x1  }
0x4d: {  	v4 =	vmov s21  }
0x4e: {  	v5 =	vshll.u32 v4, $0x3;
	s1 =	simm.s32 $0x8040  }
0x4f: {  	[tilespmem:s1+$0xFFFFFFC0] =	vst v3;
	v3 =	vand.u32 $0x7D, v4;
	v4 =	vand.u32 $0xC00, v5  }
0x50: {  	v2 =	vld.idx.msk [tilespmem:v2+s4+$0x0], $0xffff;
	v3 =	vor.u32 v3, v4  }
0x51: {  	v4 =	vor.u32 v0, v3;
	_ =	sdelay $0x3  }
0x52: {  	[tilespmem:s1+$0xFFFFFFD0] =	vst v2  }
0x53: {  	v2 =	vld.idx.msk [tilespmem:v4+s4+$0x0], $0xffff  }
0x54: {  	v3 =	vor.u32 v1, v3  }
0x55: {  	s17 =	simm.s32 $0x2  }
0x56: {  	v4 =	vmov s17  }
0x57: {  	v5 =	vshll.u32 v4, $0x3  }
0x58: {  	[tilespmem:s1+$0xFFFFFFE0] =	vst v2;
	v2 =	vand.u32 $0x7E, v4;
	v4 =	vand.u32 $0xC00, v5  }
0x59: {  	v3 =	vld.idx.msk [tilespmem:v3+s4+$0x0], $0xffff;
	v2 =	vor.u32 v2, v4  }
0x5a: {  	v4 =	vor.u32 v0, v2;
	_ =	sdelay $0x3  }
0x5b: {  	[tilespmem:s1+$0xFFFFFFF0] =	vst v3  }
0x5c: {  	v3 =	vld.idx.msk [tilespmem:v4+s4+$0x0], $0xffff  }
0x5d: {  	v2 =	vor.u32 v1, v2  }
0x5e: {  	s22 =	simm.s32 $0x3  }
0x5f: {  	v4 =	vmov s22  }
0x60: {  	v5 =	vshll.u32 v4, $0x3  }
0x61: {  	[tilespmem:s1+$0x0] =	vst v3;
	v3 =	vand.u32 $0x7F, v4;
	v4 =	vand.u32 $0xC00, v5  }
0x62: {  	v2 =	vld.idx.msk [tilespmem:v2+s4+$0x0], $0xffff;
	v4 =	vor.u32 v3, v4  }
0x63: {  	v3 =	vor.u32 v0, v4;
	_ =	sdelay $0x3  }
0x64: {  	[tilespmem:s1+$0x10] =	vst v2  }
0x65: {  	v3 =	vld.idx.msk [tilespmem:v3+s4+$0x0], $0xffff  }
0x66: {  	v2 =	vor.u32 v1, v4;
	_ =	sdelay $0x1  }
0x67: {  	s17 =	simm.s32 $0x4  }
0x68: {  	s18 =	simm.s32 $0x8;
	v4 =	vmov s17  }
.LBB2_4:
0x69: {  	p1 =	sne.s32 s18, $0x1FC;
	v5 =	vshll.u32 v4, $0x3;
	[tilespmem:s1+$0x20] =	vst v3  }
0x6a: {  	v3 =	vand.u32 $0x7C, v4;
	v4 =	vand.u32 $0xC00, v5;
	v2 =	vld.idx.msk [tilespmem:v2+s4+$0x0], $0xffff  }
0x6b: {  	v3 =	vor.u32 v3, v4  }
0x6c: {  	v4 =	vor.u32 v0, v3;
	_ =	sdelay $0x3  }
0x6d: {  	[tilespmem:s1+$0x30] =	vst v2  }
0x6e: {  	v2 =	vld.idx.msk [tilespmem:v4+s4+$0x0], $0xffff;
	_ =	sdelay $0x1  }
0x6f: {  	v3 =	vor.u32 v1, v3;
	_ =	sdelay $0x1  }
0x70: {  	s19 =	sadd.s32 $0x1, s17  }
0x71: {  	s1 =	sadd.s32 $0x80, s1;
	v4 =	vmov s19  }
0x72: {  	[tilespmem:s1+$0xFFFFFFC0] =	vst v2;
	v2 =	vshll.u32 v4, $0x3  }
0x73: {  	v4 =	vand.u32 $0x7D, v4;
	v3 =	vld.idx.msk [tilespmem:v3+s4+$0x0], $0xffff;
	v2 =	vand.u32 $0xC00, v2  }
0x74: {  	v2 =	vor.u32 v4, v2  }
0x75: {  	v4 =	vor.u32 v0, v2;
	_ =	sdelay $0x3  }
0x76: {  	[tilespmem:s1+$0xFFFFFFD0] =	vst v3  }
0x77: {  	v3 =	vld.idx.msk [tilespmem:v4+s4+$0x0], $0xffff;
	_ =	sdelay $0x1  }
0x78: {  	v2 =	vor.u32 v1, v2;
	_ =	sdelay $0x1  }
0x79: {  	s19 =	sadd.s32 $0x2, s17  }
0x7a: {  	v4 =	vmov s19  }
0x7b: {  	[tilespmem:s1+$0xFFFFFFE0] =	vst v3;
	v3 =	vshll.u32 v4, $0x3  }
0x7c: {  	v4 =	vand.u32 $0x7E, v4;
	v2 =	vld.idx.msk [tilespmem:v2+s4+$0x0], $0xffff;
	v3 =	vand.u32 $0xC00, v3  }
0x7d: {  	v3 =	vor.u32 v4, v3  }
0x7e: {  	v4 =	vor.u32 v0, v3;
	_ =	sdelay $0x3  }
0x7f: {  	[tilespmem:s1+$0xFFFFFFF0] =	vst v2  }
0x80: {  	v2 =	vld.idx.msk [tilespmem:v4+s4+$0x0], $0xffff;
	_ =	sdelay $0x1  }
0x81: {  	v3 =	vor.u32 v1, v3;
	_ =	sdelay $0x1  }
0x82: {  	s19 =	sadd.s32 $0x3, s17;
	s17 =	smov.u32 s18  }
0x83: {  	v4 =	vmov s19  }
0x84: {  	[tilespmem:s1+$0x0] =	vst v2;
	v2 =	vshll.u32 v4, $0x3  }
0x85: {  	v4 =	vand.u32 $0x7F, v4;
	v3 =	vld.idx.msk [tilespmem:v3+s4+$0x0], $0xffff;
	v2 =	vand.u32 $0xC00, v2  }
0x86: {  	v2 =	vor.u32 v4, v2  }
0x87: {  	v4 =	vor.u32 v0, v2;
	_ =	sdelay $0x3  }
0x88: {  	[tilespmem:s1+$0x10] =	vst v3  }
0x89: {  	v3 =	vld.idx.msk [tilespmem:v4+s4+$0x0], $0xffff  }
.Ltmp5:
0x8a: {  	(pc) =	sbr.rel @p1 .LBB2_4-.Ltmp5, $2  }
0x8b: {  	v2 =	vor.u32 v1, v2;
	_ =	sdelay $0x2  }
0x8c: {  	s18 =	sadd.s32 $0x4, s18;
	v4 =	vmov s17  }
0x8d: {  	_ =	sdelay $0x1  }
0x8e: {  	v5 =	vshll.u32 v4, $0x3  }
0x8f: {  	[tilespmem:s1+$0x20] =	vst v3;
	v3 =	vand.u32 $0x7C, v4;
	v54 =	vand.u32 $0xC00, v5  }
0x90: {  	v2 =	vld.idx.msk [tilespmem:v2+s4+$0x0], $0xffff;
	v3 =	vor.u32 v3, v54  }
0x91: {  	v4 =	vor.u32 v0, v3;
	_ =	sdelay $0x3  }
0x92: {  	[tilespmem:s1+$0x30] =	vst v2  }
0x93: {  	v2 =	vld.idx.msk [tilespmem:v4+s4+$0x0], $0xffff  }
0x94: {  	v3 =	vor.u32 v1, v3  }
0x95: {  	s18 =	sadd.s32 $0x1, s17  }
0x96: {  	v55 =	vmov s18  }
0x97: {  	v56 =	vshll.u32 v55, $0x3;
	s1 =	sadd.s32 $0x80, s1  }
0x98: {  	v57 =	vand.u32 $0xC00, v56;
	[tilespmem:s1+$0xFFFFFFC0] =	vst v2;
	v2 =	vand.u32 $0x7D, v55  }
0x99: {  	v3 =	vld.idx.msk [tilespmem:v3+s4+$0x0], $0xffff;
	v2 =	vor.u32 v2, v57  }
0x9a: {  	v4 =	vor.u32 v0, v2;
	_ =	sdelay $0x3  }
0x9b: {  	[tilespmem:s1+$0xFFFFFFD0] =	vst v3  }
0x9c: {  	v3 =	vld.idx.msk [tilespmem:v4+s4+$0x0], $0xffff  }
0x9d: {  	v2 =	vor.u32 v1, v2  }
0x9e: {  	s22 =	sadd.s32 $0x2, s17  }
0x9f: {  	v58 =	vmov s22  }
0xa0: {  	v59 =	vshll.u32 v58, $0x3  }
0xa1: {  	v60 =	vand.u32 $0xC00, v59;
	[tilespmem:s1+$0xFFFFFFE0] =	vst v3;
	v3 =	vand.u32 $0x7E, v58  }
0xa2: {  	v2 =	vld.idx.msk [tilespmem:v2+s4+$0x0], $0xffff;
	v3 =	vor.u32 v3, v60  }
0xa3: {  	v4 =	vor.u32 v0, v3;
	_ =	sdelay $0x3  }
0xa4: {  	[tilespmem:s1+$0xFFFFFFF0] =	vst v2  }
0xa5: {  	v2 =	vld.idx.msk [tilespmem:v4+s4+$0x0], $0xffff  }
0xa6: {  	v3 =	vor.u32 v1, v3  }
0xa7: {  	s19 =	sadd.s32 $0x3, s17  }
0xa8: {  	v61 =	vmov s19  }
0xa9: {  	v62 =	vshll.u32 v61, $0x3  }
0xaa: {  	v63 =	vand.u32 $0xC00, v62;
	[tilespmem:s1+$0x0] =	vst v2;
	v2 =	vand.u32 $0x7F, v61  }
0xab: {  	v3 =	vld.idx.msk [tilespmem:v3+s4+$0x0], $0xffff;
	v2 =	vor.u32 v2, v63  }
0xac: {  	v4 =	vor.u32 v0, v2;
	_ =	sdelay $0x3  }
0xad: {  	[tilespmem:s1+$0x10] =	vst v3  }
0xae: {  	v3 =	vld.idx.msk [tilespmem:v4+s4+$0x0], $0xffff  }
0xaf: {  	v2 =	vor.u32 v1, v2;
	_ =	sdelay $0x3  }
0xb0: {  	[tilespmem:s1+$0x20] =	vst v3  }
0xb1: {  	v2 =	vld.idx.msk [tilespmem:v2+s4+$0x0], $0xffff;
	_ =	sdelay $0x3  }
0xb2: {  	s21 =	sshll.u32 s2, $0xB;
	p1 =	sgt.u32 s2, $0x760  }
0xb3: {  	s22 =	sadd.s32 s8, s21;
	[tilespmem:s1+$0x30] =	vst v2;
	s1 =	sshll.u32 @!p1 s2, $0x9  }
0xb4: {  	[hbm4b:s22+s4] =	stream.linear.scatter [tilespmem:s25], [sflag:$0x3], $0x4000, $0x38;
	[tilespmem:$0x10800] =	vst v63  }
0xb5: {  	s1 =	sand.u32 @!p1 $0x1FFFFE00, s1  }
0xb6: {  	s1 =	sadd.s32 @!p1 s0, s1  }
0xb7: {  	s18 =	simm.s32 @!p1 $0x0;
	s17 =	sadd.s32 @!p1 $0x8000, s1  }
0xb8: {  	[tilespmem:s18], [sflag:$0x1] =	stream.linear.gather @!p1 [hbm4b:s17+s18], $0x1000, $0x38;
	[tilespmem:$0x10800] =	vst v63  }
0xb9: {  	s19 =	simm.s32 @!p1 $0x1000;
	s17 =	sadd.s32 @!p1 $0xFC280, s1  }
0xba: {  	[tilespmem:s19], [sflag:$0x1] =	stream.linear.gather @!p1 [hbm4b:s17+s18], $0x1000, $0x38;
	[tilespmem:$0x10800] =	vst v63  }
0xbb: {  	s17 =	sadd.s32 @!p1 $0x1F0500, s1;
	s19 =	simm.s32 @!p1 $0x2000  }
0xbc: {  	[tilespmem:s19], [sflag:$0x1] =	stream.linear.gather @!p1 [hbm4b:s17+s18], $0x1000, $0x38;
	[tilespmem:$0x10800] =	vst v63  }
0xbd: {  	s1 =	sadd.s32 @!p1 $0x2E4780, s1;
	s17 =	simm.s32 @!p1 $0x3000  }
0xbe: {  	[tilespmem:s17], [sflag:$0x1] =	stream.linear.gather @!p1 [hbm4b:s1+s18], $0x1000, $0x38;
	[tilespmem:$0x10800] =	vst v63  }
.LBB2_6:
0xbf: {  	s1 =	sor.u32 $0x20, s2  }
0xc0: {  	p1 =	sgt.u32 s1, $0x7A0  }
.Ltmp6:
0xc1: {  	_ = 	snop;
	(pc) =	sbr.rel @p1 .LBB2_10-.Ltmp6, $1  }
0xc2: {  	_ =	sdelay $0x3  }
0xc3: {  	_ =	swait.ge [sflag:s26], $0x1000  }
0xc4: {  	[sflag:s26] =	ssyncset.done $0x0  }
0xc5: {  	[sflag:s26] =	ssyncadd.s32 $0xFFFFF000  }
0xc6: {  	_ =	swait.ge [sflag:s26], $0x1000  }
0xc7: {  	[sflag:s26] =	ssyncset.done $0x0  }
0xc8: {  	s17 =	simm.s32 $0x0;
	[sflag:s26] =	ssyncadd.s32 $0xFFFFF000  }
0xc9: {  	v2 =	vmov s17;
	_ =	swait.ge [sflag:s26], $0x1000  }
0xca: {  	v3 =	vshll.u32 v2, $0x3;
	[sflag:s26] =	ssyncset.done $0x0  }
0xcb: {  	v2 =	vand.u32 $0x7C, v2;
	v3 =	vand.u32 $0xC00, v3;
	[sflag:s26] =	ssyncadd.s32 $0xFFFFF000  }
0xcc: {  	v2 =	vor.u32 v2, v3;
	_ =	swait.ge [sflag:s26], $0x1000  }
0xcd: {  	p1 =	seq.s32 s3, $0x0;
	v3 =	vor.u32 v0, v2;
	[sflag:s26] =	ssyncset.done $0x0  }
0xce: {  	s17 =	simm.s32 @!p1 $0x4;
	[sflag:s26] =	ssyncadd.s32 $0xFFFFF000  }
0xcf: {  	_ =	swait.ge @!p1 [sflag:s17], $0x4000  }
0xd0: {  	[sflag:s17] =	ssyncset.done @!p1 $0x0  }
0xd1: {  	[sflag:s17] =	ssyncadd.s32 @!p1 $0xFFFFC000  }
0xd2: {  	v3 =	vld.idx.msk [tilespmem:v3+s20+$0x0], $0xffff  }
0xd3: {  	v2 =	vor.u32 v1, v2  }
0xd4: {  	s19 =	simm.s32 $0x1  }
0xd5: {  	v4 =	vmov s19  }
0xd6: {  	s18 =	simm.s32 $0x0;
	v5 =	vshll.u32 v4, $0x3  }
0xd7: {  	[tilespmem:s18+$0xC000] =	vst v3;
	v3 =	vand.u32 $0x7D, v4;
	v4 =	vand.u32 $0xC00, v5  }
0xd8: {  	v2 =	vld.idx.msk [tilespmem:v2+s20+$0x0], $0xffff;
	v3 =	vor.u32 v3, v4  }
0xd9: {  	v4 =	vor.u32 v0, v3;
	_ =	sdelay $0x3  }
0xda: {  	[tilespmem:s18+$0xC010] =	vst v2  }
0xdb: {  	v2 =	vld.idx.msk [tilespmem:v4+s20+$0x0], $0xffff  }
0xdc: {  	v3 =	vor.u32 v1, v3  }
0xdd: {  	s21 =	simm.s32 $0x2  }
0xde: {  	v4 =	vmov s21  }
0xdf: {  	v5 =	vshll.u32 v4, $0x3  }
0xe0: {  	[tilespmem:s18+$0xC020] =	vst v2;
	v2 =	vand.u32 $0x7E, v4;
	v4 =	vand.u32 $0xC00, v5  }
0xe1: {  	v3 =	vld.idx.msk [tilespmem:v3+s20+$0x0], $0xffff;
	v2 =	vor.u32 v2, v4  }
0xe2: {  	v4 =	vor.u32 v0, v2;
	_ =	sdelay $0x3  }
0xe3: {  	[tilespmem:s18+$0xC030] =	vst v3  }
0xe4: {  	v3 =	vld.idx.msk [tilespmem:v4+s20+$0x0], $0xffff  }
0xe5: {  	v2 =	vor.u32 v1, v2  }
0xe6: {  	s22 =	simm.s32 $0x3  }
0xe7: {  	v4 =	vmov s22  }
0xe8: {  	v5 =	vshll.u32 v4, $0x3  }
0xe9: {  	[tilespmem:s18+$0xC040] =	vst v3;
	v3 =	vand.u32 $0x7F, v4;
	v4 =	vand.u32 $0xC00, v5  }
0xea: {  	v2 =	vld.idx.msk [tilespmem:v2+s20+$0x0], $0xffff;
	v4 =	vor.u32 v3, v4  }
0xeb: {  	v3 =	vor.u32 v0, v4;
	_ =	sdelay $0x3  }
0xec: {  	[tilespmem:s18+$0xC050] =	vst v2  }
0xed: {  	v3 =	vld.idx.msk [tilespmem:v3+s20+$0x0], $0xffff  }
0xee: {  	v2 =	vor.u32 v1, v4  }
0xef: {  	s19 =	simm.s32 $0x200  }
0xf0: {  	s17 =	simm.s32 $0x7;
	s21 =	simm.s32 $0x400;
	s22 =	simm.s32 $0x4  }
.LBB2_8:
0xf1: {  	p1 =	sne.s32 s21, $0xFE00;
	v4 =	vmov s22  }
0xf2: {  	v5 =	vshll.u32 v4, $0x3;
	[tilespmem:s18+$0xC060] =	vst v3  }
0xf3: {  	v3 =	vand.u32 $0x7C, v4;
	v4 =	vand.u32 $0xC00, v5;
	v2 =	vld.idx.msk [tilespmem:v2+s20+$0x0], $0xffff  }
0xf4: {  	v3 =	vor.u32 v3, v4  }
0xf5: {  	v4 =	vor.u32 v0, v3;
	_ =	sdelay $0x3  }
0xf6: {  	[tilespmem:s18+$0xC070] =	vst v2  }
0xf7: {  	v2 =	vld.idx.msk [tilespmem:v4+s20+$0x0], $0xffff;
	_ =	sdelay $0x1  }
0xf8: {  	v3 =	vor.u32 v1, v3;
	_ =	sdelay $0x1  }
0xf9: {  	s22 =	sadd.s32 $0xFFFFFFFE, s17  }
0xfa: {  	s18 =	sshra.s32 s19, $0x2;
	s19 =	smov.u32 s21;
	v4 =	vmov s22  }
0xfb: {  	[tilespmem:s18+$0xC000] =	vst v2;
	v2 =	vshll.u32 v4, $0x3  }
0xfc: {  	v4 =	vand.u32 $0x7D, v4;
	v3 =	vld.idx.msk [tilespmem:v3+s20+$0x0], $0xffff;
	v2 =	vand.u32 $0xC00, v2  }
0xfd: {  	v2 =	vor.u32 v4, v2  }
0xfe: {  	v4 =	vor.u32 v0, v2;
	_ =	sdelay $0x3  }
0xff: {  	[tilespmem:s18+$0xC010] =	vst v3  }
0x100: {  	v3 =	vld.idx.msk [tilespmem:v4+s20+$0x0], $0xffff;
	_ =	sdelay $0x1  }
0x101: {  	v2 =	vor.u32 v1, v2;
	_ =	sdelay $0x1  }
0x102: {  	s22 =	sadd.s32 $0xFFFFFFFF, s17  }
0x103: {  	v4 =	vmov s22  }
0x104: {  	[tilespmem:s18+$0xC020] =	vst v3;
	v3 =	vshll.u32 v4, $0x3  }
0x105: {  	v4 =	vand.u32 $0x7E, v4;
	v2 =	vld.idx.msk [tilespmem:v2+s20+$0x0], $0xffff;
	v3 =	vand.u32 $0xC00, v3  }
0x106: {  	v3 =	vor.u32 v4, v3  }
0x107: {  	v4 =	vor.u32 v0, v3;
	_ =	sdelay $0x3  }
0x108: {  	[tilespmem:s18+$0xC030] =	vst v2  }
0x109: {  	v2 =	vld.idx.msk [tilespmem:v4+s20+$0x0], $0xffff;
	_ =	sdelay $0x1  }
0x10a: {  	v3 =	vor.u32 v1, v3;
	_ =	sdelay $0x2  }
0x10b: {  	v4 =	vmov s17  }
0x10c: {  	[tilespmem:s18+$0xC040] =	vst v2;
	v2 =	vshll.u32 v4, $0x3  }
0x10d: {  	v4 =	vand.u32 $0x7F, v4;
	v3 =	vld.idx.msk [tilespmem:v3+s20+$0x0], $0xffff;
	v2 =	vand.u32 $0xC00, v2  }
0x10e: {  	v2 =	vor.u32 v4, v2  }
0x10f: {  	v4 =	vor.u32 v0, v2;
	_ =	sdelay $0x3  }
0x110: {  	[tilespmem:s18+$0xC050] =	vst v3  }
.Ltmp7:
0x111: {  	v3 =	vld.idx.msk [tilespmem:v4+s20+$0x0], $0xffff;
	(pc) =	sbr.rel @p1 .LBB2_8-.Ltmp7, $4  }
0x112: {  	_ = 	snop  }
0x113: {  	v2 =	vor.u32 v1, v2  }
0x114: {  	s17 =	sadd.s32 $0x4, s17  }
0x115: {  	s21 =	sadd.s32 $0x200, s21;
	s22 =	sadd.s32 $0xFFFFFFFD, s17  }
0x116: {  	_ = 	snop  }
0x117: {  	v4 =	vmov s22  }
0x118: {  	v5 =	vshll.u32 v4, $0x3  }
0x119: {  	[tilespmem:s18+$0xC060] =	vst v3;
	v3 =	vand.u32 $0x7C, v4;
	v54 =	vand.u32 $0xC00, v5  }
0x11a: {  	v2 =	vld.idx.msk [tilespmem:v2+s20+$0x0], $0xffff;
	v3 =	vor.u32 v3, v54  }
0x11b: {  	v4 =	vor.u32 v0, v3;
	_ =	sdelay $0x3  }
0x11c: {  	[tilespmem:s18+$0xC070] =	vst v2  }
0x11d: {  	v2 =	vld.idx.msk [tilespmem:v4+s20+$0x0], $0xffff  }
0x11e: {  	v3 =	vor.u32 v1, v3  }
0x11f: {  	s22 =	sadd.s32 $0xFFFFFFFE, s17  }
0x120: {  	v55 =	vmov s22  }
0x121: {  	s21 =	sshra.s32 s19, $0x2;
	v56 =	vshll.u32 v55, $0x3  }
0x122: {  	v57 =	vand.u32 $0xC00, v56;
	[tilespmem:s21+$0xC000] =	vst v2;
	v2 =	vand.u32 $0x7D, v55  }
0x123: {  	v3 =	vld.idx.msk [tilespmem:v3+s20+$0x0], $0xffff;
	v2 =	vor.u32 v2, v57  }
0x124: {  	v4 =	vor.u32 v0, v2;
	_ =	sdelay $0x3  }
0x125: {  	[tilespmem:s21+$0xC010] =	vst v3  }
0x126: {  	v3 =	vld.idx.msk [tilespmem:v4+s20+$0x0], $0xffff  }
0x127: {  	v2 =	vor.u32 v1, v2  }
0x128: {  	s22 =	sadd.s32 $0xFFFFFFFF, s17  }
0x129: {  	v58 =	vmov s22  }
0x12a: {  	v59 =	vshll.u32 v58, $0x3  }
0x12b: {  	v60 =	vand.u32 $0xC00, v59;
	[tilespmem:s21+$0xC020] =	vst v3;
	v3 =	vand.u32 $0x7E, v58  }
0x12c: {  	v2 =	vld.idx.msk [tilespmem:v2+s20+$0x0], $0xffff;
	v3 =	vor.u32 v3, v60  }
0x12d: {  	v4 =	vor.u32 v0, v3;
	_ =	sdelay $0x3  }
0x12e: {  	[tilespmem:s21+$0xC030] =	vst v2  }
0x12f: {  	v2 =	vld.idx.msk [tilespmem:v4+s20+$0x0], $0xffff  }
0x130: {  	v3 =	vor.u32 v1, v3;
	_ =	sdelay $0x1  }
0x131: {  	v61 =	vmov s17  }
0x132: {  	v62 =	vshll.u32 v61, $0x3  }
0x133: {  	v63 =	vand.u32 $0xC00, v62;
	[tilespmem:s21+$0xC040] =	vst v2;
	v2 =	vand.u32 $0x7F, v61  }
0x134: {  	v3 =	vld.idx.msk [tilespmem:v3+s20+$0x0], $0xffff;
	v2 =	vor.u32 v2, v63  }
0x135: {  	v4 =	vor.u32 v0, v2;
	_ =	sdelay $0x3  }
0x136: {  	[tilespmem:s21+$0xC050] =	vst v3  }
0x137: {  	v3 =	vld.idx.msk [tilespmem:v4+s20+$0x0], $0xffff  }
0x138: {  	v2 =	vor.u32 v1, v2;
	_ =	sdelay $0x3  }
0x139: {  	[tilespmem:s21+$0xC060] =	vst v3  }
0x13a: {  	v2 =	vld.idx.msk [tilespmem:v2+s20+$0x0], $0xffff;
	_ =	sdelay $0x3  }
0x13b: {  	s1 =	sshll.u32 s1, $0xB  }
0x13c: {  	p1 =	sgt.u32 s2, $0x740;
	s1 =	sadd.s32 s8, s1;
	[tilespmem:s21+$0xC070] =	vst v2  }
0x13d: {  	[hbm4b:s1+s4] =	stream.linear.scatter [tilespmem:s28], [sflag:$0x4], $0x4000, $0x38;
	[tilespmem:$0x10800] =	vst v63  }
0x13e: {  	s1 =	sshll.u32 @!p1 s2, $0x9  }
0x13f: {  	s1 =	sand.u32 @!p1 $0x1FFFFE00, s1  }
0x140: {  	s1 =	sadd.s32 @!p1 s0, s1  }
0x141: {  	s17 =	simm.s32 @!p1 $0x0;
	s18 =	simm.s32 @!p1 $0x4000;
	s2 =	sadd.s32 @!p1 $0xC000, s1  }
0x142: {  	[tilespmem:s18], [sflag:$0x2] =	stream.linear.gather @!p1 [hbm4b:s2+s17], $0x1000, $0x38;
	[tilespmem:$0x10800] =	vst v63  }
0x143: {  	s2 =	sadd.s32 @!p1 $0x100280, s1;
	s18 =	simm.s32 @!p1 $0x5000  }
0x144: {  	[tilespmem:s18], [sflag:$0x2] =	stream.linear.gather @!p1 [hbm4b:s2+s17], $0x1000, $0x38;
	[tilespmem:$0x10800] =	vst v63  }
.Ltmp8:
0x145: {  	_ = 	snop;
	(pc) =	sbr.rel .LBB2_10-.Ltmp8, $4  }
0x146: {  	s2 =	sadd.s32 @!p1 $0x1F4500, s1;
	s18 =	simm.s32 @!p1 $0x6000  }
0x147: {  	[tilespmem:s18], [sflag:$0x2] =	stream.linear.gather @!p1 [hbm4b:s2+s17], $0x1000, $0x38;
	[tilespmem:$0x10800] =	vst v63  }
0x148: {  	s1 =	sadd.s32 @!p1 $0x2E8780, s1;
	s2 =	simm.s32 @!p1 $0x7000  }
0x149: {  	[tilespmem:s2], [sflag:$0x2] =	stream.linear.gather @!p1 [hbm4b:s1+s17], $0x1000, $0x38;
	[tilespmem:$0x10800] =	vst v63  }
.LBB2_12:
0x14a: {  	_ =	sfence.sel $0x180000  }
0x14b: {  	[bflag:$0x0] =	sbarrier.arrive $0xFFFF  }
0x14c: {  	_ =	strace $0x90000047  }
0x14d: {  	s0 =	stileid.u32;
	[bflag:$0x2] =	sbarrier.arrive $0xFFFF  }
0x14e: {  	p0 =	sne.s32 s0, $0x0;
	s0 =	rddreg [dreg:$0x3]  }
0x14f: {  	s0 =	sadd.s32 @!p0 $0x100000, s0  }
0x150: {  	[sflag:s0] =	ssyncadd.tile.s32 @!p0 $0x1;
	_ =	shalt  }
.Lfunc_end2:
_tile_overlayer_lowered:
.L_overlay_start_2:
0x151: {  	(tag) =	ssettag $0x2  }
0x152: {  	s0 =	rddreg [dreg:$0x0];
	s2 =	stileid.u32  }
0x153: {  	s1 =	rddreg [dreg:$0x1];
	p0 =	sne.s32 s2, $0x0  }
0x154: {  	s3 =	rddreg [dreg:$0x2];
	[bflag:$0x3] =	sbarrier.arrive $0xFFFF;
	s2 =	simm.s32 @!p0 $0x1C05  }
0x155: {  	[timem:s3], [sflag:s2] =	dma.local @!p0 [hbm:s0], s1  }
0x156: {  	s0 =	simm.s32 @!p0 $0x5  }
0x157: {  	_ =	swait.ge @!p0 [sflag:s0], s1  }
0x158: {  	s1 =	ssub.s32 @!p0 $0x0, s1;
	[sflag:s0] =	ssyncset.done @!p0 $0x0  }
0x159: {  	[sflag:s0] =	ssyncadd.s32 @!p0 s1  }
0x15a: {  	[bflag:$0x3] =	sbarrier.arrive $0xFFFF  }
0x15b: {  	_ =	shalt  }

// kernel: kernel.7.cloned.1.call-start
scs
__scs_entry_jumppad:
0x0: {  	(pc) =	sbr.rel $0x88, $3  }
0x1: {  	(tag) =	ssettag $0x0;
	lr =	simm.s32 $0x1  }
0x2: {  	[smem:$0x3F9E] =	sst lr;
	_ =	strace $0xD0000000  }
0x3: {  	_ = 	snop  }
0x4: {  	_ = 	snop  }
0x5: {  	_ = 	snop  }
0x6: {  	_ = 	snop  }
0x7: {  	_ = 	snop  }
__scs_overlays_trampoline_lowered:
0x8: {  	[smem:$0x3FAD] =	sst s0  }
0x9: {  	[smem:$0x3FAE] =	sst s1  }
0xa: {  	[smem:$0x3FAF] =	sst s2  }
0xb: {  	[smem:$0x3FB0] =	sst s3  }
0xc: {  	[smem:$0x3FB1] =	sst s4  }
0xd: {  	[smem:$0x3FB2] =	sst s5  }
0xe: {  	[smem:$0x3FB3] =	sst s6  }
0xf: {  	[smem:$0x3FB4] =	sst s7  }
0x10: {  	[smem:$0x3FB5] =	sst s8  }
0x11: {  	[smem:$0x3FB6] =	sst s9;
	s0 =	simm.s32 @!p0 $0x0  }
0x12: {  	s1 =	sld [smem:$0x3F9C];
	s0 =	simm.s32 @p0 $0x1  }
0x13: {  	[smem:$0x3FB7] =	sst s0;
	s0 =	simm.s32 @!p1 $0x0  }
0x14: {  	s2 =	sld [smem:$0x3F9B];
	s0 =	simm.s32 @p1 $0x1  }
0x15: {  	[smem:$0x3FB8] =	sst s0;
	s0 =	simm.s32 @!p2 $0x0  }
0x16: {  	s3 =	sld [smem:$0x3FDB];
	s0 =	simm.s32 @p2 $0x1  }
0x17: {  	s4 =	simm.s32 $0x1BF5;
	[smem:$0x3FBA] =	sst s0  }
0x18: {  	s0 =	sld [smem:$0x3F9D];
	_ =	swait.ge [sflag:s4], $0x0  }
0x19: {  	s7 =	sld [smem:$0x3F9E]  }
0x1a: {  	s8 =	sadd.s32 $0xFFFFE003, lr  }
0x1b: {  	s9 =	sadd.s32 $0xFFFFFEF7, lr;
	s5 =	simm.s32 $0xFFFFFFFF;
	p2 =	slt.u32 s8, $0xFFFFF086  }
0x1c: {  	p1 =	slt.u32 s9, $0xF7A;
	s5 =	simm.s32 @!p2 $0x0  }
0x1d: {  	s5 =	simm.s32 @p1 $0x1;
	p0 =	seq.s32 s7, s2  }
0x1e: {  	s7 =	smul.u32 @!p0 $0xF7A, s2;
	p2 =	seq.s32 @!p0 s5, $0x0  }
0x1f: {  	s9 =	smul.u32 $0xF7A, s1;
	s8 =	simm.s32 @!p0 $0x1BF5;
	p2 =	por !p2, p0  }
0x20: {  	[sflag:s8] =	ssyncset.s32 @!p0 $0xFFFFF086;
	s6 =	sadd.s32 @!p0 s3, s7;
	s7 =	simm.s32 @!p0 $0x108  }
0x21: {  	s3 =	sadd.s32 s3, s9;
	s6 =	sadd.s32 @!p0 $0x88, s6;
	s7 =	simm.s32 @p2 $0x1082  }
0x22: {  	[simem:s7], [sflag:s8] =	dma.local @!p0 [hbm:s6], $0xF7A  }
0x23: {  	s9 =	sor.u32 $0xD0000000, s2;
	s6 =	simm.s32 $0x108;
	_ =	swait.ge @!p0 [sflag:s8], $0x0  }
0x24: {  	s3 =	sadd.s32 $0x88, s3;
	s6 =	simm.s32 @!p1 $0x1082;
	[sflag:s4] =	ssyncset.s32 $0xFFFFF086  }
0x25: {  	[simem:s6], [sflag:s4] =	dma.local [hbm:s3], $0xF7A  }
0x26: {  	[smem:$0x3F9E] =	sst s1;
	(tag) =	ssettag s2;
	_ =	strace s9  }
0x27: {  	s1 =	sld [smem:$0x3FAE]  }
0x28: {  	s2 =	sld [smem:$0x3FAF]  }
0x29: {  	s4 =	sld [smem:$0x3FB1]  }
0x2a: {  	p0 =	seq.s32 s5, $0x0;
	s5 =	sld [smem:$0x3FB2]  }
0x2b: {  	s6 =	sld [smem:$0x3FB3]  }
0x2c: {  	s7 =	sld [smem:$0x3FB4]  }
0x2d: {  	s3 =	simm.s32 $0x108;
	s8 =	sld [smem:$0x3FB5]  }
0x2e: {  	s3 =	simm.s32 @!p0 $0x1082;
	s9 =	sld [smem:$0x3FB6]  }
0x2f: {  	lr =	sadd.s32 s0, s3;
	s0 =	sld [smem:$0x3FAD]  }
0x30: {  	s3 =	sld [smem:$0x3FB0]  }
0x31: {  	[smem:$0x3FB9] =	sst s10  }
0x32: {  	s10 =	sld [smem:$0x3FB7];
	_ =	sdelay $0x3  }
0x33: {  	p0 =	seq.s32 s10, $0x1;
	s10 =	sld [smem:$0x3FB9];
	_ =	sdelay $0x3  }
0x34: {  	[smem:$0x3FB9] =	sst s10  }
0x35: {  	s10 =	sld [smem:$0x3FB8];
	_ =	sdelay $0x3  }
0x36: {  	p1 =	seq.s32 s10, $0x1;
	s10 =	sld [smem:$0x3FB9];
	_ =	sdelay $0x3  }
0x37: {  	[smem:$0x3FB9] =	sst s10  }
0x38: {  	s10 =	sld [smem:$0x3FBA]  }
0x39: {  	_ = 	snop;
	(pc) =	sbr.ind lr, $3  }
0x3a: {  	_ = 	snop  }
0x3b: {  	_ = 	snop  }
0x3c: {  	p2 =	seq.s32 s10, $0x1;
	s10 =	sld [smem:$0x3FB9]  }
0x3d: {  	_ =	shalt  }
0x3e: {  	_ =	shalt  }
0x3f: {  	_ =	shalt  }
0x40: {  	_ =	shalt  }
0x41: {  	_ =	shalt  }
0x42: {  	_ =	shalt  }
0x43: {  	_ =	shalt  }
0x44: {  	_ =	shalt  }
0x45: {  	_ =	shalt  }
0x46: {  	_ =	shalt  }
0x47: {  	_ =	shalt  }
0x48: {  	_ =	shalt  }
0x49: {  	_ =	shalt  }
0x4a: {  	_ =	shalt  }
0x4b: {  	_ =	shalt  }
0x4c: {  	_ =	shalt  }
0x4d: {  	_ =	shalt  }
0x4e: {  	_ =	shalt  }
0x4f: {  	_ =	shalt  }
0x50: {  	_ =	shalt  }
0x51: {  	_ =	shalt  }
0x52: {  	_ =	shalt  }
0x53: {  	_ =	shalt  }
0x54: {  	_ =	shalt  }
0x55: {  	_ =	shalt  }
0x56: {  	_ =	shalt  }
0x57: {  	_ =	shalt  }
0x58: {  	_ =	shalt  }
0x59: {  	_ =	shalt  }
0x5a: {  	_ =	shalt  }
0x5b: {  	_ =	shalt  }
0x5c: {  	_ =	shalt  }
0x5d: {  	_ =	shalt  }
0x5e: {  	_ =	shalt  }
0x5f: {  	_ =	shalt  }
0x60: {  	_ =	shalt  }
0x61: {  	_ =	shalt  }
0x62: {  	_ =	shalt  }
0x63: {  	_ =	shalt  }
0x64: {  	_ =	shalt  }
0x65: {  	_ =	shalt  }
0x66: {  	_ =	shalt  }
0x67: {  	_ =	shalt  }
0x68: {  	_ =	shalt  }
0x69: {  	_ =	shalt  }
0x6a: {  	_ =	shalt  }
0x6b: {  	_ =	shalt  }
0x6c: {  	_ =	shalt  }
0x6d: {  	_ =	shalt  }
0x6e: {  	_ =	shalt  }
0x6f: {  	_ =	shalt  }
0x70: {  	_ =	shalt  }
0x71: {  	_ =	shalt  }
0x72: {  	_ =	shalt  }
0x73: {  	_ =	shalt  }
0x74: {  	_ =	shalt  }
0x75: {  	_ =	shalt  }
0x76: {  	_ =	shalt  }
0x77: {  	_ =	shalt  }
0x78: {  	_ =	shalt  }
0x79: {  	_ =	shalt  }
0x7a: {  	_ =	shalt  }
0x7b: {  	_ =	shalt  }
0x7c: {  	_ =	shalt  }
0x7d: {  	_ =	shalt  }
0x7e: {  	_ =	shalt  }
0x7f: {  	_ =	shalt  }
0x80: {  	_ =	shalt  }
0x81: {  	_ =	shalt  }
0x82: {  	_ =	shalt  }
0x83: {  	_ =	shalt  }
0x84: {  	_ =	shalt  }
0x85: {  	_ =	shalt  }
0x86: {  	_ =	shalt  }
0x87: {  	_ =	shalt  }
.Lfunc_end0:
.L_simem_size_0:
called_computation.1_lowered:
.L_overlay_start_0:
0x88: {  	s2 =	sld [smem:$0x3FD9]  }
0x89: {  	s3 =	sld [smem:$0x3FFE];
	_ =	sdelay $0x1  }
0x8a: {  	s1 =	srdreg.scid  }
0x8b: {  	s0 =	sand.u32 $0x1, s1  }
0x8c: {  	s17 =	sshll.u32 s0, $0xA;
	s2 =	sadd.s32 s3, s2  }
0x8d: {  	s2 =	sadd.s32 s2, s17  }
0x8e: {  	[smem:$0x3FC5] =	sst s2  }
0x8f: {  	_ = 	snop  }
0x90: {  	s2 =	sld [smem:$0x3FD0];
	(tm) =	ssettm $0x1  }
0x91: {  	s18 =	sld [smem:$0x3FFB];
	_ =	sdelay $0x3  }
0x92: {  	_ =	strace s18  }
0x93: {  	s3 =	sld [smem:$0x3FFC];
	_ =	sdelay $0x3  }
0x94: {  	_ =	strace s3  }
0x95: {  	s3 =	sld [smem:$0x3FFD];
	_ =	sdelay $0x3  }
0x96: {  	_ =	strace s3  }
0x97: {  	_ =	strace $0x8FFFFFFF  }
0x98: {  	s19 =	sld [smem:$0x3FDB];
	_ =	sdelay $0x1  }
0x99: {  	s4 =	simm.s32 $_scs_section_size  }
0x9a: {  	s5 =	simm.s32 $_size__tile_overlayer_lowered;
	s6 =	simm.s32 $_tile_overlayer_lowered  }
0x9b: {  	s22 =	simm.s32 $0x1BFF;
	s21 =	sshll.u32 s6, $0x1;
	s3 =	sadd.s32 s4, s19  }
0x9c: {  	s7 =	simm.s32 $0x0;
	s20 =	sshll.u32 s5, $0x1;
	s5 =	sadd.s32 s21, s3  }
0x9d: {  	[timem:s7], [sflag:s22] =	dma.local [hbm:s5], s20  }
0x9e: {  	_ =	swait.ge [sflag:s22], s20  }
0x9f: {  	s4 =	ssub.s32 $0x0, s20;
	[sflag:s22] =	ssyncset.done $0x0  }
0xa0: {  	[sflag:s22] =	ssyncadd.s32 s4;
	_ =	sdelay $0x1  }
0xa1: {  	s23 =	simm.s32 $0x1B8B  }
0xa2: {  	_ =	swait.ge [sflag:s23], $0x1  }
0xa3: {  	[sflag:s23] =	ssyncset.done $0x0  }
0xa4: {  	s25 =	simm.s32 $0x1B8E;
	s24 =	sld [smem:$0x3FFE];
	[sflag:s23] =	ssyncadd.s32 $0xFFFFFFFF  }
0xa5: {  	s26 =	simm.s32 $execute0_lowered;
	[smem:$0x3FD2] =	sst s25  }
0xa6: {  	s5 =	sshll.u32 s26, $0x1;
	_ =	strace $0x80000049;
	[dreg:$0x1] =	wrdreg $0xFFFFFFFF  }
0xa7: {  	s28 =	simm.s32 $_size_execute0_lowered;
	s3 =	sadd.s32 s3, s5;
	[dreg:$0x0] =	wrdreg $0x0  }
0xa8: {  	s5 =	sshll.u32 s28, $0x1;
	[dreg:$0x2] =	wrdreg s3  }
0xa9: {  	[dreg:$0x3] =	wrdreg s5  }
0xaa: {  	[dreg:$0x4] =	wrdreg $0xC0  }
0xab: {  	_ =	task [dreg:s7], $0x5FFFF  }
0xac: {  	[dreg:$0x1] =	wrdreg $0xFFFFFFFF  }
0xad: {  	[dreg:$0x0] =	wrdreg $0x60  }
0xae: {  	[dreg:$0x2] =	wrdreg s24  }
0xaf: {  	[dreg:$0x3] =	wrdreg s2  }
0xb0: {  	[dreg:$0x4] =	wrdreg $0x9  }
0xb1: {  	_ =	task.clear_ibuf [dreg:s7], $0x5FFFF;
	_ =	strace $0x90000049  }
0xb2: {  	s29 =	simm.s32 $0x9;
	_ =	strace $0x8000004B  }
0xb3: {  	_ =	swait.ge [sflag:s29], $0x1  }
0xb4: {  	[sflag:s29] =	ssyncadd.s32 $0xFFFFFFFF  }
0xb5: {  	_ =	strace $0x9000004B  }
0xb6: {  	_ =	sfence  }
0xb7: {  	s30 =	sld [smem:$0x0];
	_ =	sdelay $0x2  }
0xb8: {  	s31 =	sshll.u32 s1, $0xD;
	s1 =	sshrl.u32 s1, $0x2  }
0xb9: {  	s3 =	sand.u32 $0x4000, s31;
	s1 =	sadd.s32 s1, s30  }
0xba: {  	s0 =	sor.u32 s3, s0;
	s1 =	sshll.u32 s1, $0x11  }
0xbb: {  	s0 =	sor.u32 s1, s0  }
0xbc: {  	s0 =	sadd.s32 $0x8F2B, s0  }
0xbd: {  	[sflag:s0] =	ssyncadd.remote.s32 $0x1  }
0xbe: {  	_ =	sfence.sel $0xFFFF  }
0xbf: {  	[dreg:$0x0] =	wrdreg $0xFFFFFFFF;
	(pc) =	sbr.abs _section_cstart, $3  }
0xc0: {  	[dreg:$0x1] =	wrdreg $0xFFFFFFFF  }
0xc1: {  	_ =	task.clear_ibuf [dreg:s7], $0x2FFFF;
	_ =	strace $0x9FFFFFFF  }
0xc2: {  	(tm) =	ssettm $0x7FFFFFFF  }
0xc3: {  	_ =	shalt  }
tec
execute0_lowered:
.L_overlay_start_1:
0x0: {  	(tag) =	ssettag $0x1  }
0x1: {  	v0 =	vimm.s32 $0x1380  }
0x2: {  	vm0 =	vcmask $0x300;
	v1 =	vimm.s32 $0x3380;
	vm1 =	vcmask $0x704  }
0x3: {  	s1 =	srdreg.scid;
	vm15 =	vcmask $0xB08;
	v0 =	vsel vm0, $0x0, v0;
	v1 =	vsel vm0, $0x2000, v1  }
0x4: {  	s0 =	stileid.u32;
	s10 =	rddreg [dreg:$0x0];
	vm4 =	vcmask $0xF0C;
	v0 =	vsel vm1, $0x80, v0;
	v1 =	vsel vm1, $0x2080, v1  }
0x5: {  	vm5 =	vcmask $0x1310;
	s3 =	simm.s32 $0x0;
	s11 =	simm.s32 $0x10400;
	s12 =	simm.s32 $0x5;
	v0 =	vsel vm15, $0x100, v0;
	v1 =	vsel vm15, $0x2100, v1  }
0x6: {  	vm6 =	vcmask $0x1714;
	s13 =	simm.s32 $0x200;
	s14 =	simm.s32 $0x400;
	s15 =	simm.s32 $0x4400;
	v0 =	vsel vm4, $0x180, v0;
	v1 =	vsel vm4, $0x2180, v1  }
0x7: {  	vm7 =	vcmask $0x1B18;
	s16 =	simm.s32 $0x1;
	s17 =	simm.s32 $0x8400;
	s18 =	simm.s32 $0x1000;
	v0 =	vsel vm5, $0x200, v0;
	v1 =	vsel vm5, $0x2200, v1  }
0x8: {  	vm8 =	vcmask $0x1F1C;
	s19 =	simm.s32 $0x8000;
	s20 =	simm.s32 $0x2;
	s21 =	simm.s32 $0xC400;
	v0 =	vsel vm6, $0x280, v0;
	v1 =	vsel vm6, $0x2280, v1  }
0x9: {  	vm9 =	vcmask $0x2320;
	s22 =	simm.s32 $0x3;
	s1 =	sand.u32 $0x1, s1;
	s2 =	sshll.u32 s0, $0x1;
	v0 =	vsel vm7, $0x300, v0;
	v1 =	vsel vm7, $0x2300, v1  }
0xa: {  	vm10 =	vcmask $0x2724;
	s23 =	simm.s32 $0x4;
	[smem:$0x7FF] =	sst s3;
	s7 =	sor.u32 s1, s2;
	v0 =	vsel vm8, $0x380, v0;
	v1 =	vsel vm8, $0x2380, v1  }
0xb: {  	vm11 =	vcmask $0x2B28;
	s24 =	simm.s32 $0x0;
	s2 =	rddreg [dreg:$0x1];
	s4 =	smul.u32 $0x6400, s7;
	v0 =	vsel vm9, $0x1000, v0;
	v1 =	vsel vm9, $0x3000, v1  }
0xc: {  	vm12 =	vcmask $0x2F2C;
	_ =	strace $0x8000004A;
	s1 =	ssub.s32 $0x2, s1;
	s5 =	sshll.u32 s7, $0xA;
	v0 =	vsel vm10, $0x1080, v0;
	v1 =	vsel vm10, $0x3080, v1  }
.Ltmp0:
0xd: {  	vm13 =	vcmask $0x3330;
	s5 =	sand.u32 $0xC00, s5;
	s4 =	sand.u32 $0xFF000, s4;
	v0 =	vsel vm11, $0x1100, v0;
	v1 =	vsel vm11, $0x3100, v1;
	(pc) =	sbr.rel .LBB2_1-.Ltmp0, $4  }
0xe: {  	vm14 =	vcmask $0x3734;
	s6 =	sshrl.u32 s1, $0x1;
	s7 =	smul.u32 $0x32, s7;
	s4 =	sor.u32 s5, s4;
	v0 =	vsel vm12, $0x1180, v0;
	v1 =	vsel vm12, $0x3180, v1  }
0xf: {  	vm15 =	vcmask $0x3B38;
	s1 =	ssub.s32 s1, s6;
	s5 =	sadd.s32 $0xC00, s10;
	s4 =	sshrl.u32 s4, $0x3;
	v0 =	vsel vm13, $0x1200, v0;
	v1 =	vsel vm13, $0x3200, v1  }
0x10: {  	s8 =	sadd.s32 s4, s10;
	s4 =	sadd.s32 $0x3D1600, s10;
	s10 =	sadd.s32 $0x3D1A80, s10;
	v0 =	vsel vm14, $0x1280, v0;
	v1 =	vsel vm14, $0x3280, v1  }
0x11: {  	s9 =	smax.u32 s1, $0x1;
	s6 =	sadd.s32 $0x3D1A00, s8;
	s8 =	sadd.s32 $0x3D1A40, s8;
	v0 =	vsel vm15, $0x1300, v0;
	v1 =	vsel vm15, $0x3300, v1  }
.LBB2_8:
0x12: {  	s24 =	sadd.s32 $0x1, s24  }
0x13: {  	_ =	swait.ge [sflag:s22], $0x4000;
	p0 =	sne.s32 s24, s9  }
.Ltmp1:
0x14: {  	[sflag:s22] =	ssyncset.done $0x0;
	(pc) =	sbr.rel @!p0 .LBB2_9-.Ltmp1, $4  }
0x15: {  	[sflag:s22] =	ssyncadd.s32 $0xFFFFC000  }
0x16: {  	_ =	swait.ge [sflag:s23], $0x4000  }
0x17: {  	[sflag:s23] =	ssyncset.done $0x0  }
0x18: {  	[sflag:s23] =	ssyncadd.s32 $0xFFFFC000  }
.LBB2_1:
0x19: {  	[tilespmem:s11], [sflag:$0x5] =	stream.linear.gather [hbm4b:s4+s3], $0x1900, $0x38;
	[tilespmem:$0x11D00] =	vst v63  }
0x1a: {  	_ =	swait.ge [sflag:s12], $0x1900  }
0x1b: {  	[sflag:s12] =	ssyncset.done $0x0  }
0x1c: {  	[sflag:s12] =	ssyncadd.s32 $0xFFFFE700  }
0x1d: {  	[tilespmem:s3], [sflag:$0x5] =	stream.linear.gather [hbm4b:s6+s3], $0x200, $0x38;
	[tilespmem:$0x11D00] =	vst v63  }
0x1e: {  	_ =	swait.ge [sflag:s12], $0x200  }
0x1f: {  	[sflag:s12] =	ssyncset.done $0x0  }
0x20: {  	[sflag:s12] =	ssyncadd.s32 $0xFFFFFE00  }
0x21: {  	[tilespmem:s14], [sflag:$0x1] =	stream.indirect.gather [hbm4b:s5+s13], $0x20, s3, s13, $0xb8;
	[tilespmem:$0x11D00] =	vst v63  }
0x22: {  	_ = 	snop  }
0x23: {  	[tilespmem:s13], [sflag:$0x5] =	stream.linear.gather [hbm4b:s8+s3], $0x200, $0x38;
	[tilespmem:$0x11D00] =	vst v63  }
0x24: {  	_ =	swait.ge [sflag:s12], $0x200  }
0x25: {  	[sflag:s12] =	ssyncset.done $0x0  }
0x26: {  	s25 =	simm.s32 $0x0;
	[sflag:s12] =	ssyncadd.s32 $0xFFFFFE00  }
0x27: {  	[tilespmem:s15], [sflag:$0x2] =	stream.indirect.gather [hbm4b:s5+s13], $0x20, s13, s13, $0xb8;
	[tilespmem:$0x11D00] =	vst v63  }
.LBB2_2:
0x28: {  	_ =	swait.ge [sflag:s16], $0x4000  }
0x29: {  	s26 =	sshll.u32 s25, $0x1;
	p0 =	seq.s32 s25, $0x0;
	[sflag:s16] =	ssyncset.done $0x0  }
0x2a: {  	s28 =	sadd.s32 s7, s26;
	s1 =	simm.s32 @!p0 $0x3;
	[sflag:s16] =	ssyncadd.s32 $0xFFFFC000  }
0x2b: {  	s29 =	sshrl.u32 s28, $0x3;
	_ =	swait.ge @!p0 [sflag:s1], $0x4000  }
0x2c: {  	s30 =	sshll.u32 s29, $0x5;
	[sflag:s1] =	ssyncset.done @!p0 $0x0  }
0x2d: {  	[sflag:s1] =	ssyncadd.s32 @!p0 $0xFFFFC000;
	s1 =	sand.u32 $0x3FFFFFE0, s30;
	s30 =	simm.s32 $0x0  }
0x2e: {  	s31 =	simm.s32 $0x0;
	v2 =	vld [tilespmem:s1+$0x10400];
	v4 =	vmov s30  }
0x2f: {  	v3 =	vld [tilespmem:s1+$0x10410];
	s30 =	simm.s32 $0x410;
	s1 =	sand.u32 $0xFFFFFC00, s31;
	s31 =	simm.s32 $0x1;
	v5 =	vand.u32 $0x78, v4  }
.LBB2_3:
0x30: {  	p1 =	sne.s32 s31, $0x1FF;
	v6 =	vld [tilespmem:s30+$0xFFFFFFF0];
	v4 =	vand.u32 $0x7, v4;
	v5 =	vor.u32 s1, v5  }
0x31: {  	v7 =	vld [tilespmem:s30+$0x0];
	v4 =	vor.u32 v4, v5  }
0x32: {  	v5 =	vor.u32 v0, v4  }
0x33: {  	v8 =	vor.u32 v1, v4  }
.Ltmp2:
0x34: {  	(pc) =	sbr.rel @p1 .LBB2_3-.Ltmp2, $4  }
0x35: {  	v6 =	vadd.f32 v6, v2  }
0x36: {  	v7 =	vadd.f32 v7, v3  }
0x37: {  	s1 =	sshll.u32 s31, $0x3;
	v4 =	vmov s31;
	[tilespmem:v5+s17+$0x0] =	vst.idx.msk $0xffff, v6  }
0x38: {  	s1 =	sand.u32 $0xFFFFFC00, s1;
	s30 =	sadd.s32 $0x20, s30;
	s31 =	sadd.s32 $0x1, s31;
	v5 =	vand.u32 $0x78, v4;
	[tilespmem:v8+s17+$0x0] =	vst.idx.msk $0xffff, v7  }
0x39: {  	v6 =	vld [tilespmem:s30+$0xFFFFFFF0];
	v4 =	vand.u32 $0x7, v4;
	v5 =	vor.u32 s1, v5  }
0x3a: {  	v7 =	vld [tilespmem:s30+$0x0];
	v4 =	vor.u32 v4, v5  }
0x3b: {  	v5 =	vor.u32 v0, v4  }
0x3c: {  	v4 =	vor.u32 v1, v4;
	_ =	sdelay $0x1  }
0x3d: {  	s31 =	sshll.u32 s28, $0x9;
	v2 =	vadd.f32 v6, v2  }
0x3e: {  	s1 =	sand.u32 $0xC00, s31;
	v3 =	vadd.f32 v7, v3  }
0x3f: {  	s29 =	sshll.u32 s29, $0xE;
	s1 =	sadd.s32 s2, s1;
	[tilespmem:v5+s17+$0x0] =	vst.idx.msk $0xffff, v2  }
0x40: {  	p1 =	seq.s32 s25, $0x18;
	s1 =	sadd.s32 s29, s1;
	[tilespmem:v4+s17+$0x0] =	vst.idx.msk $0xffff, v3  }
0x41: {  	[hbm4b:s1+s18] =	stream.strided.scatter [tilespmem:s17], [sflag:$0x3], $0x4000, s19, s18, $0x38;
	[tilespmem:$0x11D00] =	vst v63  }
0x42: {  	s1 =	sshll.u32 @!p1 s28, $0x6  }
0x43: {  	s28 =	simm.s32 @!p1 $0x0;
	s1 =	sadd.s32 @!p1 s10, s1  }
0x44: {  	[tilespmem:s28], [sflag:$0x5] =	stream.linear.gather @!p1 [hbm4b:s1+s28], $0x200, $0x38;
	[tilespmem:$0x11D00] =	vst v63  }
0x45: {  	s1 =	simm.s32 @!p1 $0x5  }
0x46: {  	_ =	swait.ge @!p1 [sflag:s1], $0x200  }
0x47: {  	[sflag:s1] =	ssyncset.done @!p1 $0x0  }
0x48: {  	s29 =	simm.s32 @!p1 $0x400;
	[sflag:s1] =	ssyncadd.s32 @!p1 $0xFFFFFE00;
	s1 =	simm.s32 @!p1 $0x200  }
0x49: {  	[tilespmem:s29], [sflag:$0x1] =	stream.indirect.gather @!p1 [hbm4b:s5+s1], $0x20, s28, s1, $0xb8;
	[tilespmem:$0x11D00] =	vst v63  }
0x4a: {  	_ =	swait.ge [sflag:s20], $0x4000  }
0x4b: {  	s26 =	sadd.s32 s26, s7;
	[sflag:s20] =	ssyncset.done $0x0  }
0x4c: {  	s26 =	sadd.s32 $0x1, s26;
	s1 =	simm.s32 @!p0 $0x4;
	[sflag:s20] =	ssyncadd.s32 $0xFFFFC000  }
0x4d: {  	s28 =	sshrl.u32 s26, $0x3;
	_ =	swait.ge @!p0 [sflag:s1], $0x4000  }
0x4e: {  	s29 =	sshll.u32 s28, $0x5;
	[sflag:s1] =	ssyncset.done @!p0 $0x0  }
0x4f: {  	s31 =	sand.u32 $0x3FFFFFE0, s29;
	s29 =	simm.s32 $0x0;
	[sflag:s1] =	ssyncadd.s32 @!p0 $0xFFFFC000  }
0x50: {  	s30 =	simm.s32 $0x0;
	v4 =	vmov s29;
	v2 =	vld [tilespmem:s31+$0x10400]  }
0x51: {  	s29 =	simm.s32 $0x4400;
	v5 =	vand.u32 $0x78, v4;
	s1 =	sand.u32 $0xFFFFFC00, s30;
	s30 =	simm.s32 $0x1;
	v3 =	vld [tilespmem:s31+$0x10410]  }
.LBB2_5:
0x52: {  	p0 =	sne.s32 s30, $0x1FF;
	v6 =	vld [tilespmem:s29+$0x0];
	v4 =	vand.u32 $0x7, v4;
	v5 =	vor.u32 s1, v5  }
0x53: {  	v7 =	vld [tilespmem:s29+$0x10];
	v4 =	vor.u32 v4, v5  }
0x54: {  	v5 =	vor.u32 v0, v4  }
0x55: {  	v8 =	vor.u32 v1, v4  }
.Ltmp3:
0x56: {  	(pc) =	sbr.rel @p0 .LBB2_5-.Ltmp3, $4  }
0x57: {  	v6 =	vadd.f32 v6, v2  }
0x58: {  	v7 =	vadd.f32 v7, v3  }
0x59: {  	s1 =	sshll.u32 s30, $0x3;
	v4 =	vmov s30;
	[tilespmem:v5+s21+$0x0] =	vst.idx.msk $0xffff, v6  }
0x5a: {  	s1 =	sand.u32 $0xFFFFFC00, s1;
	s29 =	sadd.s32 $0x20, s29;
	s30 =	sadd.s32 $0x1, s30;
	v5 =	vand.u32 $0x78, v4;
	[tilespmem:v8+s21+$0x0] =	vst.idx.msk $0xffff, v7  }
0x5b: {  	v6 =	vld [tilespmem:s29+$0x0];
	v4 =	vand.u32 $0x7, v4;
	v5 =	vor.u32 s1, v5  }
0x5c: {  	v7 =	vld [tilespmem:s29+$0x10];
	v4 =	vor.u32 v4, v5  }
0x5d: {  	v5 =	vor.u32 v0, v4  }
0x5e: {  	v4 =	vor.u32 v1, v4;
	_ =	sdelay $0x1  }
.Ltmp4:
0x5f: {  	s31 =	sshll.u32 s26, $0x9;
	v2 =	vadd.f32 v6, v2;
	(pc) =	sbr.rel @p1 .LBB2_8-.Ltmp4, $4  }
0x60: {  	s1 =	sand.u32 $0xE00, s31;
	v3 =	vadd.f32 v7, v3  }
0x61: {  	s28 =	sshll.u32 s28, $0xE;
	s1 =	sadd.s32 s2, s1;
	[tilespmem:v5+s21+$0x0] =	vst.idx.msk $0xffff, v2  }
0x62: {  	s1 =	sadd.s32 s28, s1;
	[tilespmem:v4+s21+$0x0] =	vst.idx.msk $0xffff, v3  }
0x63: {  	[hbm4b:s1+s18] =	stream.strided.scatter [tilespmem:s21], [sflag:$0x4], $0x4000, s19, s18, $0x38;
	[tilespmem:$0x11D00] =	vst v63  }
0x64: {  	s1 =	sshll.u32 s26, $0x6  }
0x65: {  	s1 =	sadd.s32 s10, s1  }
0x66: {  	[tilespmem:s13], [sflag:$0x5] =	stream.linear.gather [hbm4b:s1+s3], $0x200, $0x38;
	[tilespmem:$0x11D00] =	vst v63  }
.Ltmp5:
0x67: {  	_ = 	snop;
	(pc) =	sbr.rel .LBB2_2-.Ltmp5, $4  }
0x68: {  	_ =	swait.ge [sflag:s12], $0x200  }
0x69: {  	[sflag:s12] =	ssyncset.done $0x0  }
0x6a: {  	s25 =	sadd.s32 $0x1, s25;
	[sflag:s12] =	ssyncadd.s32 $0xFFFFFE00  }
0x6b: {  	[tilespmem:s15], [sflag:$0x2] =	stream.indirect.gather [hbm4b:s5+s13], $0x20, s13, s13, $0xb8;
	[tilespmem:$0x11D00] =	vst v63  }
.LBB2_9:
0x6c: {  	_ =	sfence.sel $0x180000  }
0x6d: {  	[bflag:$0x0] =	sbarrier.arrive $0xFFFF  }
0x6e: {  	_ =	strace $0x9000004A  }
0x6f: {  	[bflag:$0x2] =	sbarrier.arrive $0xFFFF  }
0x70: {  	p0 =	sne.s32 s0, $0x0;
	s0 =	rddreg [dreg:$0x2]  }
0x71: {  	s0 =	sadd.s32 @!p0 $0x100000, s0  }
0x72: {  	[sflag:s0] =	ssyncadd.tile.s32 @!p0 $0x1;
	_ =	shalt  }
.Lfunc_end2:
_tile_overlayer_lowered:
.L_overlay_start_2:
0x73: {  	(tag) =	ssettag $0x2  }
0x74: {  	s0 =	rddreg [dreg:$0x0];
	s2 =	stileid.u32  }
0x75: {  	s1 =	rddreg [dreg:$0x1];
	p0 =	sne.s32 s2, $0x0  }
0x76: {  	s3 =	rddreg [dreg:$0x2];
	[bflag:$0x3] =	sbarrier.arrive $0xFFFF;
	s2 =	simm.s32 @!p0 $0x1C05  }
0x77: {  	[timem:s3], [sflag:s2] =	dma.local @!p0 [hbm:s0], s1  }
0x78: {  	s0 =	simm.s32 @!p0 $0x5  }
0x79: {  	_ =	swait.ge @!p0 [sflag:s0], s1  }
0x7a: {  	s1 =	ssub.s32 @!p0 $0x0, s1;
	[sflag:s0] =	ssyncset.done @!p0 $0x0  }
0x7b: {  	[sflag:s0] =	ssyncadd.s32 @!p0 s1  }
0x7c: {  	[bflag:$0x3] =	sbarrier.arrive $0xFFFF  }
0x7d: {  	_ =	shalt  }

</sc_bundles>
